<compile_context>
chip_gen: v7x
topology: tpu7x:2x2x1
jax: 0.10.2.dev20260603
libtpu: 0.0.44.dev20260713+nightly
codegen_flags: <defaults>
</compile_context>

<pallas_src>
import jax
import jax.numpy as jnp
from jax import lax
from jax.experimental import pallas as pl
from jax.experimental.pallas import tpu as pltpu
from jax.experimental.pallas import tpu_sc as plsc

B = 4096
D = 4096
L = 16

NUM_CORES = 2
NUM_SUBCORES = 16
NW = NUM_CORES * NUM_SUBCORES
ROWS_PER_W = B // NW
CHUNK = 1
NCHUNKS = ROWS_PER_W // CHUNK
VECS_PER_ROW = D // L
UNROLL = 8
NBUF = 8
LOOKAHEAD = NBUF - 3


def _body(x_hbm, t_hbm, emb_hbm, rows_hbm, out_hbm, idx_v, rows_v, *rest):
    x_bufs = rest[0:NBUF]
    e_bufs = rest[NBUF:2 * NBUF]
    sem_x = rest[2 * NBUF:3 * NBUF]
    sem_e = rest[3 * NBUF:4 * NBUF]
    sem_o = rest[4 * NBUF:5 * NBUF]

    wid = lax.axis_index("s") * NUM_CORES + lax.axis_index("c")
    base = wid * ROWS_PER_W

    pltpu.sync_copy(t_hbm.at[pl.ds(base, ROWS_PER_W)], idx_v)
    pltpu.sync_copy(rows_hbm.at[pl.ds(base, ROWS_PER_W)], rows_v)

    def load(c, b):
        row0 = base + c * CHUNK
        pltpu.async_copy(x_hbm.at[pl.ds(row0, CHUNK)], x_bufs[b], sem_x[b])
        pltpu.async_copy(emb_hbm.at[idx_v.at[c]], e_bufs[b], sem_e[b])

    def wait_load(c, b):
        row0 = base + c * CHUNK
        pltpu.make_async_copy(
            x_hbm.at[pl.ds(row0, CHUNK)], x_bufs[b], sem_x[b]).wait()
        pltpu.make_async_copy(
            emb_hbm.at[idx_v.at[c]], e_bufs[b], sem_e[b]).wait()

    def store(c, b):
        row0 = base + c * CHUNK
        if b % 2 == 0:
            pltpu.async_copy(x_bufs[b], out_hbm.at[pl.ds(row0, CHUNK)], sem_o[b])
        else:
            pltpu.async_copy(x_bufs[b], out_hbm.at[rows_v.at[c]], sem_o[b])

    def wait_store(c, b):
        row0 = base + c * CHUNK
        if b % 2 == 0:
            pltpu.make_async_copy(
                x_bufs[b], out_hbm.at[pl.ds(row0, CHUNK)], sem_o[b]).wait()
        else:
            pltpu.make_async_copy(
                x_bufs[b], out_hbm.at[rows_v.at[c]], sem_o[b]).wait()

    def accumulate(b):
        for r in range(CHUNK):
            def add_body(j, _, r=r, b=b):
                for u in range(UNROLL):
                    off = j * (UNROLL * L) + u * L
                    v = e_bufs[b][r, pl.ds(off, L)]
                    plsc.addupdate(x_bufs[b].at[r, pl.ds(off, L)], v)
                return 0

            lax.fori_loop(0, VECS_PER_ROW // UNROLL, add_body, 0)

    for p in range(LOOKAHEAD):
        load(p, p)

    def group_step(g, carry):
        for b in range(NBUF):
            cc = g * NBUF + b
            wait_load(cc, b)

            slot = (b + LOOKAHEAD) % NBUF
            prev = cc + LOOKAHEAD - NBUF
            @pl.when(prev >= 0)
            def _():
                wait_store(prev, slot)

            @pl.when(cc + LOOKAHEAD < NCHUNKS)
            def _():
                load(cc + LOOKAHEAD, slot)

            accumulate(b)
            store(cc, b)
        return carry

    lax.fori_loop(0, NCHUNKS // NBUF, group_step, 0)
    for c in range(NCHUNKS - (NBUF - LOOKAHEAD), NCHUNKS):
        wait_store(c, c % NBUF)


def kernel(x, t, time_embeddings):
    t_grid = t
    mesh = plsc.VectorSubcoreMesh(core_axis_name="c", subcore_axis_name="s")
    run = pl.kernel(
        _body,
        mesh=mesh,
        out_type=jax.ShapeDtypeStruct((B, D), jnp.float32),
        scratch_types=(
            [pltpu.VMEM((ROWS_PER_W, 1), jnp.int32),
             pltpu.VMEM((ROWS_PER_W, 1), jnp.int32)]
            + [pltpu.VMEM((CHUNK, D), jnp.float32)] * (2 * NBUF)
            + [pltpu.SemaphoreType.DMA] * (3 * NBUF)
        ),
    )
    row_ids = jnp.arange(B, dtype=jnp.int32).reshape(B, 1)
    return run(x, t_grid, time_embeddings, row_ids)

# --- scband reference (transcript-rebuilt; emitter-appended) ---
"""Pipeline reference for scband-sinusoidal-time-encoder-10857677324678 (READ-ONLY COPY).

The authoritative reference and input builder live on the scoring server;
editing this copy changes nothing except your own understanding.
"""

import jax, jax.numpy as jnp
import numpy as np

TIME_STEPS = 1000
MODEL_DIM = 4 * 32 * 32  # prod(input_shape) = 4096
BATCH = 4096


def _build_time_embeddings(time_steps, model_dim):
    constants = jnp.exp(-jnp.arange(0, model_dim, 2, dtype=jnp.float32) * (jnp.log(jnp.float32(10000.0)) / model_dim))
    t = jnp.arange(0, time_steps, dtype=jnp.float32)[:, None]
    ang = t * constants[None, :]
    emb = jnp.zeros((time_steps, model_dim), dtype=jnp.float32)
    emb = emb.at[:, ::2].set(jnp.sin(ang))
    emb = emb.at[:, 1::2].set(jnp.cos(ang))
    return emb


def setup_inputs(seed: int = 0) -> dict:
    key = jax.random.key(seed)
    k1, k2 = jax.random.split(key)
    x = jax.random.normal(k1, (BATCH, MODEL_DIM), dtype=jnp.float32)
    t = jax.random.randint(k2, (BATCH, 1), 0, TIME_STEPS, dtype=jnp.int64) if jax.config.jax_enable_x64 else jax.random.randint(k2, (BATCH, 1), 0, TIME_STEPS, dtype=jnp.int32)
    time_embeddings = _build_time_embeddings(TIME_STEPS, MODEL_DIM)
    return {"x": x, "t": t, "time_embeddings": time_embeddings}


def reference(x, t, time_embeddings):
    # time_embeddings[t] -> [B, 1, model_dim]; squeeze -> [B, model_dim]
    gathered = jnp.take(time_embeddings, t, axis=0)  # [B, 1, D]
    return x + jnp.squeeze(gathered)

if __name__ == "__main__":
    import jax
    _d = setup_inputs()
    print(jax.jit(kernel)(*tuple(_d.values())))

</pallas_src>

<mosaic_0001>
#map = affine_map<(d0, d1) -> (0, 0)>
module attributes {stable_mosaic.version = 14 : i64} {
  func.func @_body(%arg0: i32, %arg1: i32, %arg2: memref<4096x4096xf32, #tpu.memory_space<hbm>>, %arg3: memref<4096x1xi32, #tpu.memory_space<hbm>>, %arg4: memref<1000x4096xf32, #tpu.memory_space<hbm>>, %arg5: memref<4096x1xi32, #tpu.memory_space<hbm>>, %arg6: memref<4096x4096xf32, #tpu.memory_space<hbm>>, %arg7: memref<128x1xi32, #tpu.memory_space<vmem>>, %arg8: memref<128x1xi32, #tpu.memory_space<vmem>>, %arg9: memref<1x4096xf32, #tpu.memory_space<vmem>>, %arg10: memref<1x4096xf32, #tpu.memory_space<vmem>>, %arg11: memref<1x4096xf32, #tpu.memory_space<vmem>>, %arg12: memref<1x4096xf32, #tpu.memory_space<vmem>>, %arg13: memref<1x4096xf32, #tpu.memory_space<vmem>>, %arg14: memref<1x4096xf32, #tpu.memory_space<vmem>>, %arg15: memref<1x4096xf32, #tpu.memory_space<vmem>>, %arg16: memref<1x4096xf32, #tpu.memory_space<vmem>>, %arg17: memref<1x4096xf32, #tpu.memory_space<vmem>>, %arg18: memref<1x4096xf32, #tpu.memory_space<vmem>>, %arg19: memref<1x4096xf32, #tpu.memory_space<vmem>>, %arg20: memref<1x4096xf32, #tpu.memory_space<vmem>>, %arg21: memref<1x4096xf32, #tpu.memory_space<vmem>>, %arg22: memref<1x4096xf32, #tpu.memory_space<vmem>>, %arg23: memref<1x4096xf32, #tpu.memory_space<vmem>>, %arg24: memref<1x4096xf32, #tpu.memory_space<vmem>>, %arg25: memref<!tpu.dma_semaphore, #tpu.memory_space<semaphore_mem>>, %arg26: memref<!tpu.dma_semaphore, #tpu.memory_space<semaphore_mem>>, %arg27: memref<!tpu.dma_semaphore, #tpu.memory_space<semaphore_mem>>, %arg28: memref<!tpu.dma_semaphore, #tpu.memory_space<semaphore_mem>>, %arg29: memref<!tpu.dma_semaphore, #tpu.memory_space<semaphore_mem>>, %arg30: memref<!tpu.dma_semaphore, #tpu.memory_space<semaphore_mem>>, %arg31: memref<!tpu.dma_semaphore, #tpu.memory_space<semaphore_mem>>, %arg32: memref<!tpu.dma_semaphore, #tpu.memory_space<semaphore_mem>>, %arg33: memref<!tpu.dma_semaphore, #tpu.memory_space<semaphore_mem>>, %arg34: memref<!tpu.dma_semaphore, #tpu.memory_space<semaphore_mem>>, %arg35: memref<!tpu.dma_semaphore, #tpu.memory_space<semaphore_mem>>, %arg36: memref<!tpu.dma_semaphore, #tpu.memory_space<semaphore_mem>>, %arg37: memref<!tpu.dma_semaphore, #tpu.memory_space<semaphore_mem>>, %arg38: memref<!tpu.dma_semaphore, #tpu.memory_space<semaphore_mem>>, %arg39: memref<!tpu.dma_semaphore, #tpu.memory_space<semaphore_mem>>, %arg40: memref<!tpu.dma_semaphore, #tpu.memory_space<semaphore_mem>>, %arg41: memref<!tpu.dma_semaphore, #tpu.memory_space<semaphore_mem>>, %arg42: memref<!tpu.dma_semaphore, #tpu.memory_space<semaphore_mem>>, %arg43: memref<!tpu.dma_semaphore, #tpu.memory_space<semaphore_mem>>, %arg44: memref<!tpu.dma_semaphore, #tpu.memory_space<semaphore_mem>>, %arg45: memref<!tpu.dma_semaphore, #tpu.memory_space<semaphore_mem>>, %arg46: memref<!tpu.dma_semaphore, #tpu.memory_space<semaphore_mem>>, %arg47: memref<!tpu.dma_semaphore, #tpu.memory_space<semaphore_mem>>, %arg48: memref<!tpu.dma_semaphore, #tpu.memory_space<semaphore_mem>>) attributes {dimension_semantics = [#tpu.dimension_semantics<core_parallel>, #tpu.dimension_semantics<subcore_parallel>], iteration_bounds = array<i64: 2, 16>, scalar_prefetch = 0 : i64, scratch_operands = 42 : i64, tpu.core_type = #tpu.core_type<sc_vector_subcore>, window_params = [{transform_indices = #map}, {transform_indices = #map}, {transform_indices = #map}, {transform_indices = #map}, {transform_indices = #map}]} {
    %mul3A = arith.constant 2 : i32
    %mul3A_0 = arith.muli %arg1, %mul3A : i32
    %add3A = arith.addi %mul3A_0, %arg0 : i32
    %mul3A_1 = arith.constant 128 : i32
    %mul3A_2 = arith.muli %add3A, %mul3A_1 : i32
    "tpu.region"() ({
      %run_scoped3A = tpu.sem_alloc : memref<!tpu.dma_semaphore, #tpu.memory_space<semaphore_mem>>
      %dma_start3A_95 = arith.constant 0 : i32
      %dma_start3A_96 = tpu.memref_slice %arg3[%mul3A_2, %dma_start3A_95] : memref<4096x1xi32, #tpu.memory_space<hbm>> -> memref<128x1xi32, #tpu.memory_space<hbm>>
      %dma_start3A_97 = arith.constant 0 : i32
      %dma_start3A_98 = tpu.memref_slice %arg3[%mul3A_2, %dma_start3A_97] : memref<4096x1xi32, #tpu.memory_space<hbm>> -> memref<128x1xi32, #tpu.memory_space<hbm>>
      tpu.enqueue_dma source(%dma_start3A_98 : memref<128x1xi32, #tpu.memory_space<hbm>>) target(%arg7 : memref<128x1xi32, #tpu.memory_space<vmem>>) target_semaphore(%run_scoped3A : memref<!tpu.dma_semaphore, #tpu.memory_space<semaphore_mem>>)
      %dma_wait3A_99 = arith.constant 0 : i32
      %dma_wait3A_100 = tpu.memref_slice %arg3[%mul3A_2, %dma_wait3A_99] : memref<4096x1xi32, #tpu.memory_space<hbm>> -> memref<128x1xi32, #tpu.memory_space<hbm>>
      %dma_wait3A_101 = arith.constant 0 : i32
      %dma_wait3A_102 = tpu.memref_slice %arg3[%mul3A_2, %dma_wait3A_101] : memref<4096x1xi32, #tpu.memory_space<hbm>> -> memref<128x1xi32, #tpu.memory_space<hbm>>
      tpu.wait_dma2 semaphore(%run_scoped3A : memref<!tpu.dma_semaphore, #tpu.memory_space<semaphore_mem>>) src(%dma_wait3A_102 : memref<128x1xi32, #tpu.memory_space<hbm>>) dst(%arg7 : memref<128x1xi32, #tpu.memory_space<vmem>>)
      tpu.yield
    }) : () -> ()
    "tpu.region"() ({
      %run_scoped3A = tpu.sem_alloc : memref<!tpu.dma_semaphore, #tpu.memory_space<semaphore_mem>>
      %dma_start3A_95 = arith.constant 0 : i32
      %dma_start3A_96 = tpu.memref_slice %arg5[%mul3A_2, %dma_start3A_95] : memref<4096x1xi32, #tpu.memory_space<hbm>> -> memref<128x1xi32, #tpu.memory_space<hbm>>
      %dma_start3A_97 = arith.constant 0 : i32
      %dma_start3A_98 = tpu.memref_slice %arg5[%mul3A_2, %dma_start3A_97] : memref<4096x1xi32, #tpu.memory_space<hbm>> -> memref<128x1xi32, #tpu.memory_space<hbm>>
      tpu.enqueue_dma source(%dma_start3A_98 : memref<128x1xi32, #tpu.memory_space<hbm>>) target(%arg8 : memref<128x1xi32, #tpu.memory_space<vmem>>) target_semaphore(%run_scoped3A : memref<!tpu.dma_semaphore, #tpu.memory_space<semaphore_mem>>)
      %dma_wait3A_99 = arith.constant 0 : i32
      %dma_wait3A_100 = tpu.memref_slice %arg5[%mul3A_2, %dma_wait3A_99] : memref<4096x1xi32, #tpu.memory_space<hbm>> -> memref<128x1xi32, #tpu.memory_space<hbm>>
      %dma_wait3A_101 = arith.constant 0 : i32
      %dma_wait3A_102 = tpu.memref_slice %arg5[%mul3A_2, %dma_wait3A_101] : memref<4096x1xi32, #tpu.memory_space<hbm>> -> memref<128x1xi32, #tpu.memory_space<hbm>>
      tpu.wait_dma2 semaphore(%run_scoped3A : memref<!tpu.dma_semaphore, #tpu.memory_space<semaphore_mem>>) src(%dma_wait3A_102 : memref<128x1xi32, #tpu.memory_space<hbm>>) dst(%arg8 : memref<128x1xi32, #tpu.memory_space<vmem>>)
      tpu.yield
    }) : () -> ()
    %add3A_3 = arith.constant 0 : i32
    %add3A_4 = arith.addi %mul3A_2, %add3A_3 : i32
    %dma_start3A = arith.constant 0 : i32
    %dma_start3A_5 = tpu.memref_slice %arg2[%add3A_4, %dma_start3A] : memref<4096x4096xf32, #tpu.memory_space<hbm>> -> memref<1x4096xf32, #tpu.memory_space<hbm>>
    %dma_start3A_6 = arith.constant 0 : i32
    %dma_start3A_7 = tpu.memref_slice %arg2[%add3A_4, %dma_start3A_6] : memref<4096x4096xf32, #tpu.memory_space<hbm>> -> memref<1x4096xf32, #tpu.memory_space<hbm>>
    tpu.enqueue_dma source(%dma_start3A_7 : memref<1x4096xf32, #tpu.memory_space<hbm>>) target(%arg9 : memref<1x4096xf32, #tpu.memory_space<vmem>>) target_semaphore(%arg25 : memref<!tpu.dma_semaphore, #tpu.memory_space<semaphore_mem>>)
    %dma_start3A_8 = arith.constant 0 : i32
    %dma_start3A_9 = arith.constant 0 : i32
    %dma_start3A_10 = tpu.memref_slice %arg7[%dma_start3A_8, %dma_start3A_9] : memref<128x1xi32, #tpu.memory_space<vmem>> -> memref<1x1xi32, #tpu.memory_space<vmem>>
    %dma_start3A_11 = tpu.memref_squeeze %dma_start3A_10 : memref<1x1xi32, #tpu.memory_space<vmem>> -> memref<1xi32, #tpu.memory_space<vmem>>
    %dma_start3A_12 = arith.constant 0 : i32
    %dma_start3A_13 = arith.constant 0 : i32
    %dma_start3A_14 = tpu.memref_slice %arg4[%dma_start3A_12, %dma_start3A_13] : memref<1000x4096xf32, #tpu.memory_space<hbm>> -> memref<1000x4096xf32, #tpu.memory_space<hbm>>
    tpu.enqueue_indirect_dma source(%dma_start3A_14 : memref<1000x4096xf32, #tpu.memory_space<hbm>>) target(%arg17 : memref<1x4096xf32, #tpu.memory_space<vmem>>) offsets(%dma_start3A_11 : memref<1xi32, #tpu.memory_space<vmem>>) semaphore(%arg33 : memref<!tpu.dma_semaphore, #tpu.memory_space<semaphore_mem>>)
    %add3A_15 = arith.constant 1 : i32
    %add3A_16 = arith.addi %mul3A_2, %add3A_15 : i32
    %dma_start3A_17 = arith.constant 0 : i32
    %dma_start3A_18 = tpu.memref_slice %arg2[%add3A_16, %dma_start3A_17] : memref<4096x4096xf32, #tpu.memory_space<hbm>> -> memref<1x4096xf32, #tpu.memory_space<hbm>>
    %dma_start3A_19 = arith.constant 0 : i32
    %dma_start3A_20 = tpu.memref_slice %arg2[%add3A_16, %dma_start3A_19] : memref<4096x4096xf32, #tpu.memory_space<hbm>> -> memref<1x4096xf32, #tpu.memory_space<hbm>>
    tpu.enqueue_dma source(%dma_start3A_20 : memref<1x4096xf32, #tpu.memory_space<hbm>>) target(%arg10 : memref<1x4096xf32, #tpu.memory_space<vmem>>) target_semaphore(%arg26 : memref<!tpu.dma_semaphore, #tpu.memory_space<semaphore_mem>>)
    %dma_start3A_21 = arith.constant 1 : i32
    %dma_start3A_22 = arith.constant 0 : i32
    %dma_start3A_23 = tpu.memref_slice %arg7[%dma_start3A_21, %dma_start3A_22] : memref<128x1xi32, #tpu.memory_space<vmem>> -> memref<1x1xi32, #tpu.memory_space<vmem>>
    %dma_start3A_24 = tpu.memref_squeeze %dma_start3A_23 : memref<1x1xi32, #tpu.memory_space<vmem>> -> memref<1xi32, #tpu.memory_space<vmem>>
    %dma_start3A_25 = arith.constant 0 : i32
    %dma_start3A_26 = arith.constant 0 : i32
    %dma_start3A_27 = tpu.memref_slice %arg4[%dma_start3A_25, %dma_start3A_26] : memref<1000x4096xf32, #tpu.memory_space<hbm>> -> memref<1000x4096xf32, #tpu.memory_space<hbm>>
    tpu.enqueue_indirect_dma source(%dma_start3A_27 : memref<1000x4096xf32, #tpu.memory_space<hbm>>) target(%arg18 : memref<1x4096xf32, #tpu.memory_space<vmem>>) offsets(%dma_start3A_24 : memref<1xi32, #tpu.memory_space<vmem>>) semaphore(%arg34 : memref<!tpu.dma_semaphore, #tpu.memory_space<semaphore_mem>>)
    %add3A_28 = arith.constant 2 : i32
    %add3A_29 = arith.addi %mul3A_2, %add3A_28 : i32
    %dma_start3A_30 = arith.constant 0 : i32
    %dma_start3A_31 = tpu.memref_slice %arg2[%add3A_29, %dma_start3A_30] : memref<4096x4096xf32, #tpu.memory_space<hbm>> -> memref<1x4096xf32, #tpu.memory_space<hbm>>
    %dma_start3A_32 = arith.constant 0 : i32
    %dma_start3A_33 = tpu.memref_slice %arg2[%add3A_29, %dma_start3A_32] : memref<4096x4096xf32, #tpu.memory_space<hbm>> -> memref<1x4096xf32, #tpu.memory_space<hbm>>
    tpu.enqueue_dma source(%dma_start3A_33 : memref<1x4096xf32, #tpu.memory_space<hbm>>) target(%arg11 : memref<1x4096xf32, #tpu.memory_space<vmem>>) target_semaphore(%arg27 : memref<!tpu.dma_semaphore, #tpu.memory_space<semaphore_mem>>)
    %dma_start3A_34 = arith.constant 2 : i32
    %dma_start3A_35 = arith.constant 0 : i32
    %dma_start3A_36 = tpu.memref_slice %arg7[%dma_start3A_34, %dma_start3A_35] : memref<128x1xi32, #tpu.memory_space<vmem>> -> memref<1x1xi32, #tpu.memory_space<vmem>>
    %dma_start3A_37 = tpu.memref_squeeze %dma_start3A_36 : memref<1x1xi32, #tpu.memory_space<vmem>> -> memref<1xi32, #tpu.memory_space<vmem>>
    %dma_start3A_38 = arith.constant 0 : i32
    %dma_start3A_39 = arith.constant 0 : i32
    %dma_start3A_40 = tpu.memref_slice %arg4[%dma_start3A_38, %dma_start3A_39] : memref<1000x4096xf32, #tpu.memory_space<hbm>> -> memref<1000x4096xf32, #tpu.memory_space<hbm>>
    tpu.enqueue_indirect_dma source(%dma_start3A_40 : memref<1000x4096xf32, #tpu.memory_space<hbm>>) target(%arg19 : memref<1x4096xf32, #tpu.memory_space<vmem>>) offsets(%dma_start3A_37 : memref<1xi32, #tpu.memory_space<vmem>>) semaphore(%arg35 : memref<!tpu.dma_semaphore, #tpu.memory_space<semaphore_mem>>)
    %add3A_41 = arith.constant 3 : i32
    %add3A_42 = arith.addi %mul3A_2, %add3A_41 : i32
    %dma_start3A_43 = arith.constant 0 : i32
    %dma_start3A_44 = tpu.memref_slice %arg2[%add3A_42, %dma_start3A_43] : memref<4096x4096xf32, #tpu.memory_space<hbm>> -> memref<1x4096xf32, #tpu.memory_space<hbm>>
    %dma_start3A_45 = arith.constant 0 : i32
    %dma_start3A_46 = tpu.memref_slice %arg2[%add3A_42, %dma_start3A_45] : memref<4096x4096xf32, #tpu.memory_space<hbm>> -> memref<1x4096xf32, #tpu.memory_space<hbm>>
    tpu.enqueue_dma source(%dma_start3A_46 : memref<1x4096xf32, #tpu.memory_space<hbm>>) target(%arg12 : memref<1x4096xf32, #tpu.memory_space<vmem>>) target_semaphore(%arg28 : memref<!tpu.dma_semaphore, #tpu.memory_space<semaphore_mem>>)
    %dma_start3A_47 = arith.constant 3 : i32
    %dma_start3A_48 = arith.constant 0 : i32
    %dma_start3A_49 = tpu.memref_slice %arg7[%dma_start3A_47, %dma_start3A_48] : memref<128x1xi32, #tpu.memory_space<vmem>> -> memref<1x1xi32, #tpu.memory_space<vmem>>
    %dma_start3A_50 = tpu.memref_squeeze %dma_start3A_49 : memref<1x1xi32, #tpu.memory_space<vmem>> -> memref<1xi32, #tpu.memory_space<vmem>>
    %dma_start3A_51 = arith.constant 0 : i32
    %dma_start3A_52 = arith.constant 0 : i32
    %dma_start3A_53 = tpu.memref_slice %arg4[%dma_start3A_51, %dma_start3A_52] : memref<1000x4096xf32, #tpu.memory_space<hbm>> -> memref<1000x4096xf32, #tpu.memory_space<hbm>>
    tpu.enqueue_indirect_dma source(%dma_start3A_53 : memref<1000x4096xf32, #tpu.memory_space<hbm>>) target(%arg20 : memref<1x4096xf32, #tpu.memory_space<vmem>>) offsets(%dma_start3A_50 : memref<1xi32, #tpu.memory_space<vmem>>) semaphore(%arg36 : memref<!tpu.dma_semaphore, #tpu.memory_space<semaphore_mem>>)
    %add3A_54 = arith.constant 4 : i32
    %add3A_55 = arith.addi %mul3A_2, %add3A_54 : i32
    %dma_start3A_56 = arith.constant 0 : i32
    %dma_start3A_57 = tpu.memref_slice %arg2[%add3A_55, %dma_start3A_56] : memref<4096x4096xf32, #tpu.memory_space<hbm>> -> memref<1x4096xf32, #tpu.memory_space<hbm>>
    %dma_start3A_58 = arith.constant 0 : i32
    %dma_start3A_59 = tpu.memref_slice %arg2[%add3A_55, %dma_start3A_58] : memref<4096x4096xf32, #tpu.memory_space<hbm>> -> memref<1x4096xf32, #tpu.memory_space<hbm>>
    tpu.enqueue_dma source(%dma_start3A_59 : memref<1x4096xf32, #tpu.memory_space<hbm>>) target(%arg13 : memref<1x4096xf32, #tpu.memory_space<vmem>>) target_semaphore(%arg29 : memref<!tpu.dma_semaphore, #tpu.memory_space<semaphore_mem>>)
    %dma_start3A_60 = arith.constant 4 : i32
    %dma_start3A_61 = arith.constant 0 : i32
    %dma_start3A_62 = tpu.memref_slice %arg7[%dma_start3A_60, %dma_start3A_61] : memref<128x1xi32, #tpu.memory_space<vmem>> -> memref<1x1xi32, #tpu.memory_space<vmem>>
    %dma_start3A_63 = tpu.memref_squeeze %dma_start3A_62 : memref<1x1xi32, #tpu.memory_space<vmem>> -> memref<1xi32, #tpu.memory_space<vmem>>
    %dma_start3A_64 = arith.constant 0 : i32
    %dma_start3A_65 = arith.constant 0 : i32
    %dma_start3A_66 = tpu.memref_slice %arg4[%dma_start3A_64, %dma_start3A_65] : memref<1000x4096xf32, #tpu.memory_space<hbm>> -> memref<1000x4096xf32, #tpu.memory_space<hbm>>
    tpu.enqueue_indirect_dma source(%dma_start3A_66 : memref<1000x4096xf32, #tpu.memory_space<hbm>>) target(%arg21 : memref<1x4096xf32, #tpu.memory_space<vmem>>) offsets(%dma_start3A_63 : memref<1xi32, #tpu.memory_space<vmem>>) semaphore(%arg37 : memref<!tpu.dma_semaphore, #tpu.memory_space<semaphore_mem>>)
    %scan3A = arith.constant 0 : i32
    %scan3A_67 = arith.constant 0 : i32
    %scan3A_68 = arith.constant 16 : i32
    %scan3A_69 = arith.addi %scan3A_67, %scan3A_68 : i32
    %scan3A_70 = arith.constant 1 : i32
    scf.for %scan3A_95 = %scan3A_67 to %scan3A_69 step %scan3A_70  : i32 {
      %mul3A_96 = arith.constant 8 : i32
      %mul3A_97 = arith.muli %scan3A_95, %mul3A_96 : i32
      %add3A_98 = arith.constant 0 : i32
      %add3A_99 = arith.addi %mul3A_97, %add3A_98 : i32
      %mul3A_100 = arith.constant 1 : i32
      %mul3A_101 = arith.muli %add3A_99, %mul3A_100 : i32
      %add3A_102 = arith.addi %mul3A_2, %mul3A_101 : i32
      %dma_wait3A_103 = arith.constant 0 : i32
      %dma_wait3A_104 = tpu.memref_slice %arg2[%add3A_102, %dma_wait3A_103] : memref<4096x4096xf32, #tpu.memory_space<hbm>> -> memref<1x4096xf32, #tpu.memory_space<hbm>>
      %dma_wait3A_105 = arith.constant 0 : i32
      %dma_wait3A_106 = tpu.memref_slice %arg2[%add3A_102, %dma_wait3A_105] : memref<4096x4096xf32, #tpu.memory_space<hbm>> -> memref<1x4096xf32, #tpu.memory_space<hbm>>
      tpu.wait_dma2 semaphore(%arg25 : memref<!tpu.dma_semaphore, #tpu.memory_space<semaphore_mem>>) src(%dma_wait3A_106 : memref<1x4096xf32, #tpu.memory_space<hbm>>) dst(%arg9 : memref<1x4096xf32, #tpu.memory_space<vmem>>)
      %dma_wait3A_107 = arith.constant 0 : i32
      %dma_wait3A_108 = tpu.memref_slice %arg7[%add3A_99, %dma_wait3A_107] : memref<128x1xi32, #tpu.memory_space<vmem>> -> memref<1x1xi32, #tpu.memory_space<vmem>>
      %dma_wait3A_109 = tpu.memref_squeeze %dma_wait3A_108 : memref<1x1xi32, #tpu.memory_space<vmem>> -> memref<1xi32, #tpu.memory_space<vmem>>
      %dma_wait3A_110 = arith.constant 0 : i32
      %dma_wait3A_111 = arith.constant 0 : i32
      %dma_wait3A_112 = tpu.memref_slice %arg4[%dma_wait3A_110, %dma_wait3A_111] : memref<1000x4096xf32, #tpu.memory_space<hbm>> -> memref<1000x4096xf32, #tpu.memory_space<hbm>>
      tpu.wait_indirect_dma semaphore(%arg33 : memref<!tpu.dma_semaphore, #tpu.memory_space<semaphore_mem>>) src(%dma_wait3A_112 : memref<1000x4096xf32, #tpu.memory_space<hbm>>) dst(%arg17 : memref<1x4096xf32, #tpu.memory_space<vmem>>)
      %add3A_113 = arith.constant 5 : i32
      %add3A_114 = arith.addi %add3A_99, %add3A_113 : i32
      %sub3A = arith.constant 8 : i32
      %sub3A_115 = arith.subi %add3A_114, %sub3A : i32
      %ge3A = arith.constant 0 : i32
      %ge3A_116 = arith.cmpi sge, %sub3A_115, %ge3A : i32
      %convert_element_type3A = arith.extui %ge3A_116 : i1 to i32
      %cond3A = arith.constant 0 : i32
      %cond3A_117 = arith.cmpi ne, %convert_element_type3A, %cond3A : i32
      scf.if %cond3A_117 {
        %mul3A_475 = arith.constant 1 : i32
        %mul3A_476 = arith.muli %sub3A_115, %mul3A_475 : i32
        %add3A_477 = arith.addi %mul3A_2, %mul3A_476 : i32
        %dma_wait3A_478 = arith.constant 0 : i32
        %dma_wait3A_479 = tpu.memref_slice %arg8[%sub3A_115, %dma_wait3A_478] : memref<128x1xi32, #tpu.memory_space<vmem>> -> memref<1x1xi32, #tpu.memory_space<vmem>>
        %dma_wait3A_480 = tpu.memref_squeeze %dma_wait3A_479 : memref<1x1xi32, #tpu.memory_space<vmem>> -> memref<1xi32, #tpu.memory_space<vmem>>
        %dma_wait3A_481 = arith.constant 0 : i32
        %dma_wait3A_482 = arith.constant 0 : i32
        %dma_wait3A_483 = tpu.memref_slice %arg6[%dma_wait3A_481, %dma_wait3A_482] : memref<4096x4096xf32, #tpu.memory_space<hbm>> -> memref<4096x4096xf32, #tpu.memory_space<hbm>>
        tpu.wait_indirect_dma semaphore(%arg46 : memref<!tpu.dma_semaphore, #tpu.memory_space<semaphore_mem>>) src(%arg14 : memref<1x4096xf32, #tpu.memory_space<vmem>>) dst(%dma_wait3A_483 : memref<4096x4096xf32, #tpu.memory_space<hbm>>)
      } else {
      }
      %add3A_118 = arith.constant 5 : i32
      %add3A_119 = arith.addi %add3A_99, %add3A_118 : i32
      %lt3A = arith.constant 128 : i32
      %lt3A_120 = arith.cmpi slt, %add3A_119, %lt3A : i32
      %convert_element_type3A_121 = arith.extui %lt3A_120 : i1 to i32
      %cond3A_122 = arith.constant 0 : i32
      %cond3A_123 = arith.cmpi ne, %convert_element_type3A_121, %cond3A_122 : i32
      scf.if %cond3A_123 {
        %add3A_475 = arith.constant 5 : i32
        %add3A_476 = arith.addi %add3A_99, %add3A_475 : i32
        %mul3A_477 = arith.constant 1 : i32
        %mul3A_478 = arith.muli %add3A_476, %mul3A_477 : i32
        %add3A_479 = arith.addi %mul3A_2, %mul3A_478 : i32
        %dma_start3A_480 = arith.constant 0 : i32
        %dma_start3A_481 = tpu.memref_slice %arg2[%add3A_479, %dma_start3A_480] : memref<4096x4096xf32, #tpu.memory_space<hbm>> -> memref<1x4096xf32, #tpu.memory_space<hbm>>
        %dma_start3A_482 = arith.constant 0 : i32
        %dma_start3A_483 = tpu.memref_slice %arg2[%add3A_479, %dma_start3A_482] : memref<4096x4096xf32, #tpu.memory_space<hbm>> -> memref<1x4096xf32, #tpu.memory_space<hbm>>
        tpu.enqueue_dma source(%dma_start3A_483 : memref<1x4096xf32, #tpu.memory_space<hbm>>) target(%arg14 : memref<1x4096xf32, #tpu.memory_space<vmem>>) target_semaphore(%arg30 : memref<!tpu.dma_semaphore, #tpu.memory_space<semaphore_mem>>)
        %dma_start3A_484 = arith.constant 0 : i32
        %dma_start3A_485 = tpu.memref_slice %arg7[%add3A_476, %dma_start3A_484] : memref<128x1xi32, #tpu.memory_space<vmem>> -> memref<1x1xi32, #tpu.memory_space<vmem>>
        %dma_start3A_486 = tpu.memref_squeeze %dma_start3A_485 : memref<1x1xi32, #tpu.memory_space<vmem>> -> memref<1xi32, #tpu.memory_space<vmem>>
        %dma_start3A_487 = arith.constant 0 : i32
        %dma_start3A_488 = arith.constant 0 : i32
        %dma_start3A_489 = tpu.memref_slice %arg4[%dma_start3A_487, %dma_start3A_488] : memref<1000x4096xf32, #tpu.memory_space<hbm>> -> memref<1000x4096xf32, #tpu.memory_space<hbm>>
        tpu.enqueue_indirect_dma source(%dma_start3A_489 : memref<1000x4096xf32, #tpu.memory_space<hbm>>) target(%arg22 : memref<1x4096xf32, #tpu.memory_space<vmem>>) offsets(%dma_start3A_486 : memref<1xi32, #tpu.memory_space<vmem>>) semaphore(%arg38 : memref<!tpu.dma_semaphore, #tpu.memory_space<semaphore_mem>>)
      } else {
      }
      %scan3A_124 = arith.constant 0 : i32
      %scan3A_125 = arith.constant 0 : i32
      %scan3A_126 = arith.constant 32 : i32
      %scan3A_127 = arith.addi %scan3A_125, %scan3A_126 : i32
      %scan3A_128 = arith.constant 1 : i32
      %scan3A_129 = scf.for %scan3A_475 = %scan3A_125 to %scan3A_127 step %scan3A_128 iter_args(%scan3A_476 = %scan3A_124) -> (i32)  : i32 {
        %mul3A_477 = arith.constant 128 : i32
        %mul3A_478 = arith.muli %scan3A_475, %mul3A_477 : i32
        %add3A_479 = arith.constant 0 : i32
        %add3A_480 = arith.addi %mul3A_478, %add3A_479 : i32
        %get3A = arith.constant 0 : i32
        %get3A_481 = arith.index_cast %get3A : i32 to index
        %get3A_482 = arith.index_cast %add3A_480 : i32 to index
        %get3A_483 = tpu.vector_load %arg17[%get3A_481, %get3A_482] {strides = array<i32>} : memref<1x4096xf32, #tpu.memory_space<vmem>>, vector<1x16xf32>,
        %get3A_484 = vector.shape_cast %get3A_483 : vector<1x16xf32> to vector<16xf32>
        %swap3A = arith.constant 0 : i32
        %swap3A_485 = arith.index_cast %swap3A : i32 to index
        %swap3A_486 = arith.index_cast %add3A_480 : i32 to index
        %swap3A_487 = tpu.vector_load %arg9[%swap3A_485, %swap3A_486] {strides = array<i32>} : memref<1x4096xf32, #tpu.memory_space<vmem>>, vector<1x16xf32>,
        %swap3A_488 = vector.shape_cast %swap3A_487 : vector<1x16xf32> to vector<16xf32>
        %swap3A_489 = vector.shape_cast %get3A_484 : vector<16xf32> to vector<1x16xf32>
        tpu.vector_store %arg9[%swap3A_485, %swap3A_486], %swap3A_489 {add = true, strides = array<i32>} : memref<1x4096xf32, #tpu.memory_space<vmem>>, vector<1x16xf32>,
        %mul3A_490 = arith.constant 128 : i32
        %mul3A_491 = arith.muli %scan3A_475, %mul3A_490 : i32
        %add3A_492 = arith.constant 16 : i32
        %add3A_493 = arith.addi %mul3A_491, %add3A_492 : i32
        %get3A_494 = arith.constant 0 : i32
        %get3A_495 = arith.index_cast %get3A_494 : i32 to index
        %get3A_496 = arith.index_cast %add3A_493 : i32 to index
        %get3A_497 = tpu.vector_load %arg17[%get3A_495, %get3A_496] {strides = array<i32>} : memref<1x4096xf32, #tpu.memory_space<vmem>>, vector<1x16xf32>,
        %get3A_498 = vector.shape_cast %get3A_497 : vector<1x16xf32> to vector<16xf32>
        %swap3A_499 = arith.constant 0 : i32
        %swap3A_500 = arith.index_cast %swap3A_499 : i32 to index
        %swap3A_501 = arith.index_cast %add3A_493 : i32 to index
        %swap3A_502 = tpu.vector_load %arg9[%swap3A_500, %swap3A_501] {strides = array<i32>} : memref<1x4096xf32, #tpu.memory_space<vmem>>, vector<1x16xf32>,
        %swap3A_503 = vector.shape_cast %swap3A_502 : vector<1x16xf32> to vector<16xf32>
        %swap3A_504 = vector.shape_cast %get3A_498 : vector<16xf32> to vector<1x16xf32>
        tpu.vector_store %arg9[%swap3A_500, %swap3A_501], %swap3A_504 {add = true, strides = array<i32>} : memref<1x4096xf32, #tpu.memory_space<vmem>>, vector<1x16xf32>,
        %mul3A_505 = arith.constant 128 : i32
        %mul3A_506 = arith.muli %scan3A_475, %mul3A_505 : i32
        %add3A_507 = arith.constant 32 : i32
        %add3A_508 = arith.addi %mul3A_506, %add3A_507 : i32
        %get3A_509 = arith.constant 0 : i32
        %get3A_510 = arith.index_cast %get3A_509 : i32 to index
        %get3A_511 = arith.index_cast %add3A_508 : i32 to index
        %get3A_512 = tpu.vector_load %arg17[%get3A_510, %get3A_511] {strides = array<i32>} : memref<1x4096xf32, #tpu.memory_space<vmem>>, vector<1x16xf32>,
        %get3A_513 = vector.shape_cast %get3A_512 : vector<1x16xf32> to vector<16xf32>
        %swap3A_514 = arith.constant 0 : i32
        %swap3A_515 = arith.index_cast %swap3A_514 : i32 to index
        %swap3A_516 = arith.index_cast %add3A_508 : i32 to index
        %swap3A_517 = tpu.vector_load %arg9[%swap3A_515, %swap3A_516] {strides = array<i32>} : memref<1x4096xf32, #tpu.memory_space<vmem>>, vector<1x16xf32>,
        %swap3A_518 = vector.shape_cast %swap3A_517 : vector<1x16xf32> to vector<16xf32>
        %swap3A_519 = vector.shape_cast %get3A_513 : vector<16xf32> to vector<1x16xf32>
        tpu.vector_store %arg9[%swap3A_515, %swap3A_516], %swap3A_519 {add = true, strides = array<i32>} : memref<1x4096xf32, #tpu.memory_space<vmem>>, vector<1x16xf32>,
        %mul3A_520 = arith.constant 128 : i32
        %mul3A_521 = arith.muli %scan3A_475, %mul3A_520 : i32
        %add3A_522 = arith.constant 48 : i32
        %add3A_523 = arith.addi %mul3A_521, %add3A_522 : i32
        %get3A_524 = arith.constant 0 : i32
        %get3A_525 = arith.index_cast %get3A_524 : i32 to index
        %get3A_526 = arith.index_cast %add3A_523 : i32 to index
        %get3A_527 = tpu.vector_load %arg17[%get3A_525, %get3A_526] {strides = array<i32>} : memref<1x4096xf32, #tpu.memory_space<vmem>>, vector<1x16xf32>,
        %get3A_528 = vector.shape_cast %get3A_527 : vector<1x16xf32> to vector<16xf32>
        %swap3A_529 = arith.constant 0 : i32
        %swap3A_530 = arith.index_cast %swap3A_529 : i32 to index
        %swap3A_531 = arith.index_cast %add3A_523 : i32 to index
        %swap3A_532 = tpu.vector_load %arg9[%swap3A_530, %swap3A_531] {strides = array<i32>} : memref<1x4096xf32, #tpu.memory_space<vmem>>, vector<1x16xf32>,
        %swap3A_533 = vector.shape_cast %swap3A_532 : vector<1x16xf32> to vector<16xf32>
        %swap3A_534 = vector.shape_cast %get3A_528 : vector<16xf32> to vector<1x16xf32>
        tpu.vector_store %arg9[%swap3A_530, %swap3A_531], %swap3A_534 {add = true, strides = array<i32>} : memref<1x4096xf32, #tpu.memory_space<vmem>>, vector<1x16xf32>,
        %mul3A_535 = arith.constant 128 : i32
        %mul3A_536 = arith.muli %scan3A_475, %mul3A_535 : i32
        %add3A_537 = arith.constant 64 : i32
        %add3A_538 = arith.addi %mul3A_536, %add3A_537 : i32
        %get3A_539 = arith.constant 0 : i32
        %get3A_540 = arith.index_cast %get3A_539 : i32 to index
        %get3A_541 = arith.index_cast %add3A_538 : i32 to index
        %get3A_542 = tpu.vector_load %arg17[%get3A_540, %get3A_541] {strides = array<i32>} : memref<1x4096xf32, #tpu.memory_space<vmem>>, vector<1x16xf32>,
        %get3A_543 = vector.shape_cast %get3A_542 : vector<1x16xf32> to vector<16xf32>
        %swap3A_544 = arith.constant 0 : i32
        %swap3A_545 = arith.index_cast %swap3A_544 : i32 to index
        %swap3A_546 = arith.index_cast %add3A_538 : i32 to index
        %swap3A_547 = tpu.vector_load %arg9[%swap3A_545, %swap3A_546] {strides = array<i32>} : memref<1x4096xf32, #tpu.memory_space<vmem>>, vector<1x16xf32>,
        %swap3A_548 = vector.shape_cast %swap3A_547 : vector<1x16xf32> to vector<16xf32>
        %swap3A_549 = vector.shape_cast %get3A_543 : vector<16xf32> to vector<1x16xf32>
        tpu.vector_store %arg9[%swap3A_545, %swap3A_546], %swap3A_549 {add = true, strides = array<i32>} : memref<1x4096xf32, #tpu.memory_space<vmem>>, vector<1x16xf32>,
        %mul3A_550 = arith.constant 128 : i32
        %mul3A_551 = arith.muli %scan3A_475, %mul3A_550 : i32
        %add3A_552 = arith.constant 80 : i32
        %add3A_553 = arith.addi %mul3A_551, %add3A_552 : i32
        %get3A_554 = arith.constant 0 : i32
        %get3A_555 = arith.index_cast %get3A_554 : i32 to index
        %get3A_556 = arith.index_cast %add3A_553 : i32 to index
        %get3A_557 = tpu.vector_load %arg17[%get3A_555, %get3A_556] {strides = array<i32>} : memref<1x4096xf32, #tpu.memory_space<vmem>>, vector<1x16xf32>,
        %get3A_558 = vector.shape_cast %get3A_557 : vector<1x16xf32> to vector<16xf32>
        %swap3A_559 = arith.constant 0 : i32
        %swap3A_560 = arith.index_cast %swap3A_559 : i32 to index
        %swap3A_561 = arith.index_cast %add3A_553 : i32 to index
        %swap3A_562 = tpu.vector_load %arg9[%swap3A_560, %swap3A_561] {strides = array<i32>} : memref<1x4096xf32, #tpu.memory_space<vmem>>, vector<1x16xf32>,
        %swap3A_563 = vector.shape_cast %swap3A_562 : vector<1x16xf32> to vector<16xf32>
        %swap3A_564 = vector.shape_cast %get3A_558 : vector<16xf32> to vector<1x16xf32>
        tpu.vector_store %arg9[%swap3A_560, %swap3A_561], %swap3A_564 {add = true, strides = array<i32>} : memref<1x4096xf32, #tpu.memory_space<vmem>>, vector<1x16xf32>,
        %mul3A_565 = arith.constant 128 : i32
        %mul3A_566 = arith.muli %scan3A_475, %mul3A_565 : i32
        %add3A_567 = arith.constant 96 : i32
        %add3A_568 = arith.addi %mul3A_566, %add3A_567 : i32
        %get3A_569 = arith.constant 0 : i32
        %get3A_570 = arith.index_cast %get3A_569 : i32 to index
        %get3A_571 = arith.index_cast %add3A_568 : i32 to index
        %get3A_572 = tpu.vector_load %arg17[%get3A_570, %get3A_571] {strides = array<i32>} : memref<1x4096xf32, #tpu.memory_space<vmem>>, vector<1x16xf32>,
        %get3A_573 = vector.shape_cast %get3A_572 : vector<1x16xf32> to vector<16xf32>
        %swap3A_574 = arith.constant 0 : i32
        %swap3A_575 = arith.index_cast %swap3A_574 : i32 to index
        %swap3A_576 = arith.index_cast %add3A_568 : i32 to index
        %swap3A_577 = tpu.vector_load %arg9[%swap3A_575, %swap3A_576] {strides = array<i32>} : memref<1x4096xf32, #tpu.memory_space<vmem>>, vector<1x16xf32>,
        %swap3A_578 = vector.shape_cast %swap3A_577 : vector<1x16xf32> to vector<16xf32>
        %swap3A_579 = vector.shape_cast %get3A_573 : vector<16xf32> to vector<1x16xf32>
        tpu.vector_store %arg9[%swap3A_575, %swap3A_576], %swap3A_579 {add = true, strides = array<i32>} : memref<1x4096xf32, #tpu.memory_space<vmem>>, vector<1x16xf32>,
        %mul3A_580 = arith.constant 128 : i32
        %mul3A_581 = arith.muli %scan3A_475, %mul3A_580 : i32
        %add3A_582 = arith.constant 112 : i32
        %add3A_583 = arith.addi %mul3A_581, %add3A_582 : i32
        %get3A_584 = arith.constant 0 : i32
        %get3A_585 = arith.index_cast %get3A_584 : i32 to index
        %get3A_586 = arith.index_cast %add3A_583 : i32 to index
        %get3A_587 = tpu.vector_load %arg17[%get3A_585, %get3A_586] {strides = array<i32>} : memref<1x4096xf32, #tpu.memory_space<vmem>>, vector<1x16xf32>,
        %get3A_588 = vector.shape_cast %get3A_587 : vector<1x16xf32> to vector<16xf32>
        %swap3A_589 = arith.constant 0 : i32
        %swap3A_590 = arith.index_cast %swap3A_589 : i32 to index
        %swap3A_591 = arith.index_cast %add3A_583 : i32 to index
        %swap3A_592 = tpu.vector_load %arg9[%swap3A_590, %swap3A_591] {strides = array<i32>} : memref<1x4096xf32, #tpu.memory_space<vmem>>, vector<1x16xf32>,
        %swap3A_593 = vector.shape_cast %swap3A_592 : vector<1x16xf32> to vector<16xf32>
        %swap3A_594 = vector.shape_cast %get3A_588 : vector<16xf32> to vector<1x16xf32>
        tpu.vector_store %arg9[%swap3A_590, %swap3A_591], %swap3A_594 {add = true, strides = array<i32>} : memref<1x4096xf32, #tpu.memory_space<vmem>>, vector<1x16xf32>,
        %scan3A_595 = arith.constant 0 : i32
        scf.yield %scan3A_595 : i32
      }
      %scan3A_130 = arith.constant 32 : i32
      %mul3A_131 = arith.constant 1 : i32
      %mul3A_132 = arith.muli %add3A_99, %mul3A_131 : i32
      %add3A_133 = arith.addi %mul3A_2, %mul3A_132 : i32
      %dma_start3A_134 = arith.constant 0 : i32
      %dma_start3A_135 = tpu.memref_slice %arg6[%add3A_133, %dma_start3A_134] : memref<4096x4096xf32, #tpu.memory_space<hbm>> -> memref<1x4096xf32, #tpu.memory_space<hbm>>
      %dma_start3A_136 = arith.constant 0 : i32
      %dma_start3A_137 = tpu.memref_slice %arg6[%add3A_133, %dma_start3A_136] : memref<4096x4096xf32, #tpu.memory_space<hbm>> -> memref<1x4096xf32, #tpu.memory_space<hbm>>
      tpu.enqueue_dma source(%arg9 : memref<1x4096xf32, #tpu.memory_space<vmem>>) target(%dma_start3A_137 : memref<1x4096xf32, #tpu.memory_space<hbm>>) target_semaphore(%arg41 : memref<!tpu.dma_semaphore, #tpu.memory_space<semaphore_mem>>)
      %mul3A_138 = arith.constant 8 : i32
      %mul3A_139 = arith.muli %scan3A_95, %mul3A_138 : i32
      %add3A_140 = arith.constant 1 : i32
      %add3A_141 = arith.addi %mul3A_139, %add3A_140 : i32
      %mul3A_142 = arith.constant 1 : i32
      %mul3A_143 = arith.muli %add3A_141, %mul3A_142 : i32
      %add3A_144 = arith.addi %mul3A_2, %mul3A_143 : i32
      %dma_wait3A_145 = arith.constant 0 : i32
      %dma_wait3A_146 = tpu.memref_slice %arg2[%add3A_144, %dma_wait3A_145] : memref<4096x4096xf32, #tpu.memory_space<hbm>> -> memref<1x4096xf32, #tpu.memory_space<hbm>>
      %dma_wait3A_147 = arith.constant 0 : i32
      %dma_wait3A_148 = tpu.memref_slice %arg2[%add3A_144, %dma_wait3A_147] : memref<4096x4096xf32, #tpu.memory_space<hbm>> -> memref<1x4096xf32, #tpu.memory_space<hbm>>
      tpu.wait_dma2 semaphore(%arg26 : memref<!tpu.dma_semaphore, #tpu.memory_space<semaphore_mem>>) src(%dma_wait3A_148 : memref<1x4096xf32, #tpu.memory_space<hbm>>) dst(%arg10 : memref<1x4096xf32, #tpu.memory_space<vmem>>)
      %dma_wait3A_149 = arith.constant 0 : i32
      %dma_wait3A_150 = tpu.memref_slice %arg7[%add3A_141, %dma_wait3A_149] : memref<128x1xi32, #tpu.memory_space<vmem>> -> memref<1x1xi32, #tpu.memory_space<vmem>>
      %dma_wait3A_151 = tpu.memref_squeeze %dma_wait3A_150 : memref<1x1xi32, #tpu.memory_space<vmem>> -> memref<1xi32, #tpu.memory_space<vmem>>
      %dma_wait3A_152 = arith.constant 0 : i32
      %dma_wait3A_153 = arith.constant 0 : i32
      %dma_wait3A_154 = tpu.memref_slice %arg4[%dma_wait3A_152, %dma_wait3A_153] : memref<1000x4096xf32, #tpu.memory_space<hbm>> -> memref<1000x4096xf32, #tpu.memory_space<hbm>>
      tpu.wait_indirect_dma semaphore(%arg34 : memref<!tpu.dma_semaphore, #tpu.memory_space<semaphore_mem>>) src(%dma_wait3A_154 : memref<1000x4096xf32, #tpu.memory_space<hbm>>) dst(%arg18 : memref<1x4096xf32, #tpu.memory_space<vmem>>)
      %add3A_155 = arith.constant 5 : i32
      %add3A_156 = arith.addi %add3A_141, %add3A_155 : i32
      %sub3A_157 = arith.constant 8 : i32
      %sub3A_158 = arith.subi %add3A_156, %sub3A_157 : i32
      %ge3A_159 = arith.constant 0 : i32
      %ge3A_160 = arith.cmpi sge, %sub3A_158, %ge3A_159 : i32
      %convert_element_type3A_161 = arith.extui %ge3A_160 : i1 to i32
      %cond3A_162 = arith.constant 0 : i32
      %cond3A_163 = arith.cmpi ne, %convert_element_type3A_161, %cond3A_162 : i32
      scf.if %cond3A_163 {
        %mul3A_475 = arith.constant 1 : i32
        %mul3A_476 = arith.muli %sub3A_158, %mul3A_475 : i32
        %add3A_477 = arith.addi %mul3A_2, %mul3A_476 : i32
        %dma_wait3A_478 = arith.constant 0 : i32
        %dma_wait3A_479 = tpu.memref_slice %arg6[%add3A_477, %dma_wait3A_478] : memref<4096x4096xf32, #tpu.memory_space<hbm>> -> memref<1x4096xf32, #tpu.memory_space<hbm>>
        %dma_wait3A_480 = arith.constant 0 : i32
        %dma_wait3A_481 = tpu.memref_slice %arg6[%add3A_477, %dma_wait3A_480] : memref<4096x4096xf32, #tpu.memory_space<hbm>> -> memref<1x4096xf32, #tpu.memory_space<hbm>>
        tpu.wait_dma2 semaphore(%arg47 : memref<!tpu.dma_semaphore, #tpu.memory_space<semaphore_mem>>) src(%arg15 : memref<1x4096xf32, #tpu.memory_space<vmem>>) dst(%dma_wait3A_481 : memref<1x4096xf32, #tpu.memory_space<hbm>>)
      } else {
      }
      %add3A_164 = arith.constant 5 : i32
      %add3A_165 = arith.addi %add3A_141, %add3A_164 : i32
      %lt3A_166 = arith.constant 128 : i32
      %lt3A_167 = arith.cmpi slt, %add3A_165, %lt3A_166 : i32
      %convert_element_type3A_168 = arith.extui %lt3A_167 : i1 to i32
      %cond3A_169 = arith.constant 0 : i32
      %cond3A_170 = arith.cmpi ne, %convert_element_type3A_168, %cond3A_169 : i32
      scf.if %cond3A_170 {
        %add3A_475 = arith.constant 5 : i32
        %add3A_476 = arith.addi %add3A_141, %add3A_475 : i32
        %mul3A_477 = arith.constant 1 : i32
        %mul3A_478 = arith.muli %add3A_476, %mul3A_477 : i32
        %add3A_479 = arith.addi %mul3A_2, %mul3A_478 : i32
        %dma_start3A_480 = arith.constant 0 : i32
        %dma_start3A_481 = tpu.memref_slice %arg2[%add3A_479, %dma_start3A_480] : memref<4096x4096xf32, #tpu.memory_space<hbm>> -> memref<1x4096xf32, #tpu.memory_space<hbm>>
        %dma_start3A_482 = arith.constant 0 : i32
        %dma_start3A_483 = tpu.memref_slice %arg2[%add3A_479, %dma_start3A_482] : memref<4096x4096xf32, #tpu.memory_space<hbm>> -> memref<1x4096xf32, #tpu.memory_space<hbm>>
        tpu.enqueue_dma source(%dma_start3A_483 : memref<1x4096xf32, #tpu.memory_space<hbm>>) target(%arg15 : memref<1x4096xf32, #tpu.memory_space<vmem>>) target_semaphore(%arg31 : memref<!tpu.dma_semaphore, #tpu.memory_space<semaphore_mem>>)
        %dma_start3A_484 = arith.constant 0 : i32
        %dma_start3A_485 = tpu.memref_slice %arg7[%add3A_476, %dma_start3A_484] : memref<128x1xi32, #tpu.memory_space<vmem>> -> memref<1x1xi32, #tpu.memory_space<vmem>>
        %dma_start3A_486 = tpu.memref_squeeze %dma_start3A_485 : memref<1x1xi32, #tpu.memory_space<vmem>> -> memref<1xi32, #tpu.memory_space<vmem>>
        %dma_start3A_487 = arith.constant 0 : i32
        %dma_start3A_488 = arith.constant 0 : i32
        %dma_start3A_489 = tpu.memref_slice %arg4[%dma_start3A_487, %dma_start3A_488] : memref<1000x4096xf32, #tpu.memory_space<hbm>> -> memref<1000x4096xf32, #tpu.memory_space<hbm>>
        tpu.enqueue_indirect_dma source(%dma_start3A_489 : memref<1000x4096xf32, #tpu.memory_space<hbm>>) target(%arg23 : memref<1x4096xf32, #tpu.memory_space<vmem>>) offsets(%dma_start3A_486 : memref<1xi32, #tpu.memory_space<vmem>>) semaphore(%arg39 : memref<!tpu.dma_semaphore, #tpu.memory_space<semaphore_mem>>)
      } else {
      }
      %scan3A_171 = arith.constant 0 : i32
      %scan3A_172 = arith.constant 0 : i32
      %scan3A_173 = arith.constant 32 : i32
      %scan3A_174 = arith.addi %scan3A_172, %scan3A_173 : i32
      %scan3A_175 = arith.constant 1 : i32
      %scan3A_176 = scf.for %scan3A_475 = %scan3A_172 to %scan3A_174 step %scan3A_175 iter_args(%scan3A_476 = %scan3A_171) -> (i32)  : i32 {
        %mul3A_477 = arith.constant 128 : i32
        %mul3A_478 = arith.muli %scan3A_475, %mul3A_477 : i32
        %add3A_479 = arith.constant 0 : i32
        %add3A_480 = arith.addi %mul3A_478, %add3A_479 : i32
        %get3A = arith.constant 0 : i32
        %get3A_481 = arith.index_cast %get3A : i32 to index
        %get3A_482 = arith.index_cast %add3A_480 : i32 to index
        %get3A_483 = tpu.vector_load %arg18[%get3A_481, %get3A_482] {strides = array<i32>} : memref<1x4096xf32, #tpu.memory_space<vmem>>, vector<1x16xf32>,
        %get3A_484 = vector.shape_cast %get3A_483 : vector<1x16xf32> to vector<16xf32>
        %swap3A = arith.constant 0 : i32
        %swap3A_485 = arith.index_cast %swap3A : i32 to index
        %swap3A_486 = arith.index_cast %add3A_480 : i32 to index
        %swap3A_487 = tpu.vector_load %arg10[%swap3A_485, %swap3A_486] {strides = array<i32>} : memref<1x4096xf32, #tpu.memory_space<vmem>>, vector<1x16xf32>,
        %swap3A_488 = vector.shape_cast %swap3A_487 : vector<1x16xf32> to vector<16xf32>
        %swap3A_489 = vector.shape_cast %get3A_484 : vector<16xf32> to vector<1x16xf32>
        tpu.vector_store %arg10[%swap3A_485, %swap3A_486], %swap3A_489 {add = true, strides = array<i32>} : memref<1x4096xf32, #tpu.memory_space<vmem>>, vector<1x16xf32>,
        %mul3A_490 = arith.constant 128 : i32
        %mul3A_491 = arith.muli %scan3A_475, %mul3A_490 : i32
        %add3A_492 = arith.constant 16 : i32
        %add3A_493 = arith.addi %mul3A_491, %add3A_492 : i32
        %get3A_494 = arith.constant 0 : i32
        %get3A_495 = arith.index_cast %get3A_494 : i32 to index
        %get3A_496 = arith.index_cast %add3A_493 : i32 to index
        %get3A_497 = tpu.vector_load %arg18[%get3A_495, %get3A_496] {strides = array<i32>} : memref<1x4096xf32, #tpu.memory_space<vmem>>, vector<1x16xf32>,
        %get3A_498 = vector.shape_cast %get3A_497 : vector<1x16xf32> to vector<16xf32>
        %swap3A_499 = arith.constant 0 : i32
        %swap3A_500 = arith.index_cast %swap3A_499 : i32 to index
        %swap3A_501 = arith.index_cast %add3A_493 : i32 to index
        %swap3A_502 = tpu.vector_load %arg10[%swap3A_500, %swap3A_501] {strides = array<i32>} : memref<1x4096xf32, #tpu.memory_space<vmem>>, vector<1x16xf32>,
        %swap3A_503 = vector.shape_cast %swap3A_502 : vector<1x16xf32> to vector<16xf32>
        %swap3A_504 = vector.shape_cast %get3A_498 : vector<16xf32> to vector<1x16xf32>
        tpu.vector_store %arg10[%swap3A_500, %swap3A_501], %swap3A_504 {add = true, strides = array<i32>} : memref<1x4096xf32, #tpu.memory_space<vmem>>, vector<1x16xf32>,
        %mul3A_505 = arith.constant 128 : i32
        %mul3A_506 = arith.muli %scan3A_475, %mul3A_505 : i32
        %add3A_507 = arith.constant 32 : i32
        %add3A_508 = arith.addi %mul3A_506, %add3A_507 : i32
        %get3A_509 = arith.constant 0 : i32
        %get3A_510 = arith.index_cast %get3A_509 : i32 to index
        %get3A_511 = arith.index_cast %add3A_508 : i32 to index
        %get3A_512 = tpu.vector_load %arg18[%get3A_510, %get3A_511] {strides = array<i32>} : memref<1x4096xf32, #tpu.memory_space<vmem>>, vector<1x16xf32>,
        %get3A_513 = vector.shape_cast %get3A_512 : vector<1x16xf32> to vector<16xf32>
        %swap3A_514 = arith.constant 0 : i32
        %swap3A_515 = arith.index_cast %swap3A_514 : i32 to index
        %swap3A_516 = arith.index_cast %add3A_508 : i32 to index
        %swap3A_517 = tpu.vector_load %arg10[%swap3A_515, %swap3A_516] {strides = array<i32>} : memref<1x4096xf32, #tpu.memory_space<vmem>>, vector<1x16xf32>,
        %swap3A_518 = vector.shape_cast %swap3A_517 : vector<1x16xf32> to vector<16xf32>
        %swap3A_519 = vector.shape_cast %get3A_513 : vector<16xf32> to vector<1x16xf32>
        tpu.vector_store %arg10[%swap3A_515, %swap3A_516], %swap3A_519 {add = true, strides = array<i32>} : memref<1x4096xf32, #tpu.memory_space<vmem>>, vector<1x16xf32>,
        %mul3A_520 = arith.constant 128 : i32
        %mul3A_521 = arith.muli %scan3A_475, %mul3A_520 : i32
        %add3A_522 = arith.constant 48 : i32
        %add3A_523 = arith.addi %mul3A_521, %add3A_522 : i32
        %get3A_524 = arith.constant 0 : i32
        %get3A_525 = arith.index_cast %get3A_524 : i32 to index
        %get3A_526 = arith.index_cast %add3A_523 : i32 to index
        %get3A_527 = tpu.vector_load %arg18[%get3A_525, %get3A_526] {strides = array<i32>} : memref<1x4096xf32, #tpu.memory_space<vmem>>, vector<1x16xf32>,
        %get3A_528 = vector.shape_cast %get3A_527 : vector<1x16xf32> to vector<16xf32>
        %swap3A_529 = arith.constant 0 : i32
        %swap3A_530 = arith.index_cast %swap3A_529 : i32 to index
        %swap3A_531 = arith.index_cast %add3A_523 : i32 to index
        %swap3A_532 = tpu.vector_load %arg10[%swap3A_530, %swap3A_531] {strides = array<i32>} : memref<1x4096xf32, #tpu.memory_space<vmem>>, vector<1x16xf32>,
        %swap3A_533 = vector.shape_cast %swap3A_532 : vector<1x16xf32> to vector<16xf32>
        %swap3A_534 = vector.shape_cast %get3A_528 : vector<16xf32> to vector<1x16xf32>
        tpu.vector_store %arg10[%swap3A_530, %swap3A_531], %swap3A_534 {add = true, strides = array<i32>} : memref<1x4096xf32, #tpu.memory_space<vmem>>, vector<1x16xf32>,
        %mul3A_535 = arith.constant 128 : i32
        %mul3A_536 = arith.muli %scan3A_475, %mul3A_535 : i32
        %add3A_537 = arith.constant 64 : i32
        %add3A_538 = arith.addi %mul3A_536, %add3A_537 : i32
        %get3A_539 = arith.constant 0 : i32
        %get3A_540 = arith.index_cast %get3A_539 : i32 to index
        %get3A_541 = arith.index_cast %add3A_538 : i32 to index
        %get3A_542 = tpu.vector_load %arg18[%get3A_540, %get3A_541] {strides = array<i32>} : memref<1x4096xf32, #tpu.memory_space<vmem>>, vector<1x16xf32>,
        %get3A_543 = vector.shape_cast %get3A_542 : vector<1x16xf32> to vector<16xf32>
        %swap3A_544 = arith.constant 0 : i32
        %swap3A_545 = arith.index_cast %swap3A_544 : i32 to index
        %swap3A_546 = arith.index_cast %add3A_538 : i32 to index
        %swap3A_547 = tpu.vector_load %arg10[%swap3A_545, %swap3A_546] {strides = array<i32>} : memref<1x4096xf32, #tpu.memory_space<vmem>>, vector<1x16xf32>,
        %swap3A_548 = vector.shape_cast %swap3A_547 : vector<1x16xf32> to vector<16xf32>
        %swap3A_549 = vector.shape_cast %get3A_543 : vector<16xf32> to vector<1x16xf32>
        tpu.vector_store %arg10[%swap3A_545, %swap3A_546], %swap3A_549 {add = true, strides = array<i32>} : memref<1x4096xf32, #tpu.memory_space<vmem>>, vector<1x16xf32>,
        %mul3A_550 = arith.constant 128 : i32
        %mul3A_551 = arith.muli %scan3A_475, %mul3A_550 : i32
        %add3A_552 = arith.constant 80 : i32
        %add3A_553 = arith.addi %mul3A_551, %add3A_552 : i32
        %get3A_554 = arith.constant 0 : i32
        %get3A_555 = arith.index_cast %get3A_554 : i32 to index
        %get3A_556 = arith.index_cast %add3A_553 : i32 to index
        %get3A_557 = tpu.vector_load %arg18[%get3A_555, %get3A_556] {strides = array<i32>} : memref<1x4096xf32, #tpu.memory_space<vmem>>, vector<1x16xf32>,
        %get3A_558 = vector.shape_cast %get3A_557 : vector<1x16xf32> to vector<16xf32>
        %swap3A_559 = arith.constant 0 : i32
        %swap3A_560 = arith.index_cast %swap3A_559 : i32 to index
        %swap3A_561 = arith.index_cast %add3A_553 : i32 to index
        %swap3A_562 = tpu.vector_load %arg10[%swap3A_560, %swap3A_561] {strides = array<i32>} : memref<1x4096xf32, #tpu.memory_space<vmem>>, vector<1x16xf32>,
        %swap3A_563 = vector.shape_cast %swap3A_562 : vector<1x16xf32> to vector<16xf32>
        %swap3A_564 = vector.shape_cast %get3A_558 : vector<16xf32> to vector<1x16xf32>
        tpu.vector_store %arg10[%swap3A_560, %swap3A_561], %swap3A_564 {add = true, strides = array<i32>} : memref<1x4096xf32, #tpu.memory_space<vmem>>, vector<1x16xf32>,
        %mul3A_565 = arith.constant 128 : i32
        %mul3A_566 = arith.muli %scan3A_475, %mul3A_565 : i32
        %add3A_567 = arith.constant 96 : i32
        %add3A_568 = arith.addi %mul3A_566, %add3A_567 : i32
        %get3A_569 = arith.constant 0 : i32
        %get3A_570 = arith.index_cast %get3A_569 : i32 to index
        %get3A_571 = arith.index_cast %add3A_568 : i32 to index
        %get3A_572 = tpu.vector_load %arg18[%get3A_570, %get3A_571] {strides = array<i32>} : memref<1x4096xf32, #tpu.memory_space<vmem>>, vector<1x16xf32>,
        %get3A_573 = vector.shape_cast %get3A_572 : vector<1x16xf32> to vector<16xf32>
        %swap3A_574 = arith.constant 0 : i32
        %swap3A_575 = arith.index_cast %swap3A_574 : i32 to index
        %swap3A_576 = arith.index_cast %add3A_568 : i32 to index
        %swap3A_577 = tpu.vector_load %arg10[%swap3A_575, %swap3A_576] {strides = array<i32>} : memref<1x4096xf32, #tpu.memory_space<vmem>>, vector<1x16xf32>,
        %swap3A_578 = vector.shape_cast %swap3A_577 : vector<1x16xf32> to vector<16xf32>
        %swap3A_579 = vector.shape_cast %get3A_573 : vector<16xf32> to vector<1x16xf32>
        tpu.vector_store %arg10[%swap3A_575, %swap3A_576], %swap3A_579 {add = true, strides = array<i32>} : memref<1x4096xf32, #tpu.memory_space<vmem>>, vector<1x16xf32>,
        %mul3A_580 = arith.constant 128 : i32
        %mul3A_581 = arith.muli %scan3A_475, %mul3A_580 : i32
        %add3A_582 = arith.constant 112 : i32
        %add3A_583 = arith.addi %mul3A_581, %add3A_582 : i32
        %get3A_584 = arith.constant 0 : i32
        %get3A_585 = arith.index_cast %get3A_584 : i32 to index
        %get3A_586 = arith.index_cast %add3A_583 : i32 to index
        %get3A_587 = tpu.vector_load %arg18[%get3A_585, %get3A_586] {strides = array<i32>} : memref<1x4096xf32, #tpu.memory_space<vmem>>, vector<1x16xf32>,
        %get3A_588 = vector.shape_cast %get3A_587 : vector<1x16xf32> to vector<16xf32>
        %swap3A_589 = arith.constant 0 : i32
        %swap3A_590 = arith.index_cast %swap3A_589 : i32 to index
        %swap3A_591 = arith.index_cast %add3A_583 : i32 to index
        %swap3A_592 = tpu.vector_load %arg10[%swap3A_590, %swap3A_591] {strides = array<i32>} : memref<1x4096xf32, #tpu.memory_space<vmem>>, vector<1x16xf32>,
        %swap3A_593 = vector.shape_cast %swap3A_592 : vector<1x16xf32> to vector<16xf32>
        %swap3A_594 = vector.shape_cast %get3A_588 : vector<16xf32> to vector<1x16xf32>
        tpu.vector_store %arg10[%swap3A_590, %swap3A_591], %swap3A_594 {add = true, strides = array<i32>} : memref<1x4096xf32, #tpu.memory_space<vmem>>, vector<1x16xf32>,
        %scan3A_595 = arith.constant 0 : i32
        scf.yield %scan3A_595 : i32
      }
      %scan3A_177 = arith.constant 32 : i32
      %mul3A_178 = arith.constant 1 : i32
      %mul3A_179 = arith.muli %add3A_141, %mul3A_178 : i32
      %add3A_180 = arith.addi %mul3A_2, %mul3A_179 : i32
      %dma_start3A_181 = arith.constant 0 : i32
      %dma_start3A_182 = tpu.memref_slice %arg8[%add3A_141, %dma_start3A_181] : memref<128x1xi32, #tpu.memory_space<vmem>> -> memref<1x1xi32, #tpu.memory_space<vmem>>
      %dma_start3A_183 = tpu.memref_squeeze %dma_start3A_182 : memref<1x1xi32, #tpu.memory_space<vmem>> -> memref<1xi32, #tpu.memory_space<vmem>>
      %dma_start3A_184 = arith.constant 0 : i32
      %dma_start3A_185 = arith.constant 0 : i32
      %dma_start3A_186 = tpu.memref_slice %arg6[%dma_start3A_184, %dma_start3A_185] : memref<4096x4096xf32, #tpu.memory_space<hbm>> -> memref<4096x4096xf32, #tpu.memory_space<hbm>>
      tpu.enqueue_indirect_dma source(%arg10 : memref<1x4096xf32, #tpu.memory_space<vmem>>) target(%dma_start3A_186 : memref<4096x4096xf32, #tpu.memory_space<hbm>>) offsets(%dma_start3A_183 : memref<1xi32, #tpu.memory_space<vmem>>) semaphore(%arg42 : memref<!tpu.dma_semaphore, #tpu.memory_space<semaphore_mem>>)
      %mul3A_187 = arith.constant 8 : i32
      %mul3A_188 = arith.muli %scan3A_95, %mul3A_187 : i32
      %add3A_189 = arith.constant 2 : i32
      %add3A_190 = arith.addi %mul3A_188, %add3A_189 : i32
      %mul3A_191 = arith.constant 1 : i32
      %mul3A_192 = arith.muli %add3A_190, %mul3A_191 : i32
      %add3A_193 = arith.addi %mul3A_2, %mul3A_192 : i32
      %dma_wait3A_194 = arith.constant 0 : i32
      %dma_wait3A_195 = tpu.memref_slice %arg2[%add3A_193, %dma_wait3A_194] : memref<4096x4096xf32, #tpu.memory_space<hbm>> -> memref<1x4096xf32, #tpu.memory_space<hbm>>
      %dma_wait3A_196 = arith.constant 0 : i32
      %dma_wait3A_197 = tpu.memref_slice %arg2[%add3A_193, %dma_wait3A_196] : memref<4096x4096xf32, #tpu.memory_space<hbm>> -> memref<1x4096xf32, #tpu.memory_space<hbm>>
      tpu.wait_dma2 semaphore(%arg27 : memref<!tpu.dma_semaphore, #tpu.memory_space<semaphore_mem>>) src(%dma_wait3A_197 : memref<1x4096xf32, #tpu.memory_space<hbm>>) dst(%arg11 : memref<1x4096xf32, #tpu.memory_space<vmem>>)
      %dma_wait3A_198 = arith.constant 0 : i32
      %dma_wait3A_199 = tpu.memref_slice %arg7[%add3A_190, %dma_wait3A_198] : memref<128x1xi32, #tpu.memory_space<vmem>> -> memref<1x1xi32, #tpu.memory_space<vmem>>
      %dma_wait3A_200 = tpu.memref_squeeze %dma_wait3A_199 : memref<1x1xi32, #tpu.memory_space<vmem>> -> memref<1xi32, #tpu.memory_space<vmem>>
      %dma_wait3A_201 = arith.constant 0 : i32
      %dma_wait3A_202 = arith.constant 0 : i32
      %dma_wait3A_203 = tpu.memref_slice %arg4[%dma_wait3A_201, %dma_wait3A_202] : memref<1000x4096xf32, #tpu.memory_space<hbm>> -> memref<1000x4096xf32, #tpu.memory_space<hbm>>
      tpu.wait_indirect_dma semaphore(%arg35 : memref<!tpu.dma_semaphore, #tpu.memory_space<semaphore_mem>>) src(%dma_wait3A_203 : memref<1000x4096xf32, #tpu.memory_space<hbm>>) dst(%arg19 : memref<1x4096xf32, #tpu.memory_space<vmem>>)
      %add3A_204 = arith.constant 5 : i32
      %add3A_205 = arith.addi %add3A_190, %add3A_204 : i32
      %sub3A_206 = arith.constant 8 : i32
      %sub3A_207 = arith.subi %add3A_205, %sub3A_206 : i32
      %ge3A_208 = arith.constant 0 : i32
      %ge3A_209 = arith.cmpi sge, %sub3A_207, %ge3A_208 : i32
      %convert_element_type3A_210 = arith.extui %ge3A_209 : i1 to i32
      %cond3A_211 = arith.constant 0 : i32
      %cond3A_212 = arith.cmpi ne, %convert_element_type3A_210, %cond3A_211 : i32
      scf.if %cond3A_212 {
        %mul3A_475 = arith.constant 1 : i32
        %mul3A_476 = arith.muli %sub3A_207, %mul3A_475 : i32
        %add3A_477 = arith.addi %mul3A_2, %mul3A_476 : i32
        %dma_wait3A_478 = arith.constant 0 : i32
        %dma_wait3A_479 = tpu.memref_slice %arg8[%sub3A_207, %dma_wait3A_478] : memref<128x1xi32, #tpu.memory_space<vmem>> -> memref<1x1xi32, #tpu.memory_space<vmem>>
        %dma_wait3A_480 = tpu.memref_squeeze %dma_wait3A_479 : memref<1x1xi32, #tpu.memory_space<vmem>> -> memref<1xi32, #tpu.memory_space<vmem>>
        %dma_wait3A_481 = arith.constant 0 : i32
        %dma_wait3A_482 = arith.constant 0 : i32
        %dma_wait3A_483 = tpu.memref_slice %arg6[%dma_wait3A_481, %dma_wait3A_482] : memref<4096x4096xf32, #tpu.memory_space<hbm>> -> memref<4096x4096xf32, #tpu.memory_space<hbm>>
        tpu.wait_indirect_dma semaphore(%arg48 : memref<!tpu.dma_semaphore, #tpu.memory_space<semaphore_mem>>) src(%arg16 : memref<1x4096xf32, #tpu.memory_space<vmem>>) dst(%dma_wait3A_483 : memref<4096x4096xf32, #tpu.memory_space<hbm>>)
      } else {
      }
      %add3A_213 = arith.constant 5 : i32
      %add3A_214 = arith.addi %add3A_190, %add3A_213 : i32
      %lt3A_215 = arith.constant 128 : i32
      %lt3A_216 = arith.cmpi slt, %add3A_214, %lt3A_215 : i32
      %convert_element_type3A_217 = arith.extui %lt3A_216 : i1 to i32
      %cond3A_218 = arith.constant 0 : i32
      %cond3A_219 = arith.cmpi ne, %convert_element_type3A_217, %cond3A_218 : i32
      scf.if %cond3A_219 {
        %add3A_475 = arith.constant 5 : i32
        %add3A_476 = arith.addi %add3A_190, %add3A_475 : i32
        %mul3A_477 = arith.constant 1 : i32
        %mul3A_478 = arith.muli %add3A_476, %mul3A_477 : i32
        %add3A_479 = arith.addi %mul3A_2, %mul3A_478 : i32
        %dma_start3A_480 = arith.constant 0 : i32
        %dma_start3A_481 = tpu.memref_slice %arg2[%add3A_479, %dma_start3A_480] : memref<4096x4096xf32, #tpu.memory_space<hbm>> -> memref<1x4096xf32, #tpu.memory_space<hbm>>
        %dma_start3A_482 = arith.constant 0 : i32
        %dma_start3A_483 = tpu.memref_slice %arg2[%add3A_479, %dma_start3A_482] : memref<4096x4096xf32, #tpu.memory_space<hbm>> -> memref<1x4096xf32, #tpu.memory_space<hbm>>
        tpu.enqueue_dma source(%dma_start3A_483 : memref<1x4096xf32, #tpu.memory_space<hbm>>) target(%arg16 : memref<1x4096xf32, #tpu.memory_space<vmem>>) target_semaphore(%arg32 : memref<!tpu.dma_semaphore, #tpu.memory_space<semaphore_mem>>)
        %dma_start3A_484 = arith.constant 0 : i32
        %dma_start3A_485 = tpu.memref_slice %arg7[%add3A_476, %dma_start3A_484] : memref<128x1xi32, #tpu.memory_space<vmem>> -> memref<1x1xi32, #tpu.memory_space<vmem>>
        %dma_start3A_486 = tpu.memref_squeeze %dma_start3A_485 : memref<1x1xi32, #tpu.memory_space<vmem>> -> memref<1xi32, #tpu.memory_space<vmem>>
        %dma_start3A_487 = arith.constant 0 : i32
        %dma_start3A_488 = arith.constant 0 : i32
        %dma_start3A_489 = tpu.memref_slice %arg4[%dma_start3A_487, %dma_start3A_488] : memref<1000x4096xf32, #tpu.memory_space<hbm>> -> memref<1000x4096xf32, #tpu.memory_space<hbm>>
        tpu.enqueue_indirect_dma source(%dma_start3A_489 : memref<1000x4096xf32, #tpu.memory_space<hbm>>) target(%arg24 : memref<1x4096xf32, #tpu.memory_space<vmem>>) offsets(%dma_start3A_486 : memref<1xi32, #tpu.memory_space<vmem>>) semaphore(%arg40 : memref<!tpu.dma_semaphore, #tpu.memory_space<semaphore_mem>>)
      } else {
      }
      %scan3A_220 = arith.constant 0 : i32
      %scan3A_221 = arith.constant 0 : i32
      %scan3A_222 = arith.constant 32 : i32
      %scan3A_223 = arith.addi %scan3A_221, %scan3A_222 : i32
      %scan3A_224 = arith.constant 1 : i32
      %scan3A_225 = scf.for %scan3A_475 = %scan3A_221 to %scan3A_223 step %scan3A_224 iter_args(%scan3A_476 = %scan3A_220) -> (i32)  : i32 {
        %mul3A_477 = arith.constant 128 : i32
        %mul3A_478 = arith.muli %scan3A_475, %mul3A_477 : i32
        %add3A_479 = arith.constant 0 : i32
        %add3A_480 = arith.addi %mul3A_478, %add3A_479 : i32
        %get3A = arith.constant 0 : i32
        %get3A_481 = arith.index_cast %get3A : i32 to index
        %get3A_482 = arith.index_cast %add3A_480 : i32 to index
        %get3A_483 = tpu.vector_load %arg19[%get3A_481, %get3A_482] {strides = array<i32>} : memref<1x4096xf32, #tpu.memory_space<vmem>>, vector<1x16xf32>,
        %get3A_484 = vector.shape_cast %get3A_483 : vector<1x16xf32> to vector<16xf32>
        %swap3A = arith.constant 0 : i32
        %swap3A_485 = arith.index_cast %swap3A : i32 to index
        %swap3A_486 = arith.index_cast %add3A_480 : i32 to index
        %swap3A_487 = tpu.vector_load %arg11[%swap3A_485, %swap3A_486] {strides = array<i32>} : memref<1x4096xf32, #tpu.memory_space<vmem>>, vector<1x16xf32>,
        %swap3A_488 = vector.shape_cast %swap3A_487 : vector<1x16xf32> to vector<16xf32>
        %swap3A_489 = vector.shape_cast %get3A_484 : vector<16xf32> to vector<1x16xf32>
        tpu.vector_store %arg11[%swap3A_485, %swap3A_486], %swap3A_489 {add = true, strides = array<i32>} : memref<1x4096xf32, #tpu.memory_space<vmem>>, vector<1x16xf32>,
        %mul3A_490 = arith.constant 128 : i32
        %mul3A_491 = arith.muli %scan3A_475, %mul3A_490 : i32
        %add3A_492 = arith.constant 16 : i32
        %add3A_493 = arith.addi %mul3A_491, %add3A_492 : i32
        %get3A_494 = arith.constant 0 : i32
        %get3A_495 = arith.index_cast %get3A_494 : i32 to index
        %get3A_496 = arith.index_cast %add3A_493 : i32 to index
        %get3A_497 = tpu.vector_load %arg19[%get3A_495, %get3A_496] {strides = array<i32>} : memref<1x4096xf32, #tpu.memory_space<vmem>>, vector<1x16xf32>,
        %get3A_498 = vector.shape_cast %get3A_497 : vector<1x16xf32> to vector<16xf32>
        %swap3A_499 = arith.constant 0 : i32
        %swap3A_500 = arith.index_cast %swap3A_499 : i32 to index
        %swap3A_501 = arith.index_cast %add3A_493 : i32 to index
        %swap3A_502 = tpu.vector_load %arg11[%swap3A_500, %swap3A_501] {strides = array<i32>} : memref<1x4096xf32, #tpu.memory_space<vmem>>, vector<1x16xf32>,
        %swap3A_503 = vector.shape_cast %swap3A_502 : vector<1x16xf32> to vector<16xf32>
        %swap3A_504 = vector.shape_cast %get3A_498 : vector<16xf32> to vector<1x16xf32>
        tpu.vector_store %arg11[%swap3A_500, %swap3A_501], %swap3A_504 {add = true, strides = array<i32>} : memref<1x4096xf32, #tpu.memory_space<vmem>>, vector<1x16xf32>,
        %mul3A_505 = arith.constant 128 : i32
        %mul3A_506 = arith.muli %scan3A_475, %mul3A_505 : i32
        %add3A_507 = arith.constant 32 : i32
        %add3A_508 = arith.addi %mul3A_506, %add3A_507 : i32
        %get3A_509 = arith.constant 0 : i32
        %get3A_510 = arith.index_cast %get3A_509 : i32 to index
        %get3A_511 = arith.index_cast %add3A_508 : i32 to index
        %get3A_512 = tpu.vector_load %arg19[%get3A_510, %get3A_511] {strides = array<i32>} : memref<1x4096xf32, #tpu.memory_space<vmem>>, vector<1x16xf32>,
        %get3A_513 = vector.shape_cast %get3A_512 : vector<1x16xf32> to vector<16xf32>
        %swap3A_514 = arith.constant 0 : i32
        %swap3A_515 = arith.index_cast %swap3A_514 : i32 to index
        %swap3A_516 = arith.index_cast %add3A_508 : i32 to index
        %swap3A_517 = tpu.vector_load %arg11[%swap3A_515, %swap3A_516] {strides = array<i32>} : memref<1x4096xf32, #tpu.memory_space<vmem>>, vector<1x16xf32>,
        %swap3A_518 = vector.shape_cast %swap3A_517 : vector<1x16xf32> to vector<16xf32>
        %swap3A_519 = vector.shape_cast %get3A_513 : vector<16xf32> to vector<1x16xf32>
        tpu.vector_store %arg11[%swap3A_515, %swap3A_516], %swap3A_519 {add = true, strides = array<i32>} : memref<1x4096xf32, #tpu.memory_space<vmem>>, vector<1x16xf32>,
        %mul3A_520 = arith.constant 128 : i32
        %mul3A_521 = arith.muli %scan3A_475, %mul3A_520 : i32
        %add3A_522 = arith.constant 48 : i32
        %add3A_523 = arith.addi %mul3A_521, %add3A_522 : i32
        %get3A_524 = arith.constant 0 : i32
        %get3A_525 = arith.index_cast %get3A_524 : i32 to index
        %get3A_526 = arith.index_cast %add3A_523 : i32 to index
        %get3A_527 = tpu.vector_load %arg19[%get3A_525, %get3A_526] {strides = array<i32>} : memref<1x4096xf32, #tpu.memory_space<vmem>>, vector<1x16xf32>,
        %get3A_528 = vector.shape_cast %get3A_527 : vector<1x16xf32> to vector<16xf32>
        %swap3A_529 = arith.constant 0 : i32
        %swap3A_530 = arith.index_cast %swap3A_529 : i32 to index
        %swap3A_531 = arith.index_cast %add3A_523 : i32 to index
        %swap3A_532 = tpu.vector_load %arg11[%swap3A_530, %swap3A_531] {strides = array<i32>} : memref<1x4096xf32, #tpu.memory_space<vmem>>, vector<1x16xf32>,
        %swap3A_533 = vector.shape_cast %swap3A_532 : vector<1x16xf32> to vector<16xf32>
        %swap3A_534 = vector.shape_cast %get3A_528 : vector<16xf32> to vector<1x16xf32>
        tpu.vector_store %arg11[%swap3A_530, %swap3A_531], %swap3A_534 {add = true, strides = array<i32>} : memref<1x4096xf32, #tpu.memory_space<vmem>>, vector<1x16xf32>,
        %mul3A_535 = arith.constant 128 : i32
        %mul3A_536 = arith.muli %scan3A_475, %mul3A_535 : i32
        %add3A_537 = arith.constant 64 : i32
        %add3A_538 = arith.addi %mul3A_536, %add3A_537 : i32
        %get3A_539 = arith.constant 0 : i32
        %get3A_540 = arith.index_cast %get3A_539 : i32 to index
        %get3A_541 = arith.index_cast %add3A_538 : i32 to index
        %get3A_542 = tpu.vector_load %arg19[%get3A_540, %get3A_541] {strides = array<i32>} : memref<1x4096xf32, #tpu.memory_space<vmem>>, vector<1x16xf32>,
        %get3A_543 = vector.shape_cast %get3A_542 : vector<1x16xf32> to vector<16xf32>
        %swap3A_544 = arith.constant 0 : i32
        %swap3A_545 = arith.index_cast %swap3A_544 : i32 to index
        %swap3A_546 = arith.index_cast %add3A_538 : i32 to index
        %swap3A_547 = tpu.vector_load %arg11[%swap3A_545, %swap3A_546] {strides = array<i32>} : memref<1x4096xf32, #tpu.memory_space<vmem>>, vector<1x16xf32>,
        %swap3A_548 = vector.shape_cast %swap3A_547 : vector<1x16xf32> to vector<16xf32>
        %swap3A_549 = vector.shape_cast %get3A_543 : vector<16xf32> to vector<1x16xf32>
        tpu.vector_store %arg11[%swap3A_545, %swap3A_546], %swap3A_549 {add = true, strides = array<i32>} : memref<1x4096xf32, #tpu.memory_space<vmem>>, vector<1x16xf32>,
        %mul3A_550 = arith.constant 128 : i32
        %mul3A_551 = arith.muli %scan3A_475, %mul3A_550 : i32
        %add3A_552 = arith.constant 80 : i32
        %add3A_553 = arith.addi %mul3A_551, %add3A_552 : i32
        %get3A_554 = arith.constant 0 : i32
        %get3A_555 = arith.index_cast %get3A_554 : i32 to index
        %get3A_556 = arith.index_cast %add3A_553 : i32 to index
        %get3A_557 = tpu.vector_load %arg19[%get3A_555, %get3A_556] {strides = array<i32>} : memref<1x4096xf32, #tpu.memory_space<vmem>>, vector<1x16xf32>,
        %get3A_558 = vector.shape_cast %get3A_557 : vector<1x16xf32> to vector<16xf32>
        %swap3A_559 = arith.constant 0 : i32
        %swap3A_560 = arith.index_cast %swap3A_559 : i32 to index
        %swap3A_561 = arith.index_cast %add3A_553 : i32 to index
        %swap3A_562 = tpu.vector_load %arg11[%swap3A_560, %swap3A_561] {strides = array<i32>} : memref<1x4096xf32, #tpu.memory_space<vmem>>, vector<1x16xf32>,
        %swap3A_563 = vector.shape_cast %swap3A_562 : vector<1x16xf32> to vector<16xf32>
        %swap3A_564 = vector.shape_cast %get3A_558 : vector<16xf32> to vector<1x16xf32>
        tpu.vector_store %arg11[%swap3A_560, %swap3A_561], %swap3A_564 {add = true, strides = array<i32>} : memref<1x4096xf32, #tpu.memory_space<vmem>>, vector<1x16xf32>,
        %mul3A_565 = arith.constant 128 : i32
        %mul3A_566 = arith.muli %scan3A_475, %mul3A_565 : i32
        %add3A_567 = arith.constant 96 : i32
        %add3A_568 = arith.addi %mul3A_566, %add3A_567 : i32
        %get3A_569 = arith.constant 0 : i32
        %get3A_570 = arith.index_cast %get3A_569 : i32 to index
        %get3A_571 = arith.index_cast %add3A_568 : i32 to index
        %get3A_572 = tpu.vector_load %arg19[%get3A_570, %get3A_571] {strides = array<i32>} : memref<1x4096xf32, #tpu.memory_space<vmem>>, vector<1x16xf32>,
        %get3A_573 = vector.shape_cast %get3A_572 : vector<1x16xf32> to vector<16xf32>
        %swap3A_574 = arith.constant 0 : i32
        %swap3A_575 = arith.index_cast %swap3A_574 : i32 to index
        %swap3A_576 = arith.index_cast %add3A_568 : i32 to index
        %swap3A_577 = tpu.vector_load %arg11[%swap3A_575, %swap3A_576] {strides = array<i32>} : memref<1x4096xf32, #tpu.memory_space<vmem>>, vector<1x16xf32>,
        %swap3A_578 = vector.shape_cast %swap3A_577 : vector<1x16xf32> to vector<16xf32>
        %swap3A_579 = vector.shape_cast %get3A_573 : vector<16xf32> to vector<1x16xf32>
        tpu.vector_store %arg11[%swap3A_575, %swap3A_576], %swap3A_579 {add = true, strides = array<i32>} : memref<1x4096xf32, #tpu.memory_space<vmem>>, vector<1x16xf32>,
        %mul3A_580 = arith.constant 128 : i32
        %mul3A_581 = arith.muli %scan3A_475, %mul3A_580 : i32
        %add3A_582 = arith.constant 112 : i32
        %add3A_583 = arith.addi %mul3A_581, %add3A_582 : i32
        %get3A_584 = arith.constant 0 : i32
        %get3A_585 = arith.index_cast %get3A_584 : i32 to index
        %get3A_586 = arith.index_cast %add3A_583 : i32 to index
        %get3A_587 = tpu.vector_load %arg19[%get3A_585, %get3A_586] {strides = array<i32>} : memref<1x4096xf32, #tpu.memory_space<vmem>>, vector<1x16xf32>,
        %get3A_588 = vector.shape_cast %get3A_587 : vector<1x16xf32> to vector<16xf32>
        %swap3A_589 = arith.constant 0 : i32
        %swap3A_590 = arith.index_cast %swap3A_589 : i32 to index
        %swap3A_591 = arith.index_cast %add3A_583 : i32 to index
        %swap3A_592 = tpu.vector_load %arg11[%swap3A_590, %swap3A_591] {strides = array<i32>} : memref<1x4096xf32, #tpu.memory_space<vmem>>, vector<1x16xf32>,
        %swap3A_593 = vector.shape_cast %swap3A_592 : vector<1x16xf32> to vector<16xf32>
        %swap3A_594 = vector.shape_cast %get3A_588 : vector<16xf32> to vector<1x16xf32>
        tpu.vector_store %arg11[%swap3A_590, %swap3A_591], %swap3A_594 {add = true, strides = array<i32>} : memref<1x4096xf32, #tpu.memory_space<vmem>>, vector<1x16xf32>,
        %scan3A_595 = arith.constant 0 : i32
        scf.yield %scan3A_595 : i32
      }
      %scan3A_226 = arith.constant 32 : i32
      %mul3A_227 = arith.constant 1 : i32
      %mul3A_228 = arith.muli %add3A_190, %mul3A_227 : i32
      %add3A_229 = arith.addi %mul3A_2, %mul3A_228 : i32
      %dma_start3A_230 = arith.constant 0 : i32
      %dma_start3A_231 = tpu.memref_slice %arg6[%add3A_229, %dma_start3A_230] : memref<4096x4096xf32, #tpu.memory_space<hbm>> -> memref<1x4096xf32, #tpu.memory_space<hbm>>
      %dma_start3A_232 = arith.constant 0 : i32
      %dma_start3A_233 = tpu.memref_slice %arg6[%add3A_229, %dma_start3A_232] : memref<4096x4096xf32, #tpu.memory_space<hbm>> -> memref<1x4096xf32, #tpu.memory_space<hbm>>
      tpu.enqueue_dma source(%arg11 : memref<1x4096xf32, #tpu.memory_space<vmem>>) target(%dma_start3A_233 : memref<1x4096xf32, #tpu.memory_space<hbm>>) target_semaphore(%arg43 : memref<!tpu.dma_semaphore, #tpu.memory_space<semaphore_mem>>)
      %mul3A_234 = arith.constant 8 : i32
      %mul3A_235 = arith.muli %scan3A_95, %mul3A_234 : i32
      %add3A_236 = arith.constant 3 : i32
      %add3A_237 = arith.addi %mul3A_235, %add3A_236 : i32
      %mul3A_238 = arith.constant 1 : i32
      %mul3A_239 = arith.muli %add3A_237, %mul3A_238 : i32
      %add3A_240 = arith.addi %mul3A_2, %mul3A_239 : i32
      %dma_wait3A_241 = arith.constant 0 : i32
      %dma_wait3A_242 = tpu.memref_slice %arg2[%add3A_240, %dma_wait3A_241] : memref<4096x4096xf32, #tpu.memory_space<hbm>> -> memref<1x4096xf32, #tpu.memory_space<hbm>>
      %dma_wait3A_243 = arith.constant 0 : i32
      %dma_wait3A_244 = tpu.memref_slice %arg2[%add3A_240, %dma_wait3A_243] : memref<4096x4096xf32, #tpu.memory_space<hbm>> -> memref<1x4096xf32, #tpu.memory_space<hbm>>
      tpu.wait_dma2 semaphore(%arg28 : memref<!tpu.dma_semaphore, #tpu.memory_space<semaphore_mem>>) src(%dma_wait3A_244 : memref<1x4096xf32, #tpu.memory_space<hbm>>) dst(%arg12 : memref<1x4096xf32, #tpu.memory_space<vmem>>)
      %dma_wait3A_245 = arith.constant 0 : i32
      %dma_wait3A_246 = tpu.memref_slice %arg7[%add3A_237, %dma_wait3A_245] : memref<128x1xi32, #tpu.memory_space<vmem>> -> memref<1x1xi32, #tpu.memory_space<vmem>>
      %dma_wait3A_247 = tpu.memref_squeeze %dma_wait3A_246 : memref<1x1xi32, #tpu.memory_space<vmem>> -> memref<1xi32, #tpu.memory_space<vmem>>
      %dma_wait3A_248 = arith.constant 0 : i32
      %dma_wait3A_249 = arith.constant 0 : i32
      %dma_wait3A_250 = tpu.memref_slice %arg4[%dma_wait3A_248, %dma_wait3A_249] : memref<1000x4096xf32, #tpu.memory_space<hbm>> -> memref<1000x4096xf32, #tpu.memory_space<hbm>>
      tpu.wait_indirect_dma semaphore(%arg36 : memref<!tpu.dma_semaphore, #tpu.memory_space<semaphore_mem>>) src(%dma_wait3A_250 : memref<1000x4096xf32, #tpu.memory_space<hbm>>) dst(%arg20 : memref<1x4096xf32, #tpu.memory_space<vmem>>)
      %add3A_251 = arith.constant 5 : i32
      %add3A_252 = arith.addi %add3A_237, %add3A_251 : i32
      %sub3A_253 = arith.constant 8 : i32
      %sub3A_254 = arith.subi %add3A_252, %sub3A_253 : i32
      %ge3A_255 = arith.constant 0 : i32
      %ge3A_256 = arith.cmpi sge, %sub3A_254, %ge3A_255 : i32
      %convert_element_type3A_257 = arith.extui %ge3A_256 : i1 to i32
      %cond3A_258 = arith.constant 0 : i32
      %cond3A_259 = arith.cmpi ne, %convert_element_type3A_257, %cond3A_258 : i32
      scf.if %cond3A_259 {
        %mul3A_475 = arith.constant 1 : i32
        %mul3A_476 = arith.muli %sub3A_254, %mul3A_475 : i32
        %add3A_477 = arith.addi %mul3A_2, %mul3A_476 : i32
        %dma_wait3A_478 = arith.constant 0 : i32
        %dma_wait3A_479 = tpu.memref_slice %arg6[%add3A_477, %dma_wait3A_478] : memref<4096x4096xf32, #tpu.memory_space<hbm>> -> memref<1x4096xf32, #tpu.memory_space<hbm>>
        %dma_wait3A_480 = arith.constant 0 : i32
        %dma_wait3A_481 = tpu.memref_slice %arg6[%add3A_477, %dma_wait3A_480] : memref<4096x4096xf32, #tpu.memory_space<hbm>> -> memref<1x4096xf32, #tpu.memory_space<hbm>>
        tpu.wait_dma2 semaphore(%arg41 : memref<!tpu.dma_semaphore, #tpu.memory_space<semaphore_mem>>) src(%arg9 : memref<1x4096xf32, #tpu.memory_space<vmem>>) dst(%dma_wait3A_481 : memref<1x4096xf32, #tpu.memory_space<hbm>>)
      } else {
      }
      %add3A_260 = arith.constant 5 : i32
      %add3A_261 = arith.addi %add3A_237, %add3A_260 : i32
      %lt3A_262 = arith.constant 128 : i32
      %lt3A_263 = arith.cmpi slt, %add3A_261, %lt3A_262 : i32
      %convert_element_type3A_264 = arith.extui %lt3A_263 : i1 to i32
      %cond3A_265 = arith.constant 0 : i32
      %cond3A_266 = arith.cmpi ne, %convert_element_type3A_264, %cond3A_265 : i32
      scf.if %cond3A_266 {
        %add3A_475 = arith.constant 5 : i32
        %add3A_476 = arith.addi %add3A_237, %add3A_475 : i32
        %mul3A_477 = arith.constant 1 : i32
        %mul3A_478 = arith.muli %add3A_476, %mul3A_477 : i32
        %add3A_479 = arith.addi %mul3A_2, %mul3A_478 : i32
        %dma_start3A_480 = arith.constant 0 : i32
        %dma_start3A_481 = tpu.memref_slice %arg2[%add3A_479, %dma_start3A_480] : memref<4096x4096xf32, #tpu.memory_space<hbm>> -> memref<1x4096xf32, #tpu.memory_space<hbm>>
        %dma_start3A_482 = arith.constant 0 : i32
        %dma_start3A_483 = tpu.memref_slice %arg2[%add3A_479, %dma_start3A_482] : memref<4096x4096xf32, #tpu.memory_space<hbm>> -> memref<1x4096xf32, #tpu.memory_space<hbm>>
        tpu.enqueue_dma source(%dma_start3A_483 : memref<1x4096xf32, #tpu.memory_space<hbm>>) target(%arg9 : memref<1x4096xf32, #tpu.memory_space<vmem>>) target_semaphore(%arg25 : memref<!tpu.dma_semaphore, #tpu.memory_space<semaphore_mem>>)
        %dma_start3A_484 = arith.constant 0 : i32
        %dma_start3A_485 = tpu.memref_slice %arg7[%add3A_476, %dma_start3A_484] : memref<128x1xi32, #tpu.memory_space<vmem>> -> memref<1x1xi32, #tpu.memory_space<vmem>>
        %dma_start3A_486 = tpu.memref_squeeze %dma_start3A_485 : memref<1x1xi32, #tpu.memory_space<vmem>> -> memref<1xi32, #tpu.memory_space<vmem>>
        %dma_start3A_487 = arith.constant 0 : i32
        %dma_start3A_488 = arith.constant 0 : i32
        %dma_start3A_489 = tpu.memref_slice %arg4[%dma_start3A_487, %dma_start3A_488] : memref<1000x4096xf32, #tpu.memory_space<hbm>> -> memref<1000x4096xf32, #tpu.memory_space<hbm>>
        tpu.enqueue_indirect_dma source(%dma_start3A_489 : memref<1000x4096xf32, #tpu.memory_space<hbm>>) target(%arg17 : memref<1x4096xf32, #tpu.memory_space<vmem>>) offsets(%dma_start3A_486 : memref<1xi32, #tpu.memory_space<vmem>>) semaphore(%arg33 : memref<!tpu.dma_semaphore, #tpu.memory_space<semaphore_mem>>)
      } else {
      }
      %scan3A_267 = arith.constant 0 : i32
      %scan3A_268 = arith.constant 0 : i32
      %scan3A_269 = arith.constant 32 : i32
      %scan3A_270 = arith.addi %scan3A_268, %scan3A_269 : i32
      %scan3A_271 = arith.constant 1 : i32
      %scan3A_272 = scf.for %scan3A_475 = %scan3A_268 to %scan3A_270 step %scan3A_271 iter_args(%scan3A_476 = %scan3A_267) -> (i32)  : i32 {
        %mul3A_477 = arith.constant 128 : i32
        %mul3A_478 = arith.muli %scan3A_475, %mul3A_477 : i32
        %add3A_479 = arith.constant 0 : i32
        %add3A_480 = arith.addi %mul3A_478, %add3A_479 : i32
        %get3A = arith.constant 0 : i32
        %get3A_481 = arith.index_cast %get3A : i32 to index
        %get3A_482 = arith.index_cast %add3A_480 : i32 to index
        %get3A_483 = tpu.vector_load %arg20[%get3A_481, %get3A_482] {strides = array<i32>} : memref<1x4096xf32, #tpu.memory_space<vmem>>, vector<1x16xf32>,
        %get3A_484 = vector.shape_cast %get3A_483 : vector<1x16xf32> to vector<16xf32>
        %swap3A = arith.constant 0 : i32
        %swap3A_485 = arith.index_cast %swap3A : i32 to index
        %swap3A_486 = arith.index_cast %add3A_480 : i32 to index
        %swap3A_487 = tpu.vector_load %arg12[%swap3A_485, %swap3A_486] {strides = array<i32>} : memref<1x4096xf32, #tpu.memory_space<vmem>>, vector<1x16xf32>,
        %swap3A_488 = vector.shape_cast %swap3A_487 : vector<1x16xf32> to vector<16xf32>
        %swap3A_489 = vector.shape_cast %get3A_484 : vector<16xf32> to vector<1x16xf32>
        tpu.vector_store %arg12[%swap3A_485, %swap3A_486], %swap3A_489 {add = true, strides = array<i32>} : memref<1x4096xf32, #tpu.memory_space<vmem>>, vector<1x16xf32>,
        %mul3A_490 = arith.constant 128 : i32
        %mul3A_491 = arith.muli %scan3A_475, %mul3A_490 : i32
        %add3A_492 = arith.constant 16 : i32
        %add3A_493 = arith.addi %mul3A_491, %add3A_492 : i32
        %get3A_494 = arith.constant 0 : i32
        %get3A_495 = arith.index_cast %get3A_494 : i32 to index
        %get3A_496 = arith.index_cast %add3A_493 : i32 to index
        %get3A_497 = tpu.vector_load %arg20[%get3A_495, %get3A_496] {strides = array<i32>} : memref<1x4096xf32, #tpu.memory_space<vmem>>, vector<1x16xf32>,
        %get3A_498 = vector.shape_cast %get3A_497 : vector<1x16xf32> to vector<16xf32>
        %swap3A_499 = arith.constant 0 : i32
        %swap3A_500 = arith.index_cast %swap3A_499 : i32 to index
        %swap3A_501 = arith.index_cast %add3A_493 : i32 to index
        %swap3A_502 = tpu.vector_load %arg12[%swap3A_500, %swap3A_501] {strides = array<i32>} : memref<1x4096xf32, #tpu.memory_space<vmem>>, vector<1x16xf32>,
        %swap3A_503 = vector.shape_cast %swap3A_502 : vector<1x16xf32> to vector<16xf32>
        %swap3A_504 = vector.shape_cast %get3A_498 : vector<16xf32> to vector<1x16xf32>
        tpu.vector_store %arg12[%swap3A_500, %swap3A_501], %swap3A_504 {add = true, strides = array<i32>} : memref<1x4096xf32, #tpu.memory_space<vmem>>, vector<1x16xf32>,
        %mul3A_505 = arith.constant 128 : i32
        %mul3A_506 = arith.muli %scan3A_475, %mul3A_505 : i32
        %add3A_507 = arith.constant 32 : i32
        %add3A_508 = arith.addi %mul3A_506, %add3A_507 : i32
        %get3A_509 = arith.constant 0 : i32
        %get3A_510 = arith.index_cast %get3A_509 : i32 to index
        %get3A_511 = arith.index_cast %add3A_508 : i32 to index
        %get3A_512 = tpu.vector_load %arg20[%get3A_510, %get3A_511] {strides = array<i32>} : memref<1x4096xf32, #tpu.memory_space<vmem>>, vector<1x16xf32>,
        %get3A_513 = vector.shape_cast %get3A_512 : vector<1x16xf32> to vector<16xf32>
        %swap3A_514 = arith.constant 0 : i32
        %swap3A_515 = arith.index_cast %swap3A_514 : i32 to index
        %swap3A_516 = arith.index_cast %add3A_508 : i32 to index
        %swap3A_517 = tpu.vector_load %arg12[%swap3A_515, %swap3A_516] {strides = array<i32>} : memref<1x4096xf32, #tpu.memory_space<vmem>>, vector<1x16xf32>,
        %swap3A_518 = vector.shape_cast %swap3A_517 : vector<1x16xf32> to vector<16xf32>
        %swap3A_519 = vector.shape_cast %get3A_513 : vector<16xf32> to vector<1x16xf32>
        tpu.vector_store %arg12[%swap3A_515, %swap3A_516], %swap3A_519 {add = true, strides = array<i32>} : memref<1x4096xf32, #tpu.memory_space<vmem>>, vector<1x16xf32>,
        %mul3A_520 = arith.constant 128 : i32
        %mul3A_521 = arith.muli %scan3A_475, %mul3A_520 : i32
        %add3A_522 = arith.constant 48 : i32
        %add3A_523 = arith.addi %mul3A_521, %add3A_522 : i32
        %get3A_524 = arith.constant 0 : i32
        %get3A_525 = arith.index_cast %get3A_524 : i32 to index
        %get3A_526 = arith.index_cast %add3A_523 : i32 to index
        %get3A_527 = tpu.vector_load %arg20[%get3A_525, %get3A_526] {strides = array<i32>} : memref<1x4096xf32, #tpu.memory_space<vmem>>, vector<1x16xf32>,
        %get3A_528 = vector.shape_cast %get3A_527 : vector<1x16xf32> to vector<16xf32>
        %swap3A_529 = arith.constant 0 : i32
        %swap3A_530 = arith.index_cast %swap3A_529 : i32 to index
        %swap3A_531 = arith.index_cast %add3A_523 : i32 to index
        %swap3A_532 = tpu.vector_load %arg12[%swap3A_530, %swap3A_531] {strides = array<i32>} : memref<1x4096xf32, #tpu.memory_space<vmem>>, vector<1x16xf32>,
        %swap3A_533 = vector.shape_cast %swap3A_532 : vector<1x16xf32> to vector<16xf32>
        %swap3A_534 = vector.shape_cast %get3A_528 : vector<16xf32> to vector<1x16xf32>
        tpu.vector_store %arg12[%swap3A_530, %swap3A_531], %swap3A_534 {add = true, strides = array<i32>} : memref<1x4096xf32, #tpu.memory_space<vmem>>, vector<1x16xf32>,
        %mul3A_535 = arith.constant 128 : i32
        %mul3A_536 = arith.muli %scan3A_475, %mul3A_535 : i32
        %add3A_537 = arith.constant 64 : i32
        %add3A_538 = arith.addi %mul3A_536, %add3A_537 : i32
        %get3A_539 = arith.constant 0 : i32
        %get3A_540 = arith.index_cast %get3A_539 : i32 to index
        %get3A_541 = arith.index_cast %add3A_538 : i32 to index
        %get3A_542 = tpu.vector_load %arg20[%get3A_540, %get3A_541] {strides = array<i32>} : memref<1x4096xf32, #tpu.memory_space<vmem>>, vector<1x16xf32>,
        %get3A_543 = vector.shape_cast %get3A_542 : vector<1x16xf32> to vector<16xf32>
        %swap3A_544 = arith.constant 0 : i32
        %swap3A_545 = arith.index_cast %swap3A_544 : i32 to index
        %swap3A_546 = arith.index_cast %add3A_538 : i32 to index
        %swap3A_547 = tpu.vector_load %arg12[%swap3A_545, %swap3A_546] {strides = array<i32>} : memref<1x4096xf32, #tpu.memory_space<vmem>>, vector<1x16xf32>,
        %swap3A_548 = vector.shape_cast %swap3A_547 : vector<1x16xf32> to vector<16xf32>
        %swap3A_549 = vector.shape_cast %get3A_543 : vector<16xf32> to vector<1x16xf32>
        tpu.vector_store %arg12[%swap3A_545, %swap3A_546], %swap3A_549 {add = true, strides = array<i32>} : memref<1x4096xf32, #tpu.memory_space<vmem>>, vector<1x16xf32>,
        %mul3A_550 = arith.constant 128 : i32
        %mul3A_551 = arith.muli %scan3A_475, %mul3A_550 : i32
        %add3A_552 = arith.constant 80 : i32
        %add3A_553 = arith.addi %mul3A_551, %add3A_552 : i32
        %get3A_554 = arith.constant 0 : i32
        %get3A_555 = arith.index_cast %get3A_554 : i32 to index
        %get3A_556 = arith.index_cast %add3A_553 : i32 to index
        %get3A_557 = tpu.vector_load %arg20[%get3A_555, %get3A_556] {strides = array<i32>} : memref<1x4096xf32, #tpu.memory_space<vmem>>, vector<1x16xf32>,
        %get3A_558 = vector.shape_cast %get3A_557 : vector<1x16xf32> to vector<16xf32>
        %swap3A_559 = arith.constant 0 : i32
        %swap3A_560 = arith.index_cast %swap3A_559 : i32 to index
        %swap3A_561 = arith.index_cast %add3A_553 : i32 to index
        %swap3A_562 = tpu.vector_load %arg12[%swap3A_560, %swap3A_561] {strides = array<i32>} : memref<1x4096xf32, #tpu.memory_space<vmem>>, vector<1x16xf32>,
        %swap3A_563 = vector.shape_cast %swap3A_562 : vector<1x16xf32> to vector<16xf32>
        %swap3A_564 = vector.shape_cast %get3A_558 : vector<16xf32> to vector<1x16xf32>
        tpu.vector_store %arg12[%swap3A_560, %swap3A_561], %swap3A_564 {add = true, strides = array<i32>} : memref<1x4096xf32, #tpu.memory_space<vmem>>, vector<1x16xf32>,
        %mul3A_565 = arith.constant 128 : i32
        %mul3A_566 = arith.muli %scan3A_475, %mul3A_565 : i32
        %add3A_567 = arith.constant 96 : i32
        %add3A_568 = arith.addi %mul3A_566, %add3A_567 : i32
        %get3A_569 = arith.constant 0 : i32
        %get3A_570 = arith.index_cast %get3A_569 : i32 to index
        %get3A_571 = arith.index_cast %add3A_568 : i32 to index
        %get3A_572 = tpu.vector_load %arg20[%get3A_570, %get3A_571] {strides = array<i32>} : memref<1x4096xf32, #tpu.memory_space<vmem>>, vector<1x16xf32>,
        %get3A_573 = vector.shape_cast %get3A_572 : vector<1x16xf32> to vector<16xf32>
        %swap3A_574 = arith.constant 0 : i32
        %swap3A_575 = arith.index_cast %swap3A_574 : i32 to index
        %swap3A_576 = arith.index_cast %add3A_568 : i32 to index
        %swap3A_577 = tpu.vector_load %arg12[%swap3A_575, %swap3A_576] {strides = array<i32>} : memref<1x4096xf32, #tpu.memory_space<vmem>>, vector<1x16xf32>,
        %swap3A_578 = vector.shape_cast %swap3A_577 : vector<1x16xf32> to vector<16xf32>
        %swap3A_579 = vector.shape_cast %get3A_573 : vector<16xf32> to vector<1x16xf32>
        tpu.vector_store %arg12[%swap3A_575, %swap3A_576], %swap3A_579 {add = true, strides = array<i32>} : memref<1x4096xf32, #tpu.memory_space<vmem>>, vector<1x16xf32>,
        %mul3A_580 = arith.constant 128 : i32
        %mul3A_581 = arith.muli %scan3A_475, %mul3A_580 : i32
        %add3A_582 = arith.constant 112 : i32
        %add3A_583 = arith.addi %mul3A_581, %add3A_582 : i32
        %get3A_584 = arith.constant 0 : i32
        %get3A_585 = arith.index_cast %get3A_584 : i32 to index
        %get3A_586 = arith.index_cast %add3A_583 : i32 to index
        %get3A_587 = tpu.vector_load %arg20[%get3A_585, %get3A_586] {strides = array<i32>} : memref<1x4096xf32, #tpu.memory_space<vmem>>, vector<1x16xf32>,
        %get3A_588 = vector.shape_cast %get3A_587 : vector<1x16xf32> to vector<16xf32>
        %swap3A_589 = arith.constant 0 : i32
        %swap3A_590 = arith.index_cast %swap3A_589 : i32 to index
        %swap3A_591 = arith.index_cast %add3A_583 : i32 to index
        %swap3A_592 = tpu.vector_load %arg12[%swap3A_590, %swap3A_591] {strides = array<i32>} : memref<1x4096xf32, #tpu.memory_space<vmem>>, vector<1x16xf32>,
        %swap3A_593 = vector.shape_cast %swap3A_592 : vector<1x16xf32> to vector<16xf32>
        %swap3A_594 = vector.shape_cast %get3A_588 : vector<16xf32> to vector<1x16xf32>
        tpu.vector_store %arg12[%swap3A_590, %swap3A_591], %swap3A_594 {add = true, strides = array<i32>} : memref<1x4096xf32, #tpu.memory_space<vmem>>, vector<1x16xf32>,
        %scan3A_595 = arith.constant 0 : i32
        scf.yield %scan3A_595 : i32
      }
      %scan3A_273 = arith.constant 32 : i32
      %mul3A_274 = arith.constant 1 : i32
      %mul3A_275 = arith.muli %add3A_237, %mul3A_274 : i32
      %add3A_276 = arith.addi %mul3A_2, %mul3A_275 : i32
      %dma_start3A_277 = arith.constant 0 : i32
      %dma_start3A_278 = tpu.memref_slice %arg8[%add3A_237, %dma_start3A_277] : memref<128x1xi32, #tpu.memory_space<vmem>> -> memref<1x1xi32, #tpu.memory_space<vmem>>
      %dma_start3A_279 = tpu.memref_squeeze %dma_start3A_278 : memref<1x1xi32, #tpu.memory_space<vmem>> -> memref<1xi32, #tpu.memory_space<vmem>>
      %dma_start3A_280 = arith.constant 0 : i32
      %dma_start3A_281 = arith.constant 0 : i32
      %dma_start3A_282 = tpu.memref_slice %arg6[%dma_start3A_280, %dma_start3A_281] : memref<4096x4096xf32, #tpu.memory_space<hbm>> -> memref<4096x4096xf32, #tpu.memory_space<hbm>>
      tpu.enqueue_indirect_dma source(%arg12 : memref<1x4096xf32, #tpu.memory_space<vmem>>) target(%dma_start3A_282 : memref<4096x4096xf32, #tpu.memory_space<hbm>>) offsets(%dma_start3A_279 : memref<1xi32, #tpu.memory_space<vmem>>) semaphore(%arg44 : memref<!tpu.dma_semaphore, #tpu.memory_space<semaphore_mem>>)
      %mul3A_283 = arith.constant 8 : i32
      %mul3A_284 = arith.muli %scan3A_95, %mul3A_283 : i32
      %add3A_285 = arith.constant 4 : i32
      %add3A_286 = arith.addi %mul3A_284, %add3A_285 : i32
      %mul3A_287 = arith.constant 1 : i32
      %mul3A_288 = arith.muli %add3A_286, %mul3A_287 : i32
      %add3A_289 = arith.addi %mul3A_2, %mul3A_288 : i32
      %dma_wait3A_290 = arith.constant 0 : i32
      %dma_wait3A_291 = tpu.memref_slice %arg2[%add3A_289, %dma_wait3A_290] : memref<4096x4096xf32, #tpu.memory_space<hbm>> -> memref<1x4096xf32, #tpu.memory_space<hbm>>
      %dma_wait3A_292 = arith.constant 0 : i32
      %dma_wait3A_293 = tpu.memref_slice %arg2[%add3A_289, %dma_wait3A_292] : memref<4096x4096xf32, #tpu.memory_space<hbm>> -> memref<1x4096xf32, #tpu.memory_space<hbm>>
      tpu.wait_dma2 semaphore(%arg29 : memref<!tpu.dma_semaphore, #tpu.memory_space<semaphore_mem>>) src(%dma_wait3A_293 : memref<1x4096xf32, #tpu.memory_space<hbm>>) dst(%arg13 : memref<1x4096xf32, #tpu.memory_space<vmem>>)
      %dma_wait3A_294 = arith.constant 0 : i32
      %dma_wait3A_295 = tpu.memref_slice %arg7[%add3A_286, %dma_wait3A_294] : memref<128x1xi32, #tpu.memory_space<vmem>> -> memref<1x1xi32, #tpu.memory_space<vmem>>
      %dma_wait3A_296 = tpu.memref_squeeze %dma_wait3A_295 : memref<1x1xi32, #tpu.memory_space<vmem>> -> memref<1xi32, #tpu.memory_space<vmem>>
      %dma_wait3A_297 = arith.constant 0 : i32
      %dma_wait3A_298 = arith.constant 0 : i32
      %dma_wait3A_299 = tpu.memref_slice %arg4[%dma_wait3A_297, %dma_wait3A_298] : memref<1000x4096xf32, #tpu.memory_space<hbm>> -> memref<1000x4096xf32, #tpu.memory_space<hbm>>
      tpu.wait_indirect_dma semaphore(%arg37 : memref<!tpu.dma_semaphore, #tpu.memory_space<semaphore_mem>>) src(%dma_wait3A_299 : memref<1000x4096xf32, #tpu.memory_space<hbm>>) dst(%arg21 : memref<1x4096xf32, #tpu.memory_space<vmem>>)
      %add3A_300 = arith.constant 5 : i32
      %add3A_301 = arith.addi %add3A_286, %add3A_300 : i32
      %sub3A_302 = arith.constant 8 : i32
      %sub3A_303 = arith.subi %add3A_301, %sub3A_302 : i32
      %ge3A_304 = arith.constant 0 : i32
      %ge3A_305 = arith.cmpi sge, %sub3A_303, %ge3A_304 : i32
      %convert_element_type3A_306 = arith.extui %ge3A_305 : i1 to i32
      %cond3A_307 = arith.constant 0 : i32
      %cond3A_308 = arith.cmpi ne, %convert_element_type3A_306, %cond3A_307 : i32
      scf.if %cond3A_308 {
        %mul3A_475 = arith.constant 1 : i32
        %mul3A_476 = arith.muli %sub3A_303, %mul3A_475 : i32
        %add3A_477 = arith.addi %mul3A_2, %mul3A_476 : i32
        %dma_wait3A_478 = arith.constant 0 : i32
        %dma_wait3A_479 = tpu.memref_slice %arg8[%sub3A_303, %dma_wait3A_478] : memref<128x1xi32, #tpu.memory_space<vmem>> -> memref<1x1xi32, #tpu.memory_space<vmem>>
        %dma_wait3A_480 = tpu.memref_squeeze %dma_wait3A_479 : memref<1x1xi32, #tpu.memory_space<vmem>> -> memref<1xi32, #tpu.memory_space<vmem>>
        %dma_wait3A_481 = arith.constant 0 : i32
        %dma_wait3A_482 = arith.constant 0 : i32
        %dma_wait3A_483 = tpu.memref_slice %arg6[%dma_wait3A_481, %dma_wait3A_482] : memref<4096x4096xf32, #tpu.memory_space<hbm>> -> memref<4096x4096xf32, #tpu.memory_space<hbm>>
        tpu.wait_indirect_dma semaphore(%arg42 : memref<!tpu.dma_semaphore, #tpu.memory_space<semaphore_mem>>) src(%arg10 : memref<1x4096xf32, #tpu.memory_space<vmem>>) dst(%dma_wait3A_483 : memref<4096x4096xf32, #tpu.memory_space<hbm>>)
      } else {
      }
      %add3A_309 = arith.constant 5 : i32
      %add3A_310 = arith.addi %add3A_286, %add3A_309 : i32
      %lt3A_311 = arith.constant 128 : i32
      %lt3A_312 = arith.cmpi slt, %add3A_310, %lt3A_311 : i32
      %convert_element_type3A_313 = arith.extui %lt3A_312 : i1 to i32
      %cond3A_314 = arith.constant 0 : i32
      %cond3A_315 = arith.cmpi ne, %convert_element_type3A_313, %cond3A_314 : i32
      scf.if %cond3A_315 {
        %add3A_475 = arith.constant 5 : i32
        %add3A_476 = arith.addi %add3A_286, %add3A_475 : i32
        %mul3A_477 = arith.constant 1 : i32
        %mul3A_478 = arith.muli %add3A_476, %mul3A_477 : i32
        %add3A_479 = arith.addi %mul3A_2, %mul3A_478 : i32
        %dma_start3A_480 = arith.constant 0 : i32
        %dma_start3A_481 = tpu.memref_slice %arg2[%add3A_479, %dma_start3A_480] : memref<4096x4096xf32, #tpu.memory_space<hbm>> -> memref<1x4096xf32, #tpu.memory_space<hbm>>
        %dma_start3A_482 = arith.constant 0 : i32
        %dma_start3A_483 = tpu.memref_slice %arg2[%add3A_479, %dma_start3A_482] : memref<4096x4096xf32, #tpu.memory_space<hbm>> -> memref<1x4096xf32, #tpu.memory_space<hbm>>
        tpu.enqueue_dma source(%dma_start3A_483 : memref<1x4096xf32, #tpu.memory_space<hbm>>) target(%arg10 : memref<1x4096xf32, #tpu.memory_space<vmem>>) target_semaphore(%arg26 : memref<!tpu.dma_semaphore, #tpu.memory_space<semaphore_mem>>)
        %dma_start3A_484 = arith.constant 0 : i32
        %dma_start3A_485 = tpu.memref_slice %arg7[%add3A_476, %dma_start3A_484] : memref<128x1xi32, #tpu.memory_space<vmem>> -> memref<1x1xi32, #tpu.memory_space<vmem>>
        %dma_start3A_486 = tpu.memref_squeeze %dma_start3A_485 : memref<1x1xi32, #tpu.memory_space<vmem>> -> memref<1xi32, #tpu.memory_space<vmem>>
        %dma_start3A_487 = arith.constant 0 : i32
        %dma_start3A_488 = arith.constant 0 : i32
        %dma_start3A_489 = tpu.memref_slice %arg4[%dma_start3A_487, %dma_start3A_488] : memref<1000x4096xf32, #tpu.memory_space<hbm>> -> memref<1000x4096xf32, #tpu.memory_space<hbm>>
        tpu.enqueue_indirect_dma source(%dma_start3A_489 : memref<1000x4096xf32, #tpu.memory_space<hbm>>) target(%arg18 : memref<1x4096xf32, #tpu.memory_space<vmem>>) offsets(%dma_start3A_486 : memref<1xi32, #tpu.memory_space<vmem>>) semaphore(%arg34 : memref<!tpu.dma_semaphore, #tpu.memory_space<semaphore_mem>>)
      } else {
      }
      %scan3A_316 = arith.constant 0 : i32
      %scan3A_317 = arith.constant 0 : i32
      %scan3A_318 = arith.constant 32 : i32
      %scan3A_319 = arith.addi %scan3A_317, %scan3A_318 : i32
      %scan3A_320 = arith.constant 1 : i32
      %scan3A_321 = scf.for %scan3A_475 = %scan3A_317 to %scan3A_319 step %scan3A_320 iter_args(%scan3A_476 = %scan3A_316) -> (i32)  : i32 {
        %mul3A_477 = arith.constant 128 : i32
        %mul3A_478 = arith.muli %scan3A_475, %mul3A_477 : i32
        %add3A_479 = arith.constant 0 : i32
        %add3A_480 = arith.addi %mul3A_478, %add3A_479 : i32
        %get3A = arith.constant 0 : i32
        %get3A_481 = arith.index_cast %get3A : i32 to index
        %get3A_482 = arith.index_cast %add3A_480 : i32 to index
        %get3A_483 = tpu.vector_load %arg21[%get3A_481, %get3A_482] {strides = array<i32>} : memref<1x4096xf32, #tpu.memory_space<vmem>>, vector<1x16xf32>,
        %get3A_484 = vector.shape_cast %get3A_483 : vector<1x16xf32> to vector<16xf32>
        %swap3A = arith.constant 0 : i32
        %swap3A_485 = arith.index_cast %swap3A : i32 to index
        %swap3A_486 = arith.index_cast %add3A_480 : i32 to index
        %swap3A_487 = tpu.vector_load %arg13[%swap3A_485, %swap3A_486] {strides = array<i32>} : memref<1x4096xf32, #tpu.memory_space<vmem>>, vector<1x16xf32>,
        %swap3A_488 = vector.shape_cast %swap3A_487 : vector<1x16xf32> to vector<16xf32>
        %swap3A_489 = vector.shape_cast %get3A_484 : vector<16xf32> to vector<1x16xf32>
        tpu.vector_store %arg13[%swap3A_485, %swap3A_486], %swap3A_489 {add = true, strides = array<i32>} : memref<1x4096xf32, #tpu.memory_space<vmem>>, vector<1x16xf32>,
        %mul3A_490 = arith.constant 128 : i32
        %mul3A_491 = arith.muli %scan3A_475, %mul3A_490 : i32
        %add3A_492 = arith.constant 16 : i32
        %add3A_493 = arith.addi %mul3A_491, %add3A_492 : i32
        %get3A_494 = arith.constant 0 : i32
        %get3A_495 = arith.index_cast %get3A_494 : i32 to index
        %get3A_496 = arith.index_cast %add3A_493 : i32 to index
        %get3A_497 = tpu.vector_load %arg21[%get3A_495, %get3A_496] {strides = array<i32>} : memref<1x4096xf32, #tpu.memory_space<vmem>>, vector<1x16xf32>,
        %get3A_498 = vector.shape_cast %get3A_497 : vector<1x16xf32> to vector<16xf32>
        %swap3A_499 = arith.constant 0 : i32
        %swap3A_500 = arith.index_cast %swap3A_499 : i32 to index
        %swap3A_501 = arith.index_cast %add3A_493 : i32 to index
        %swap3A_502 = tpu.vector_load %arg13[%swap3A_500, %swap3A_501] {strides = array<i32>} : memref<1x4096xf32, #tpu.memory_space<vmem>>, vector<1x16xf32>,
        %swap3A_503 = vector.shape_cast %swap3A_502 : vector<1x16xf32> to vector<16xf32>
        %swap3A_504 = vector.shape_cast %get3A_498 : vector<16xf32> to vector<1x16xf32>
        tpu.vector_store %arg13[%swap3A_500, %swap3A_501], %swap3A_504 {add = true, strides = array<i32>} : memref<1x4096xf32, #tpu.memory_space<vmem>>, vector<1x16xf32>,
        %mul3A_505 = arith.constant 128 : i32
        %mul3A_506 = arith.muli %scan3A_475, %mul3A_505 : i32
        %add3A_507 = arith.constant 32 : i32
        %add3A_508 = arith.addi %mul3A_506, %add3A_507 : i32
        %get3A_509 = arith.constant 0 : i32
        %get3A_510 = arith.index_cast %get3A_509 : i32 to index
        %get3A_511 = arith.index_cast %add3A_508 : i32 to index
        %get3A_512 = tpu.vector_load %arg21[%get3A_510, %get3A_511] {strides = array<i32>} : memref<1x4096xf32, #tpu.memory_space<vmem>>, vector<1x16xf32>,
        %get3A_513 = vector.shape_cast %get3A_512 : vector<1x16xf32> to vector<16xf32>
        %swap3A_514 = arith.constant 0 : i32
        %swap3A_515 = arith.index_cast %swap3A_514 : i32 to index
        %swap3A_516 = arith.index_cast %add3A_508 : i32 to index
        %swap3A_517 = tpu.vector_load %arg13[%swap3A_515, %swap3A_516] {strides = array<i32>} : memref<1x4096xf32, #tpu.memory_space<vmem>>, vector<1x16xf32>,
        %swap3A_518 = vector.shape_cast %swap3A_517 : vector<1x16xf32> to vector<16xf32>
        %swap3A_519 = vector.shape_cast %get3A_513 : vector<16xf32> to vector<1x16xf32>
        tpu.vector_store %arg13[%swap3A_515, %swap3A_516], %swap3A_519 {add = true, strides = array<i32>} : memref<1x4096xf32, #tpu.memory_space<vmem>>, vector<1x16xf32>,
        %mul3A_520 = arith.constant 128 : i32
        %mul3A_521 = arith.muli %scan3A_475, %mul3A_520 : i32
        %add3A_522 = arith.constant 48 : i32
        %add3A_523 = arith.addi %mul3A_521, %add3A_522 : i32
        %get3A_524 = arith.constant 0 : i32
        %get3A_525 = arith.index_cast %get3A_524 : i32 to index
        %get3A_526 = arith.index_cast %add3A_523 : i32 to index
        %get3A_527 = tpu.vector_load %arg21[%get3A_525, %get3A_526] {strides = array<i32>} : memref<1x4096xf32, #tpu.memory_space<vmem>>, vector<1x16xf32>,
        %get3A_528 = vector.shape_cast %get3A_527 : vector<1x16xf32> to vector<16xf32>
        %swap3A_529 = arith.constant 0 : i32
        %swap3A_530 = arith.index_cast %swap3A_529 : i32 to index
        %swap3A_531 = arith.index_cast %add3A_523 : i32 to index
        %swap3A_532 = tpu.vector_load %arg13[%swap3A_530, %swap3A_531] {strides = array<i32>} : memref<1x4096xf32, #tpu.memory_space<vmem>>, vector<1x16xf32>,
        %swap3A_533 = vector.shape_cast %swap3A_532 : vector<1x16xf32> to vector<16xf32>
        %swap3A_534 = vector.shape_cast %get3A_528 : vector<16xf32> to vector<1x16xf32>
        tpu.vector_store %arg13[%swap3A_530, %swap3A_531], %swap3A_534 {add = true, strides = array<i32>} : memref<1x4096xf32, #tpu.memory_space<vmem>>, vector<1x16xf32>,
        %mul3A_535 = arith.constant 128 : i32
        %mul3A_536 = arith.muli %scan3A_475, %mul3A_535 : i32
        %add3A_537 = arith.constant 64 : i32
        %add3A_538 = arith.addi %mul3A_536, %add3A_537 : i32
        %get3A_539 = arith.constant 0 : i32
        %get3A_540 = arith.index_cast %get3A_539 : i32 to index
        %get3A_541 = arith.index_cast %add3A_538 : i32 to index
        %get3A_542 = tpu.vector_load %arg21[%get3A_540, %get3A_541] {strides = array<i32>} : memref<1x4096xf32, #tpu.memory_space<vmem>>, vector<1x16xf32>,
        %get3A_543 = vector.shape_cast %get3A_542 : vector<1x16xf32> to vector<16xf32>
        %swap3A_544 = arith.constant 0 : i32
        %swap3A_545 = arith.index_cast %swap3A_544 : i32 to index
        %swap3A_546 = arith.index_cast %add3A_538 : i32 to index
        %swap3A_547 = tpu.vector_load %arg13[%swap3A_545, %swap3A_546] {strides = array<i32>} : memref<1x4096xf32, #tpu.memory_space<vmem>>, vector<1x16xf32>,
        %swap3A_548 = vector.shape_cast %swap3A_547 : vector<1x16xf32> to vector<16xf32>
        %swap3A_549 = vector.shape_cast %get3A_543 : vector<16xf32> to vector<1x16xf32>
        tpu.vector_store %arg13[%swap3A_545, %swap3A_546], %swap3A_549 {add = true, strides = array<i32>} : memref<1x4096xf32, #tpu.memory_space<vmem>>, vector<1x16xf32>,
        %mul3A_550 = arith.constant 128 : i32
        %mul3A_551 = arith.muli %scan3A_475, %mul3A_550 : i32
        %add3A_552 = arith.constant 80 : i32
        %add3A_553 = arith.addi %mul3A_551, %add3A_552 : i32
        %get3A_554 = arith.constant 0 : i32
        %get3A_555 = arith.index_cast %get3A_554 : i32 to index
        %get3A_556 = arith.index_cast %add3A_553 : i32 to index
        %get3A_557 = tpu.vector_load %arg21[%get3A_555, %get3A_556] {strides = array<i32>} : memref<1x4096xf32, #tpu.memory_space<vmem>>, vector<1x16xf32>,
        %get3A_558 = vector.shape_cast %get3A_557 : vector<1x16xf32> to vector<16xf32>
        %swap3A_559 = arith.constant 0 : i32
        %swap3A_560 = arith.index_cast %swap3A_559 : i32 to index
        %swap3A_561 = arith.index_cast %add3A_553 : i32 to index
        %swap3A_562 = tpu.vector_load %arg13[%swap3A_560, %swap3A_561] {strides = array<i32>} : memref<1x4096xf32, #tpu.memory_space<vmem>>, vector<1x16xf32>,
        %swap3A_563 = vector.shape_cast %swap3A_562 : vector<1x16xf32> to vector<16xf32>
        %swap3A_564 = vector.shape_cast %get3A_558 : vector<16xf32> to vector<1x16xf32>
        tpu.vector_store %arg13[%swap3A_560, %swap3A_561], %swap3A_564 {add = true, strides = array<i32>} : memref<1x4096xf32, #tpu.memory_space<vmem>>, vector<1x16xf32>,
        %mul3A_565 = arith.constant 128 : i32
        %mul3A_566 = arith.muli %scan3A_475, %mul3A_565 : i32
        %add3A_567 = arith.constant 96 : i32
        %add3A_568 = arith.addi %mul3A_566, %add3A_567 : i32
        %get3A_569 = arith.constant 0 : i32
        %get3A_570 = arith.index_cast %get3A_569 : i32 to index
        %get3A_571 = arith.index_cast %add3A_568 : i32 to index
        %get3A_572 = tpu.vector_load %arg21[%get3A_570, %get3A_571] {strides = array<i32>} : memref<1x4096xf32, #tpu.memory_space<vmem>>, vector<1x16xf32>,
        %get3A_573 = vector.shape_cast %get3A_572 : vector<1x16xf32> to vector<16xf32>
        %swap3A_574 = arith.constant 0 : i32
        %swap3A_575 = arith.index_cast %swap3A_574 : i32 to index
        %swap3A_576 = arith.index_cast %add3A_568 : i32 to index
        %swap3A_577 = tpu.vector_load %arg13[%swap3A_575, %swap3A_576] {strides = array<i32>} : memref<1x4096xf32, #tpu.memory_space<vmem>>, vector<1x16xf32>,
        %swap3A_578 = vector.shape_cast %swap3A_577 : vector<1x16xf32> to vector<16xf32>
        %swap3A_579 = vector.shape_cast %get3A_573 : vector<16xf32> to vector<1x16xf32>
        tpu.vector_store %arg13[%swap3A_575, %swap3A_576], %swap3A_579 {add = true, strides = array<i32>} : memref<1x4096xf32, #tpu.memory_space<vmem>>, vector<1x16xf32>,
        %mul3A_580 = arith.constant 128 : i32
        %mul3A_581 = arith.muli %scan3A_475, %mul3A_580 : i32
        %add3A_582 = arith.constant 112 : i32
        %add3A_583 = arith.addi %mul3A_581, %add3A_582 : i32
        %get3A_584 = arith.constant 0 : i32
        %get3A_585 = arith.index_cast %get3A_584 : i32 to index
        %get3A_586 = arith.index_cast %add3A_583 : i32 to index
        %get3A_587 = tpu.vector_load %arg21[%get3A_585, %get3A_586] {strides = array<i32>} : memref<1x4096xf32, #tpu.memory_space<vmem>>, vector<1x16xf32>,
        %get3A_588 = vector.shape_cast %get3A_587 : vector<1x16xf32> to vector<16xf32>
        %swap3A_589 = arith.constant 0 : i32
        %swap3A_590 = arith.index_cast %swap3A_589 : i32 to index
        %swap3A_591 = arith.index_cast %add3A_583 : i32 to index
        %swap3A_592 = tpu.vector_load %arg13[%swap3A_590, %swap3A_591] {strides = array<i32>} : memref<1x4096xf32, #tpu.memory_space<vmem>>, vector<1x16xf32>,
        %swap3A_593 = vector.shape_cast %swap3A_592 : vector<1x16xf32> to vector<16xf32>
        %swap3A_594 = vector.shape_cast %get3A_588 : vector<16xf32> to vector<1x16xf32>
        tpu.vector_store %arg13[%swap3A_590, %swap3A_591], %swap3A_594 {add = true, strides = array<i32>} : memref<1x4096xf32, #tpu.memory_space<vmem>>, vector<1x16xf32>,
        %scan3A_595 = arith.constant 0 : i32
        scf.yield %scan3A_595 : i32
      }
      %scan3A_322 = arith.constant 32 : i32
      %mul3A_323 = arith.constant 1 : i32
      %mul3A_324 = arith.muli %add3A_286, %mul3A_323 : i32
      %add3A_325 = arith.addi %mul3A_2, %mul3A_324 : i32
      %dma_start3A_326 = arith.constant 0 : i32
      %dma_start3A_327 = tpu.memref_slice %arg6[%add3A_325, %dma_start3A_326] : memref<4096x4096xf32, #tpu.memory_space<hbm>> -> memref<1x4096xf32, #tpu.memory_space<hbm>>
      %dma_start3A_328 = arith.constant 0 : i32
      %dma_start3A_329 = tpu.memref_slice %arg6[%add3A_325, %dma_start3A_328] : memref<4096x4096xf32, #tpu.memory_space<hbm>> -> memref<1x4096xf32, #tpu.memory_space<hbm>>
      tpu.enqueue_dma source(%arg13 : memref<1x4096xf32, #tpu.memory_space<vmem>>) target(%dma_start3A_329 : memref<1x4096xf32, #tpu.memory_space<hbm>>) target_semaphore(%arg45 : memref<!tpu.dma_semaphore, #tpu.memory_space<semaphore_mem>>)
      %mul3A_330 = arith.constant 8 : i32
      %mul3A_331 = arith.muli %scan3A_95, %mul3A_330 : i32
      %add3A_332 = arith.constant 5 : i32
      %add3A_333 = arith.addi %mul3A_331, %add3A_332 : i32
      %mul3A_334 = arith.constant 1 : i32
      %mul3A_335 = arith.muli %add3A_333, %mul3A_334 : i32
      %add3A_336 = arith.addi %mul3A_2, %mul3A_335 : i32
      %dma_wait3A_337 = arith.constant 0 : i32
      %dma_wait3A_338 = tpu.memref_slice %arg2[%add3A_336, %dma_wait3A_337] : memref<4096x4096xf32, #tpu.memory_space<hbm>> -> memref<1x4096xf32, #tpu.memory_space<hbm>>
      %dma_wait3A_339 = arith.constant 0 : i32
      %dma_wait3A_340 = tpu.memref_slice %arg2[%add3A_336, %dma_wait3A_339] : memref<4096x4096xf32, #tpu.memory_space<hbm>> -> memref<1x4096xf32, #tpu.memory_space<hbm>>
      tpu.wait_dma2 semaphore(%arg30 : memref<!tpu.dma_semaphore, #tpu.memory_space<semaphore_mem>>) src(%dma_wait3A_340 : memref<1x4096xf32, #tpu.memory_space<hbm>>) dst(%arg14 : memref<1x4096xf32, #tpu.memory_space<vmem>>)
      %dma_wait3A_341 = arith.constant 0 : i32
      %dma_wait3A_342 = tpu.memref_slice %arg7[%add3A_333, %dma_wait3A_341] : memref<128x1xi32, #tpu.memory_space<vmem>> -> memref<1x1xi32, #tpu.memory_space<vmem>>
      %dma_wait3A_343 = tpu.memref_squeeze %dma_wait3A_342 : memref<1x1xi32, #tpu.memory_space<vmem>> -> memref<1xi32, #tpu.memory_space<vmem>>
      %dma_wait3A_344 = arith.constant 0 : i32
      %dma_wait3A_345 = arith.constant 0 : i32
      %dma_wait3A_346 = tpu.memref_slice %arg4[%dma_wait3A_344, %dma_wait3A_345] : memref<1000x4096xf32, #tpu.memory_space<hbm>> -> memref<1000x4096xf32, #tpu.memory_space<hbm>>
      tpu.wait_indirect_dma semaphore(%arg38 : memref<!tpu.dma_semaphore, #tpu.memory_space<semaphore_mem>>) src(%dma_wait3A_346 : memref<1000x4096xf32, #tpu.memory_space<hbm>>) dst(%arg22 : memref<1x4096xf32, #tpu.memory_space<vmem>>)
      %add3A_347 = arith.constant 5 : i32
      %add3A_348 = arith.addi %add3A_333, %add3A_347 : i32
      %sub3A_349 = arith.constant 8 : i32
      %sub3A_350 = arith.subi %add3A_348, %sub3A_349 : i32
      %ge3A_351 = arith.constant 0 : i32
      %ge3A_352 = arith.cmpi sge, %sub3A_350, %ge3A_351 : i32
      %convert_element_type3A_353 = arith.extui %ge3A_352 : i1 to i32
      %cond3A_354 = arith.constant 0 : i32
      %cond3A_355 = arith.cmpi ne, %convert_element_type3A_353, %cond3A_354 : i32
      scf.if %cond3A_355 {
        %mul3A_475 = arith.constant 1 : i32
        %mul3A_476 = arith.muli %sub3A_350, %mul3A_475 : i32
        %add3A_477 = arith.addi %mul3A_2, %mul3A_476 : i32
        %dma_wait3A_478 = arith.constant 0 : i32
        %dma_wait3A_479 = tpu.memref_slice %arg6[%add3A_477, %dma_wait3A_478] : memref<4096x4096xf32, #tpu.memory_space<hbm>> -> memref<1x4096xf32, #tpu.memory_space<hbm>>
        %dma_wait3A_480 = arith.constant 0 : i32
        %dma_wait3A_481 = tpu.memref_slice %arg6[%add3A_477, %dma_wait3A_480] : memref<4096x4096xf32, #tpu.memory_space<hbm>> -> memref<1x4096xf32, #tpu.memory_space<hbm>>
        tpu.wait_dma2 semaphore(%arg43 : memref<!tpu.dma_semaphore, #tpu.memory_space<semaphore_mem>>) src(%arg11 : memref<1x4096xf32, #tpu.memory_space<vmem>>) dst(%dma_wait3A_481 : memref<1x4096xf32, #tpu.memory_space<hbm>>)
      } else {
      }
      %add3A_356 = arith.constant 5 : i32
      %add3A_357 = arith.addi %add3A_333, %add3A_356 : i32
      %lt3A_358 = arith.constant 128 : i32
      %lt3A_359 = arith.cmpi slt, %add3A_357, %lt3A_358 : i32
      %convert_element_type3A_360 = arith.extui %lt3A_359 : i1 to i32
      %cond3A_361 = arith.constant 0 : i32
      %cond3A_362 = arith.cmpi ne, %convert_element_type3A_360, %cond3A_361 : i32
      scf.if %cond3A_362 {
        %add3A_475 = arith.constant 5 : i32
        %add3A_476 = arith.addi %add3A_333, %add3A_475 : i32
        %mul3A_477 = arith.constant 1 : i32
        %mul3A_478 = arith.muli %add3A_476, %mul3A_477 : i32
        %add3A_479 = arith.addi %mul3A_2, %mul3A_478 : i32
        %dma_start3A_480 = arith.constant 0 : i32
        %dma_start3A_481 = tpu.memref_slice %arg2[%add3A_479, %dma_start3A_480] : memref<4096x4096xf32, #tpu.memory_space<hbm>> -> memref<1x4096xf32, #tpu.memory_space<hbm>>
        %dma_start3A_482 = arith.constant 0 : i32
        %dma_start3A_483 = tpu.memref_slice %arg2[%add3A_479, %dma_start3A_482] : memref<4096x4096xf32, #tpu.memory_space<hbm>> -> memref<1x4096xf32, #tpu.memory_space<hbm>>
        tpu.enqueue_dma source(%dma_start3A_483 : memref<1x4096xf32, #tpu.memory_space<hbm>>) target(%arg11 : memref<1x4096xf32, #tpu.memory_space<vmem>>) target_semaphore(%arg27 : memref<!tpu.dma_semaphore, #tpu.memory_space<semaphore_mem>>)
        %dma_start3A_484 = arith.constant 0 : i32
        %dma_start3A_485 = tpu.memref_slice %arg7[%add3A_476, %dma_start3A_484] : memref<128x1xi32, #tpu.memory_space<vmem>> -> memref<1x1xi32, #tpu.memory_space<vmem>>
        %dma_start3A_486 = tpu.memref_squeeze %dma_start3A_485 : memref<1x1xi32, #tpu.memory_space<vmem>> -> memref<1xi32, #tpu.memory_space<vmem>>
        %dma_start3A_487 = arith.constant 0 : i32
        %dma_start3A_488 = arith.constant 0 : i32
        %dma_start3A_489 = tpu.memref_slice %arg4[%dma_start3A_487, %dma_start3A_488] : memref<1000x4096xf32, #tpu.memory_space<hbm>> -> memref<1000x4096xf32, #tpu.memory_space<hbm>>
        tpu.enqueue_indirect_dma source(%dma_start3A_489 : memref<1000x4096xf32, #tpu.memory_space<hbm>>) target(%arg19 : memref<1x4096xf32, #tpu.memory_space<vmem>>) offsets(%dma_start3A_486 : memref<1xi32, #tpu.memory_space<vmem>>) semaphore(%arg35 : memref<!tpu.dma_semaphore, #tpu.memory_space<semaphore_mem>>)
      } else {
      }
      %scan3A_363 = arith.constant 0 : i32
      %scan3A_364 = arith.constant 0 : i32
      %scan3A_365 = arith.constant 32 : i32
      %scan3A_366 = arith.addi %scan3A_364, %scan3A_365 : i32
      %scan3A_367 = arith.constant 1 : i32
      %scan3A_368 = scf.for %scan3A_475 = %scan3A_364 to %scan3A_366 step %scan3A_367 iter_args(%scan3A_476 = %scan3A_363) -> (i32)  : i32 {
        %mul3A_477 = arith.constant 128 : i32
        %mul3A_478 = arith.muli %scan3A_475, %mul3A_477 : i32
        %add3A_479 = arith.constant 0 : i32
        %add3A_480 = arith.addi %mul3A_478, %add3A_479 : i32
        %get3A = arith.constant 0 : i32
        %get3A_481 = arith.index_cast %get3A : i32 to index
        %get3A_482 = arith.index_cast %add3A_480 : i32 to index
        %get3A_483 = tpu.vector_load %arg22[%get3A_481, %get3A_482] {strides = array<i32>} : memref<1x4096xf32, #tpu.memory_space<vmem>>, vector<1x16xf32>,
        %get3A_484 = vector.shape_cast %get3A_483 : vector<1x16xf32> to vector<16xf32>
        %swap3A = arith.constant 0 : i32
        %swap3A_485 = arith.index_cast %swap3A : i32 to index
        %swap3A_486 = arith.index_cast %add3A_480 : i32 to index
        %swap3A_487 = tpu.vector_load %arg14[%swap3A_485, %swap3A_486] {strides = array<i32>} : memref<1x4096xf32, #tpu.memory_space<vmem>>, vector<1x16xf32>,
        %swap3A_488 = vector.shape_cast %swap3A_487 : vector<1x16xf32> to vector<16xf32>
        %swap3A_489 = vector.shape_cast %get3A_484 : vector<16xf32> to vector<1x16xf32>
        tpu.vector_store %arg14[%swap3A_485, %swap3A_486], %swap3A_489 {add = true, strides = array<i32>} : memref<1x4096xf32, #tpu.memory_space<vmem>>, vector<1x16xf32>,
        %mul3A_490 = arith.constant 128 : i32
        %mul3A_491 = arith.muli %scan3A_475, %mul3A_490 : i32
        %add3A_492 = arith.constant 16 : i32
        %add3A_493 = arith.addi %mul3A_491, %add3A_492 : i32
        %get3A_494 = arith.constant 0 : i32
        %get3A_495 = arith.index_cast %get3A_494 : i32 to index
        %get3A_496 = arith.index_cast %add3A_493 : i32 to index
        %get3A_497 = tpu.vector_load %arg22[%get3A_495, %get3A_496] {strides = array<i32>} : memref<1x4096xf32, #tpu.memory_space<vmem>>, vector<1x16xf32>,
        %get3A_498 = vector.shape_cast %get3A_497 : vector<1x16xf32> to vector<16xf32>
        %swap3A_499 = arith.constant 0 : i32
        %swap3A_500 = arith.index_cast %swap3A_499 : i32 to index
        %swap3A_501 = arith.index_cast %add3A_493 : i32 to index
        %swap3A_502 = tpu.vector_load %arg14[%swap3A_500, %swap3A_501] {strides = array<i32>} : memref<1x4096xf32, #tpu.memory_space<vmem>>, vector<1x16xf32>,
        %swap3A_503 = vector.shape_cast %swap3A_502 : vector<1x16xf32> to vector<16xf32>
        %swap3A_504 = vector.shape_cast %get3A_498 : vector<16xf32> to vector<1x16xf32>
        tpu.vector_store %arg14[%swap3A_500, %swap3A_501], %swap3A_504 {add = true, strides = array<i32>} : memref<1x4096xf32, #tpu.memory_space<vmem>>, vector<1x16xf32>,
        %mul3A_505 = arith.constant 128 : i32
        %mul3A_506 = arith.muli %scan3A_475, %mul3A_505 : i32
        %add3A_507 = arith.constant 32 : i32
        %add3A_508 = arith.addi %mul3A_506, %add3A_507 : i32
        %get3A_509 = arith.constant 0 : i32
        %get3A_510 = arith.index_cast %get3A_509 : i32 to index
        %get3A_511 = arith.index_cast %add3A_508 : i32 to index
        %get3A_512 = tpu.vector_load %arg22[%get3A_510, %get3A_511] {strides = array<i32>} : memref<1x4096xf32, #tpu.memory_space<vmem>>, vector<1x16xf32>,
        %get3A_513 = vector.shape_cast %get3A_512 : vector<1x16xf32> to vector<16xf32>
        %swap3A_514 = arith.constant 0 : i32
        %swap3A_515 = arith.index_cast %swap3A_514 : i32 to index
        %swap3A_516 = arith.index_cast %add3A_508 : i32 to index
        %swap3A_517 = tpu.vector_load %arg14[%swap3A_515, %swap3A_516] {strides = array<i32>} : memref<1x4096xf32, #tpu.memory_space<vmem>>, vector<1x16xf32>,
        %swap3A_518 = vector.shape_cast %swap3A_517 : vector<1x16xf32> to vector<16xf32>
        %swap3A_519 = vector.shape_cast %get3A_513 : vector<16xf32> to vector<1x16xf32>
        tpu.vector_store %arg14[%swap3A_515, %swap3A_516], %swap3A_519 {add = true, strides = array<i32>} : memref<1x4096xf32, #tpu.memory_space<vmem>>, vector<1x16xf32>,
        %mul3A_520 = arith.constant 128 : i32
        %mul3A_521 = arith.muli %scan3A_475, %mul3A_520 : i32
        %add3A_522 = arith.constant 48 : i32
        %add3A_523 = arith.addi %mul3A_521, %add3A_522 : i32
        %get3A_524 = arith.constant 0 : i32
        %get3A_525 = arith.index_cast %get3A_524 : i32 to index
        %get3A_526 = arith.index_cast %add3A_523 : i32 to index
        %get3A_527 = tpu.vector_load %arg22[%get3A_525, %get3A_526] {strides = array<i32>} : memref<1x4096xf32, #tpu.memory_space<vmem>>, vector<1x16xf32>,
        %get3A_528 = vector.shape_cast %get3A_527 : vector<1x16xf32> to vector<16xf32>
        %swap3A_529 = arith.constant 0 : i32
        %swap3A_530 = arith.index_cast %swap3A_529 : i32 to index
        %swap3A_531 = arith.index_cast %add3A_523 : i32 to index
        %swap3A_532 = tpu.vector_load %arg14[%swap3A_530, %swap3A_531] {strides = array<i32>} : memref<1x4096xf32, #tpu.memory_space<vmem>>, vector<1x16xf32>,
        %swap3A_533 = vector.shape_cast %swap3A_532 : vector<1x16xf32> to vector<16xf32>
        %swap3A_534 = vector.shape_cast %get3A_528 : vector<16xf32> to vector<1x16xf32>
        tpu.vector_store %arg14[%swap3A_530, %swap3A_531], %swap3A_534 {add = true, strides = array<i32>} : memref<1x4096xf32, #tpu.memory_space<vmem>>, vector<1x16xf32>,
        %mul3A_535 = arith.constant 128 : i32
        %mul3A_536 = arith.muli %scan3A_475, %mul3A_535 : i32
        %add3A_537 = arith.constant 64 : i32
        %add3A_538 = arith.addi %mul3A_536, %add3A_537 : i32
        %get3A_539 = arith.constant 0 : i32
        %get3A_540 = arith.index_cast %get3A_539 : i32 to index
        %get3A_541 = arith.index_cast %add3A_538 : i32 to index
        %get3A_542 = tpu.vector_load %arg22[%get3A_540, %get3A_541] {strides = array<i32>} : memref<1x4096xf32, #tpu.memory_space<vmem>>, vector<1x16xf32>,
        %get3A_543 = vector.shape_cast %get3A_542 : vector<1x16xf32> to vector<16xf32>
        %swap3A_544 = arith.constant 0 : i32
        %swap3A_545 = arith.index_cast %swap3A_544 : i32 to index
        %swap3A_546 = arith.index_cast %add3A_538 : i32 to index
        %swap3A_547 = tpu.vector_load %arg14[%swap3A_545, %swap3A_546] {strides = array<i32>} : memref<1x4096xf32, #tpu.memory_space<vmem>>, vector<1x16xf32>,
        %swap3A_548 = vector.shape_cast %swap3A_547 : vector<1x16xf32> to vector<16xf32>
        %swap3A_549 = vector.shape_cast %get3A_543 : vector<16xf32> to vector<1x16xf32>
        tpu.vector_store %arg14[%swap3A_545, %swap3A_546], %swap3A_549 {add = true, strides = array<i32>} : memref<1x4096xf32, #tpu.memory_space<vmem>>, vector<1x16xf32>,
        %mul3A_550 = arith.constant 128 : i32
        %mul3A_551 = arith.muli %scan3A_475, %mul3A_550 : i32
        %add3A_552 = arith.constant 80 : i32
        %add3A_553 = arith.addi %mul3A_551, %add3A_552 : i32
        %get3A_554 = arith.constant 0 : i32
        %get3A_555 = arith.index_cast %get3A_554 : i32 to index
        %get3A_556 = arith.index_cast %add3A_553 : i32 to index
        %get3A_557 = tpu.vector_load %arg22[%get3A_555, %get3A_556] {strides = array<i32>} : memref<1x4096xf32, #tpu.memory_space<vmem>>, vector<1x16xf32>,
        %get3A_558 = vector.shape_cast %get3A_557 : vector<1x16xf32> to vector<16xf32>
        %swap3A_559 = arith.constant 0 : i32
        %swap3A_560 = arith.index_cast %swap3A_559 : i32 to index
        %swap3A_561 = arith.index_cast %add3A_553 : i32 to index
        %swap3A_562 = tpu.vector_load %arg14[%swap3A_560, %swap3A_561] {strides = array<i32>} : memref<1x4096xf32, #tpu.memory_space<vmem>>, vector<1x16xf32>,
        %swap3A_563 = vector.shape_cast %swap3A_562 : vector<1x16xf32> to vector<16xf32>
        %swap3A_564 = vector.shape_cast %get3A_558 : vector<16xf32> to vector<1x16xf32>
        tpu.vector_store %arg14[%swap3A_560, %swap3A_561], %swap3A_564 {add = true, strides = array<i32>} : memref<1x4096xf32, #tpu.memory_space<vmem>>, vector<1x16xf32>,
        %mul3A_565 = arith.constant 128 : i32
        %mul3A_566 = arith.muli %scan3A_475, %mul3A_565 : i32
        %add3A_567 = arith.constant 96 : i32
        %add3A_568 = arith.addi %mul3A_566, %add3A_567 : i32
        %get3A_569 = arith.constant 0 : i32
        %get3A_570 = arith.index_cast %get3A_569 : i32 to index
        %get3A_571 = arith.index_cast %add3A_568 : i32 to index
        %get3A_572 = tpu.vector_load %arg22[%get3A_570, %get3A_571] {strides = array<i32>} : memref<1x4096xf32, #tpu.memory_space<vmem>>, vector<1x16xf32>,
        %get3A_573 = vector.shape_cast %get3A_572 : vector<1x16xf32> to vector<16xf32>
        %swap3A_574 = arith.constant 0 : i32
        %swap3A_575 = arith.index_cast %swap3A_574 : i32 to index
        %swap3A_576 = arith.index_cast %add3A_568 : i32 to index
        %swap3A_577 = tpu.vector_load %arg14[%swap3A_575, %swap3A_576] {strides = array<i32>} : memref<1x4096xf32, #tpu.memory_space<vmem>>, vector<1x16xf32>,
        %swap3A_578 = vector.shape_cast %swap3A_577 : vector<1x16xf32> to vector<16xf32>
        %swap3A_579 = vector.shape_cast %get3A_573 : vector<16xf32> to vector<1x16xf32>
        tpu.vector_store %arg14[%swap3A_575, %swap3A_576], %swap3A_579 {add = true, strides = array<i32>} : memref<1x4096xf32, #tpu.memory_space<vmem>>, vector<1x16xf32>,
        %mul3A_580 = arith.constant 128 : i32
        %mul3A_581 = arith.muli %scan3A_475, %mul3A_580 : i32
        %add3A_582 = arith.constant 112 : i32
        %add3A_583 = arith.addi %mul3A_581, %add3A_582 : i32
        %get3A_584 = arith.constant 0 : i32
        %get3A_585 = arith.index_cast %get3A_584 : i32 to index
        %get3A_586 = arith.index_cast %add3A_583 : i32 to index
        %get3A_587 = tpu.vector_load %arg22[%get3A_585, %get3A_586] {strides = array<i32>} : memref<1x4096xf32, #tpu.memory_space<vmem>>, vector<1x16xf32>,
        %get3A_588 = vector.shape_cast %get3A_587 : vector<1x16xf32> to vector<16xf32>
        %swap3A_589 = arith.constant 0 : i32
        %swap3A_590 = arith.index_cast %swap3A_589 : i32 to index
        %swap3A_591 = arith.index_cast %add3A_583 : i32 to index
        %swap3A_592 = tpu.vector_load %arg14[%swap3A_590, %swap3A_591] {strides = array<i32>} : memref<1x4096xf32, #tpu.memory_space<vmem>>, vector<1x16xf32>,
        %swap3A_593 = vector.shape_cast %swap3A_592 : vector<1x16xf32> to vector<16xf32>
        %swap3A_594 = vector.shape_cast %get3A_588 : vector<16xf32> to vector<1x16xf32>
        tpu.vector_store %arg14[%swap3A_590, %swap3A_591], %swap3A_594 {add = true, strides = array<i32>} : memref<1x4096xf32, #tpu.memory_space<vmem>>, vector<1x16xf32>,
        %scan3A_595 = arith.constant 0 : i32
        scf.yield %scan3A_595 : i32
      }
      %scan3A_369 = arith.constant 32 : i32
      %mul3A_370 = arith.constant 1 : i32
      %mul3A_371 = arith.muli %add3A_333, %mul3A_370 : i32
      %add3A_372 = arith.addi %mul3A_2, %mul3A_371 : i32
      %dma_start3A_373 = arith.constant 0 : i32
      %dma_start3A_374 = tpu.memref_slice %arg8[%add3A_333, %dma_start3A_373] : memref<128x1xi32, #tpu.memory_space<vmem>> -> memref<1x1xi32, #tpu.memory_space<vmem>>
      %dma_start3A_375 = tpu.memref_squeeze %dma_start3A_374 : memref<1x1xi32, #tpu.memory_space<vmem>> -> memref<1xi32, #tpu.memory_space<vmem>>
      %dma_start3A_376 = arith.constant 0 : i32
      %dma_start3A_377 = arith.constant 0 : i32
      %dma_start3A_378 = tpu.memref_slice %arg6[%dma_start3A_376, %dma_start3A_377] : memref<4096x4096xf32, #tpu.memory_space<hbm>> -> memref<4096x4096xf32, #tpu.memory_space<hbm>>
      tpu.enqueue_indirect_dma source(%arg14 : memref<1x4096xf32, #tpu.memory_space<vmem>>) target(%dma_start3A_378 : memref<4096x4096xf32, #tpu.memory_space<hbm>>) offsets(%dma_start3A_375 : memref<1xi32, #tpu.memory_space<vmem>>) semaphore(%arg46 : memref<!tpu.dma_semaphore, #tpu.memory_space<semaphore_mem>>)
      %mul3A_379 = arith.constant 8 : i32
      %mul3A_380 = arith.muli %scan3A_95, %mul3A_379 : i32
      %add3A_381 = arith.constant 6 : i32
      %add3A_382 = arith.addi %mul3A_380, %add3A_381 : i32
      %mul3A_383 = arith.constant 1 : i32
      %mul3A_384 = arith.muli %add3A_382, %mul3A_383 : i32
      %add3A_385 = arith.addi %mul3A_2, %mul3A_384 : i32
      %dma_wait3A_386 = arith.constant 0 : i32
      %dma_wait3A_387 = tpu.memref_slice %arg2[%add3A_385, %dma_wait3A_386] : memref<4096x4096xf32, #tpu.memory_space<hbm>> -> memref<1x4096xf32, #tpu.memory_space<hbm>>
      %dma_wait3A_388 = arith.constant 0 : i32
      %dma_wait3A_389 = tpu.memref_slice %arg2[%add3A_385, %dma_wait3A_388] : memref<4096x4096xf32, #tpu.memory_space<hbm>> -> memref<1x4096xf32, #tpu.memory_space<hbm>>
      tpu.wait_dma2 semaphore(%arg31 : memref<!tpu.dma_semaphore, #tpu.memory_space<semaphore_mem>>) src(%dma_wait3A_389 : memref<1x4096xf32, #tpu.memory_space<hbm>>) dst(%arg15 : memref<1x4096xf32, #tpu.memory_space<vmem>>)
      %dma_wait3A_390 = arith.constant 0 : i32
      %dma_wait3A_391 = tpu.memref_slice %arg7[%add3A_382, %dma_wait3A_390] : memref<128x1xi32, #tpu.memory_space<vmem>> -> memref<1x1xi32, #tpu.memory_space<vmem>>
      %dma_wait3A_392 = tpu.memref_squeeze %dma_wait3A_391 : memref<1x1xi32, #tpu.memory_space<vmem>> -> memref<1xi32, #tpu.memory_space<vmem>>
      %dma_wait3A_393 = arith.constant 0 : i32
      %dma_wait3A_394 = arith.constant 0 : i32
      %dma_wait3A_395 = tpu.memref_slice %arg4[%dma_wait3A_393, %dma_wait3A_394] : memref<1000x4096xf32, #tpu.memory_space<hbm>> -> memref<1000x4096xf32, #tpu.memory_space<hbm>>
      tpu.wait_indirect_dma semaphore(%arg39 : memref<!tpu.dma_semaphore, #tpu.memory_space<semaphore_mem>>) src(%dma_wait3A_395 : memref<1000x4096xf32, #tpu.memory_space<hbm>>) dst(%arg23 : memref<1x4096xf32, #tpu.memory_space<vmem>>)
      %add3A_396 = arith.constant 5 : i32
      %add3A_397 = arith.addi %add3A_382, %add3A_396 : i32
      %sub3A_398 = arith.constant 8 : i32
      %sub3A_399 = arith.subi %add3A_397, %sub3A_398 : i32
      %ge3A_400 = arith.constant 0 : i32
      %ge3A_401 = arith.cmpi sge, %sub3A_399, %ge3A_400 : i32
      %convert_element_type3A_402 = arith.extui %ge3A_401 : i1 to i32
      %cond3A_403 = arith.constant 0 : i32
      %cond3A_404 = arith.cmpi ne, %convert_element_type3A_402, %cond3A_403 : i32
      scf.if %cond3A_404 {
        %mul3A_475 = arith.constant 1 : i32
        %mul3A_476 = arith.muli %sub3A_399, %mul3A_475 : i32
        %add3A_477 = arith.addi %mul3A_2, %mul3A_476 : i32
        %dma_wait3A_478 = arith.constant 0 : i32
        %dma_wait3A_479 = tpu.memref_slice %arg8[%sub3A_399, %dma_wait3A_478] : memref<128x1xi32, #tpu.memory_space<vmem>> -> memref<1x1xi32, #tpu.memory_space<vmem>>
        %dma_wait3A_480 = tpu.memref_squeeze %dma_wait3A_479 : memref<1x1xi32, #tpu.memory_space<vmem>> -> memref<1xi32, #tpu.memory_space<vmem>>
        %dma_wait3A_481 = arith.constant 0 : i32
        %dma_wait3A_482 = arith.constant 0 : i32
        %dma_wait3A_483 = tpu.memref_slice %arg6[%dma_wait3A_481, %dma_wait3A_482] : memref<4096x4096xf32, #tpu.memory_space<hbm>> -> memref<4096x4096xf32, #tpu.memory_space<hbm>>
        tpu.wait_indirect_dma semaphore(%arg44 : memref<!tpu.dma_semaphore, #tpu.memory_space<semaphore_mem>>) src(%arg12 : memref<1x4096xf32, #tpu.memory_space<vmem>>) dst(%dma_wait3A_483 : memref<4096x4096xf32, #tpu.memory_space<hbm>>)
      } else {
      }
      %add3A_405 = arith.constant 5 : i32
      %add3A_406 = arith.addi %add3A_382, %add3A_405 : i32
      %lt3A_407 = arith.constant 128 : i32
      %lt3A_408 = arith.cmpi slt, %add3A_406, %lt3A_407 : i32
      %convert_element_type3A_409 = arith.extui %lt3A_408 : i1 to i32
      %cond3A_410 = arith.constant 0 : i32
      %cond3A_411 = arith.cmpi ne, %convert_element_type3A_409, %cond3A_410 : i32
      scf.if %cond3A_411 {
        %add3A_475 = arith.constant 5 : i32
        %add3A_476 = arith.addi %add3A_382, %add3A_475 : i32
        %mul3A_477 = arith.constant 1 : i32
        %mul3A_478 = arith.muli %add3A_476, %mul3A_477 : i32
        %add3A_479 = arith.addi %mul3A_2, %mul3A_478 : i32
        %dma_start3A_480 = arith.constant 0 : i32
        %dma_start3A_481 = tpu.memref_slice %arg2[%add3A_479, %dma_start3A_480] : memref<4096x4096xf32, #tpu.memory_space<hbm>> -> memref<1x4096xf32, #tpu.memory_space<hbm>>
        %dma_start3A_482 = arith.constant 0 : i32
        %dma_start3A_483 = tpu.memref_slice %arg2[%add3A_479, %dma_start3A_482] : memref<4096x4096xf32, #tpu.memory_space<hbm>> -> memref<1x4096xf32, #tpu.memory_space<hbm>>
        tpu.enqueue_dma source(%dma_start3A_483 : memref<1x4096xf32, #tpu.memory_space<hbm>>) target(%arg12 : memref<1x4096xf32, #tpu.memory_space<vmem>>) target_semaphore(%arg28 : memref<!tpu.dma_semaphore, #tpu.memory_space<semaphore_mem>>)
        %dma_start3A_484 = arith.constant 0 : i32
        %dma_start3A_485 = tpu.memref_slice %arg7[%add3A_476, %dma_start3A_484] : memref<128x1xi32, #tpu.memory_space<vmem>> -> memref<1x1xi32, #tpu.memory_space<vmem>>
        %dma_start3A_486 = tpu.memref_squeeze %dma_start3A_485 : memref<1x1xi32, #tpu.memory_space<vmem>> -> memref<1xi32, #tpu.memory_space<vmem>>
        %dma_start3A_487 = arith.constant 0 : i32
        %dma_start3A_488 = arith.constant 0 : i32
        %dma_start3A_489 = tpu.memref_slice %arg4[%dma_start3A_487, %dma_start3A_488] : memref<1000x4096xf32, #tpu.memory_space<hbm>> -> memref<1000x4096xf32, #tpu.memory_space<hbm>>
        tpu.enqueue_indirect_dma source(%dma_start3A_489 : memref<1000x4096xf32, #tpu.memory_space<hbm>>) target(%arg20 : memref<1x4096xf32, #tpu.memory_space<vmem>>) offsets(%dma_start3A_486 : memref<1xi32, #tpu.memory_space<vmem>>) semaphore(%arg36 : memref<!tpu.dma_semaphore, #tpu.memory_space<semaphore_mem>>)
      } else {
      }
      %scan3A_412 = arith.constant 0 : i32
      %scan3A_413 = arith.constant 0 : i32
      %scan3A_414 = arith.constant 32 : i32
      %scan3A_415 = arith.addi %scan3A_413, %scan3A_414 : i32
      %scan3A_416 = arith.constant 1 : i32
      %scan3A_417 = scf.for %scan3A_475 = %scan3A_413 to %scan3A_415 step %scan3A_416 iter_args(%scan3A_476 = %scan3A_412) -> (i32)  : i32 {
        %mul3A_477 = arith.constant 128 : i32
        %mul3A_478 = arith.muli %scan3A_475, %mul3A_477 : i32
        %add3A_479 = arith.constant 0 : i32
        %add3A_480 = arith.addi %mul3A_478, %add3A_479 : i32
        %get3A = arith.constant 0 : i32
        %get3A_481 = arith.index_cast %get3A : i32 to index
        %get3A_482 = arith.index_cast %add3A_480 : i32 to index
        %get3A_483 = tpu.vector_load %arg23[%get3A_481, %get3A_482] {strides = array<i32>} : memref<1x4096xf32, #tpu.memory_space<vmem>>, vector<1x16xf32>,
        %get3A_484 = vector.shape_cast %get3A_483 : vector<1x16xf32> to vector<16xf32>
        %swap3A = arith.constant 0 : i32
        %swap3A_485 = arith.index_cast %swap3A : i32 to index
        %swap3A_486 = arith.index_cast %add3A_480 : i32 to index
        %swap3A_487 = tpu.vector_load %arg15[%swap3A_485, %swap3A_486] {strides = array<i32>} : memref<1x4096xf32, #tpu.memory_space<vmem>>, vector<1x16xf32>,
        %swap3A_488 = vector.shape_cast %swap3A_487 : vector<1x16xf32> to vector<16xf32>
        %swap3A_489 = vector.shape_cast %get3A_484 : vector<16xf32> to vector<1x16xf32>
        tpu.vector_store %arg15[%swap3A_485, %swap3A_486], %swap3A_489 {add = true, strides = array<i32>} : memref<1x4096xf32, #tpu.memory_space<vmem>>, vector<1x16xf32>,
        %mul3A_490 = arith.constant 128 : i32
        %mul3A_491 = arith.muli %scan3A_475, %mul3A_490 : i32
        %add3A_492 = arith.constant 16 : i32
        %add3A_493 = arith.addi %mul3A_491, %add3A_492 : i32
        %get3A_494 = arith.constant 0 : i32
        %get3A_495 = arith.index_cast %get3A_494 : i32 to index
        %get3A_496 = arith.index_cast %add3A_493 : i32 to index
        %get3A_497 = tpu.vector_load %arg23[%get3A_495, %get3A_496] {strides = array<i32>} : memref<1x4096xf32, #tpu.memory_space<vmem>>, vector<1x16xf32>,
        %get3A_498 = vector.shape_cast %get3A_497 : vector<1x16xf32> to vector<16xf32>
        %swap3A_499 = arith.constant 0 : i32
        %swap3A_500 = arith.index_cast %swap3A_499 : i32 to index
        %swap3A_501 = arith.index_cast %add3A_493 : i32 to index
        %swap3A_502 = tpu.vector_load %arg15[%swap3A_500, %swap3A_501] {strides = array<i32>} : memref<1x4096xf32, #tpu.memory_space<vmem>>, vector<1x16xf32>,
        %swap3A_503 = vector.shape_cast %swap3A_502 : vector<1x16xf32> to vector<16xf32>
        %swap3A_504 = vector.shape_cast %get3A_498 : vector<16xf32> to vector<1x16xf32>
        tpu.vector_store %arg15[%swap3A_500, %swap3A_501], %swap3A_504 {add = true, strides = array<i32>} : memref<1x4096xf32, #tpu.memory_space<vmem>>, vector<1x16xf32>,
        %mul3A_505 = arith.constant 128 : i32
        %mul3A_506 = arith.muli %scan3A_475, %mul3A_505 : i32
        %add3A_507 = arith.constant 32 : i32
        %add3A_508 = arith.addi %mul3A_506, %add3A_507 : i32
        %get3A_509 = arith.constant 0 : i32
        %get3A_510 = arith.index_cast %get3A_509 : i32 to index
        %get3A_511 = arith.index_cast %add3A_508 : i32 to index
        %get3A_512 = tpu.vector_load %arg23[%get3A_510, %get3A_511] {strides = array<i32>} : memref<1x4096xf32, #tpu.memory_space<vmem>>, vector<1x16xf32>,
        %get3A_513 = vector.shape_cast %get3A_512 : vector<1x16xf32> to vector<16xf32>
        %swap3A_514 = arith.constant 0 : i32
        %swap3A_515 = arith.index_cast %swap3A_514 : i32 to index
        %swap3A_516 = arith.index_cast %add3A_508 : i32 to index
        %swap3A_517 = tpu.vector_load %arg15[%swap3A_515, %swap3A_516] {strides = array<i32>} : memref<1x4096xf32, #tpu.memory_space<vmem>>, vector<1x16xf32>,
        %swap3A_518 = vector.shape_cast %swap3A_517 : vector<1x16xf32> to vector<16xf32>
        %swap3A_519 = vector.shape_cast %get3A_513 : vector<16xf32> to vector<1x16xf32>
        tpu.vector_store %arg15[%swap3A_515, %swap3A_516], %swap3A_519 {add = true, strides = array<i32>} : memref<1x4096xf32, #tpu.memory_space<vmem>>, vector<1x16xf32>,
        %mul3A_520 = arith.constant 128 : i32
        %mul3A_521 = arith.muli %scan3A_475, %mul3A_520 : i32
        %add3A_522 = arith.constant 48 : i32
        %add3A_523 = arith.addi %mul3A_521, %add3A_522 : i32
        %get3A_524 = arith.constant 0 : i32
        %get3A_525 = arith.index_cast %get3A_524 : i32 to index
        %get3A_526 = arith.index_cast %add3A_523 : i32 to index
        %get3A_527 = tpu.vector_load %arg23[%get3A_525, %get3A_526] {strides = array<i32>} : memref<1x4096xf32, #tpu.memory_space<vmem>>, vector<1x16xf32>,
        %get3A_528 = vector.shape_cast %get3A_527 : vector<1x16xf32> to vector<16xf32>
        %swap3A_529 = arith.constant 0 : i32
        %swap3A_530 = arith.index_cast %swap3A_529 : i32 to index
        %swap3A_531 = arith.index_cast %add3A_523 : i32 to index
        %swap3A_532 = tpu.vector_load %arg15[%swap3A_530, %swap3A_531] {strides = array<i32>} : memref<1x4096xf32, #tpu.memory_space<vmem>>, vector<1x16xf32>,
        %swap3A_533 = vector.shape_cast %swap3A_532 : vector<1x16xf32> to vector<16xf32>
        %swap3A_534 = vector.shape_cast %get3A_528 : vector<16xf32> to vector<1x16xf32>
        tpu.vector_store %arg15[%swap3A_530, %swap3A_531], %swap3A_534 {add = true, strides = array<i32>} : memref<1x4096xf32, #tpu.memory_space<vmem>>, vector<1x16xf32>,
        %mul3A_535 = arith.constant 128 : i32
        %mul3A_536 = arith.muli %scan3A_475, %mul3A_535 : i32
        %add3A_537 = arith.constant 64 : i32
        %add3A_538 = arith.addi %mul3A_536, %add3A_537 : i32
        %get3A_539 = arith.constant 0 : i32
        %get3A_540 = arith.index_cast %get3A_539 : i32 to index
        %get3A_541 = arith.index_cast %add3A_538 : i32 to index
        %get3A_542 = tpu.vector_load %arg23[%get3A_540, %get3A_541] {strides = array<i32>} : memref<1x4096xf32, #tpu.memory_space<vmem>>, vector<1x16xf32>,
        %get3A_543 = vector.shape_cast %get3A_542 : vector<1x16xf32> to vector<16xf32>
        %swap3A_544 = arith.constant 0 : i32
        %swap3A_545 = arith.index_cast %swap3A_544 : i32 to index
        %swap3A_546 = arith.index_cast %add3A_538 : i32 to index
        %swap3A_547 = tpu.vector_load %arg15[%swap3A_545, %swap3A_546] {strides = array<i32>} : memref<1x4096xf32, #tpu.memory_space<vmem>>, vector<1x16xf32>,
        %swap3A_548 = vector.shape_cast %swap3A_547 : vector<1x16xf32> to vector<16xf32>
        %swap3A_549 = vector.shape_cast %get3A_543 : vector<16xf32> to vector<1x16xf32>
        tpu.vector_store %arg15[%swap3A_545, %swap3A_546], %swap3A_549 {add = true, strides = array<i32>} : memref<1x4096xf32, #tpu.memory_space<vmem>>, vector<1x16xf32>,
        %mul3A_550 = arith.constant 128 : i32
        %mul3A_551 = arith.muli %scan3A_475, %mul3A_550 : i32
        %add3A_552 = arith.constant 80 : i32
        %add3A_553 = arith.addi %mul3A_551, %add3A_552 : i32
        %get3A_554 = arith.constant 0 : i32
        %get3A_555 = arith.index_cast %get3A_554 : i32 to index
        %get3A_556 = arith.index_cast %add3A_553 : i32 to index
        %get3A_557 = tpu.vector_load %arg23[%get3A_555, %get3A_556] {strides = array<i32>} : memref<1x4096xf32, #tpu.memory_space<vmem>>, vector<1x16xf32>,
        %get3A_558 = vector.shape_cast %get3A_557 : vector<1x16xf32> to vector<16xf32>
        %swap3A_559 = arith.constant 0 : i32
        %swap3A_560 = arith.index_cast %swap3A_559 : i32 to index
        %swap3A_561 = arith.index_cast %add3A_553 : i32 to index
        %swap3A_562 = tpu.vector_load %arg15[%swap3A_560, %swap3A_561] {strides = array<i32>} : memref<1x4096xf32, #tpu.memory_space<vmem>>, vector<1x16xf32>,
        %swap3A_563 = vector.shape_cast %swap3A_562 : vector<1x16xf32> to vector<16xf32>
        %swap3A_564 = vector.shape_cast %get3A_558 : vector<16xf32> to vector<1x16xf32>
        tpu.vector_store %arg15[%swap3A_560, %swap3A_561], %swap3A_564 {add = true, strides = array<i32>} : memref<1x4096xf32, #tpu.memory_space<vmem>>, vector<1x16xf32>,
        %mul3A_565 = arith.constant 128 : i32
        %mul3A_566 = arith.muli %scan3A_475, %mul3A_565 : i32
        %add3A_567 = arith.constant 96 : i32
        %add3A_568 = arith.addi %mul3A_566, %add3A_567 : i32
        %get3A_569 = arith.constant 0 : i32
        %get3A_570 = arith.index_cast %get3A_569 : i32 to index
        %get3A_571 = arith.index_cast %add3A_568 : i32 to index
        %get3A_572 = tpu.vector_load %arg23[%get3A_570, %get3A_571] {strides = array<i32>} : memref<1x4096xf32, #tpu.memory_space<vmem>>, vector<1x16xf32>,
        %get3A_573 = vector.shape_cast %get3A_572 : vector<1x16xf32> to vector<16xf32>
        %swap3A_574 = arith.constant 0 : i32
        %swap3A_575 = arith.index_cast %swap3A_574 : i32 to index
        %swap3A_576 = arith.index_cast %add3A_568 : i32 to index
        %swap3A_577 = tpu.vector_load %arg15[%swap3A_575, %swap3A_576] {strides = array<i32>} : memref<1x4096xf32, #tpu.memory_space<vmem>>, vector<1x16xf32>,
        %swap3A_578 = vector.shape_cast %swap3A_577 : vector<1x16xf32> to vector<16xf32>
        %swap3A_579 = vector.shape_cast %get3A_573 : vector<16xf32> to vector<1x16xf32>
        tpu.vector_store %arg15[%swap3A_575, %swap3A_576], %swap3A_579 {add = true, strides = array<i32>} : memref<1x4096xf32, #tpu.memory_space<vmem>>, vector<1x16xf32>,
        %mul3A_580 = arith.constant 128 : i32
        %mul3A_581 = arith.muli %scan3A_475, %mul3A_580 : i32
        %add3A_582 = arith.constant 112 : i32
        %add3A_583 = arith.addi %mul3A_581, %add3A_582 : i32
        %get3A_584 = arith.constant 0 : i32
        %get3A_585 = arith.index_cast %get3A_584 : i32 to index
        %get3A_586 = arith.index_cast %add3A_583 : i32 to index
        %get3A_587 = tpu.vector_load %arg23[%get3A_585, %get3A_586] {strides = array<i32>} : memref<1x4096xf32, #tpu.memory_space<vmem>>, vector<1x16xf32>,
        %get3A_588 = vector.shape_cast %get3A_587 : vector<1x16xf32> to vector<16xf32>
        %swap3A_589 = arith.constant 0 : i32
        %swap3A_590 = arith.index_cast %swap3A_589 : i32 to index
        %swap3A_591 = arith.index_cast %add3A_583 : i32 to index
        %swap3A_592 = tpu.vector_load %arg15[%swap3A_590, %swap3A_591] {strides = array<i32>} : memref<1x4096xf32, #tpu.memory_space<vmem>>, vector<1x16xf32>,
        %swap3A_593 = vector.shape_cast %swap3A_592 : vector<1x16xf32> to vector<16xf32>
        %swap3A_594 = vector.shape_cast %get3A_588 : vector<16xf32> to vector<1x16xf32>
        tpu.vector_store %arg15[%swap3A_590, %swap3A_591], %swap3A_594 {add = true, strides = array<i32>} : memref<1x4096xf32, #tpu.memory_space<vmem>>, vector<1x16xf32>,
        %scan3A_595 = arith.constant 0 : i32
        scf.yield %scan3A_595 : i32
      }
      %scan3A_418 = arith.constant 32 : i32
      %mul3A_419 = arith.constant 1 : i32
      %mul3A_420 = arith.muli %add3A_382, %mul3A_419 : i32
      %add3A_421 = arith.addi %mul3A_2, %mul3A_420 : i32
      %dma_start3A_422 = arith.constant 0 : i32
      %dma_start3A_423 = tpu.memref_slice %arg6[%add3A_421, %dma_start3A_422] : memref<4096x4096xf32, #tpu.memory_space<hbm>> -> memref<1x4096xf32, #tpu.memory_space<hbm>>
      %dma_start3A_424 = arith.constant 0 : i32
      %dma_start3A_425 = tpu.memref_slice %arg6[%add3A_421, %dma_start3A_424] : memref<4096x4096xf32, #tpu.memory_space<hbm>> -> memref<1x4096xf32, #tpu.memory_space<hbm>>
      tpu.enqueue_dma source(%arg15 : memref<1x4096xf32, #tpu.memory_space<vmem>>) target(%dma_start3A_425 : memref<1x4096xf32, #tpu.memory_space<hbm>>) target_semaphore(%arg47 : memref<!tpu.dma_semaphore, #tpu.memory_space<semaphore_mem>>)
      %mul3A_426 = arith.constant 8 : i32
      %mul3A_427 = arith.muli %scan3A_95, %mul3A_426 : i32
      %add3A_428 = arith.constant 7 : i32
      %add3A_429 = arith.addi %mul3A_427, %add3A_428 : i32
      %mul3A_430 = arith.constant 1 : i32
      %mul3A_431 = arith.muli %add3A_429, %mul3A_430 : i32
      %add3A_432 = arith.addi %mul3A_2, %mul3A_431 : i32
      %dma_wait3A_433 = arith.constant 0 : i32
      %dma_wait3A_434 = tpu.memref_slice %arg2[%add3A_432, %dma_wait3A_433] : memref<4096x4096xf32, #tpu.memory_space<hbm>> -> memref<1x4096xf32, #tpu.memory_space<hbm>>
      %dma_wait3A_435 = arith.constant 0 : i32
      %dma_wait3A_436 = tpu.memref_slice %arg2[%add3A_432, %dma_wait3A_435] : memref<4096x4096xf32, #tpu.memory_space<hbm>> -> memref<1x4096xf32, #tpu.memory_space<hbm>>
      tpu.wait_dma2 semaphore(%arg32 : memref<!tpu.dma_semaphore, #tpu.memory_space<semaphore_mem>>) src(%dma_wait3A_436 : memref<1x4096xf32, #tpu.memory_space<hbm>>) dst(%arg16 : memref<1x4096xf32, #tpu.memory_space<vmem>>)
      %dma_wait3A_437 = arith.constant 0 : i32
      %dma_wait3A_438 = tpu.memref_slice %arg7[%add3A_429, %dma_wait3A_437] : memref<128x1xi32, #tpu.memory_space<vmem>> -> memref<1x1xi32, #tpu.memory_space<vmem>>
      %dma_wait3A_439 = tpu.memref_squeeze %dma_wait3A_438 : memref<1x1xi32, #tpu.memory_space<vmem>> -> memref<1xi32, #tpu.memory_space<vmem>>
      %dma_wait3A_440 = arith.constant 0 : i32
      %dma_wait3A_441 = arith.constant 0 : i32
      %dma_wait3A_442 = tpu.memref_slice %arg4[%dma_wait3A_440, %dma_wait3A_441] : memref<1000x4096xf32, #tpu.memory_space<hbm>> -> memref<1000x4096xf32, #tpu.memory_space<hbm>>
      tpu.wait_indirect_dma semaphore(%arg40 : memref<!tpu.dma_semaphore, #tpu.memory_space<semaphore_mem>>) src(%dma_wait3A_442 : memref<1000x4096xf32, #tpu.memory_space<hbm>>) dst(%arg24 : memref<1x4096xf32, #tpu.memory_space<vmem>>)
      %add3A_443 = arith.constant 5 : i32
      %add3A_444 = arith.addi %add3A_429, %add3A_443 : i32
      %sub3A_445 = arith.constant 8 : i32
      %sub3A_446 = arith.subi %add3A_444, %sub3A_445 : i32
      %ge3A_447 = arith.constant 0 : i32
      %ge3A_448 = arith.cmpi sge, %sub3A_446, %ge3A_447 : i32
      %convert_element_type3A_449 = arith.extui %ge3A_448 : i1 to i32
      %cond3A_450 = arith.constant 0 : i32
      %cond3A_451 = arith.cmpi ne, %convert_element_type3A_449, %cond3A_450 : i32
      scf.if %cond3A_451 {
        %mul3A_475 = arith.constant 1 : i32
        %mul3A_476 = arith.muli %sub3A_446, %mul3A_475 : i32
        %add3A_477 = arith.addi %mul3A_2, %mul3A_476 : i32
        %dma_wait3A_478 = arith.constant 0 : i32
        %dma_wait3A_479 = tpu.memref_slice %arg6[%add3A_477, %dma_wait3A_478] : memref<4096x4096xf32, #tpu.memory_space<hbm>> -> memref<1x4096xf32, #tpu.memory_space<hbm>>
        %dma_wait3A_480 = arith.constant 0 : i32
        %dma_wait3A_481 = tpu.memref_slice %arg6[%add3A_477, %dma_wait3A_480] : memref<4096x4096xf32, #tpu.memory_space<hbm>> -> memref<1x4096xf32, #tpu.memory_space<hbm>>
        tpu.wait_dma2 semaphore(%arg45 : memref<!tpu.dma_semaphore, #tpu.memory_space<semaphore_mem>>) src(%arg13 : memref<1x4096xf32, #tpu.memory_space<vmem>>) dst(%dma_wait3A_481 : memref<1x4096xf32, #tpu.memory_space<hbm>>)
      } else {
      }
      %add3A_452 = arith.constant 5 : i32
      %add3A_453 = arith.addi %add3A_429, %add3A_452 : i32
      %lt3A_454 = arith.constant 128 : i32
      %lt3A_455 = arith.cmpi slt, %add3A_453, %lt3A_454 : i32
      %convert_element_type3A_456 = arith.extui %lt3A_455 : i1 to i32
      %cond3A_457 = arith.constant 0 : i32
      %cond3A_458 = arith.cmpi ne, %convert_element_type3A_456, %cond3A_457 : i32
      scf.if %cond3A_458 {
        %add3A_475 = arith.constant 5 : i32
        %add3A_476 = arith.addi %add3A_429, %add3A_475 : i32
        %mul3A_477 = arith.constant 1 : i32
        %mul3A_478 = arith.muli %add3A_476, %mul3A_477 : i32
        %add3A_479 = arith.addi %mul3A_2, %mul3A_478 : i32
        %dma_start3A_480 = arith.constant 0 : i32
        %dma_start3A_481 = tpu.memref_slice %arg2[%add3A_479, %dma_start3A_480] : memref<4096x4096xf32, #tpu.memory_space<hbm>> -> memref<1x4096xf32, #tpu.memory_space<hbm>>
        %dma_start3A_482 = arith.constant 0 : i32
        %dma_start3A_483 = tpu.memref_slice %arg2[%add3A_479, %dma_start3A_482] : memref<4096x4096xf32, #tpu.memory_space<hbm>> -> memref<1x4096xf32, #tpu.memory_space<hbm>>
        tpu.enqueue_dma source(%dma_start3A_483 : memref<1x4096xf32, #tpu.memory_space<hbm>>) target(%arg13 : memref<1x4096xf32, #tpu.memory_space<vmem>>) target_semaphore(%arg29 : memref<!tpu.dma_semaphore, #tpu.memory_space<semaphore_mem>>)
        %dma_start3A_484 = arith.constant 0 : i32
        %dma_start3A_485 = tpu.memref_slice %arg7[%add3A_476, %dma_start3A_484] : memref<128x1xi32, #tpu.memory_space<vmem>> -> memref<1x1xi32, #tpu.memory_space<vmem>>
        %dma_start3A_486 = tpu.memref_squeeze %dma_start3A_485 : memref<1x1xi32, #tpu.memory_space<vmem>> -> memref<1xi32, #tpu.memory_space<vmem>>
        %dma_start3A_487 = arith.constant 0 : i32
        %dma_start3A_488 = arith.constant 0 : i32
        %dma_start3A_489 = tpu.memref_slice %arg4[%dma_start3A_487, %dma_start3A_488] : memref<1000x4096xf32, #tpu.memory_space<hbm>> -> memref<1000x4096xf32, #tpu.memory_space<hbm>>
        tpu.enqueue_indirect_dma source(%dma_start3A_489 : memref<1000x4096xf32, #tpu.memory_space<hbm>>) target(%arg21 : memref<1x4096xf32, #tpu.memory_space<vmem>>) offsets(%dma_start3A_486 : memref<1xi32, #tpu.memory_space<vmem>>) semaphore(%arg37 : memref<!tpu.dma_semaphore, #tpu.memory_space<semaphore_mem>>)
      } else {
      }
      %scan3A_459 = arith.constant 0 : i32
      %scan3A_460 = arith.constant 0 : i32
      %scan3A_461 = arith.constant 32 : i32
      %scan3A_462 = arith.addi %scan3A_460, %scan3A_461 : i32
      %scan3A_463 = arith.constant 1 : i32
      %scan3A_464 = scf.for %scan3A_475 = %scan3A_460 to %scan3A_462 step %scan3A_463 iter_args(%scan3A_476 = %scan3A_459) -> (i32)  : i32 {
        %mul3A_477 = arith.constant 128 : i32
        %mul3A_478 = arith.muli %scan3A_475, %mul3A_477 : i32
        %add3A_479 = arith.constant 0 : i32
        %add3A_480 = arith.addi %mul3A_478, %add3A_479 : i32
        %get3A = arith.constant 0 : i32
        %get3A_481 = arith.index_cast %get3A : i32 to index
        %get3A_482 = arith.index_cast %add3A_480 : i32 to index
        %get3A_483 = tpu.vector_load %arg24[%get3A_481, %get3A_482] {strides = array<i32>} : memref<1x4096xf32, #tpu.memory_space<vmem>>, vector<1x16xf32>,
        %get3A_484 = vector.shape_cast %get3A_483 : vector<1x16xf32> to vector<16xf32>
        %swap3A = arith.constant 0 : i32
        %swap3A_485 = arith.index_cast %swap3A : i32 to index
        %swap3A_486 = arith.index_cast %add3A_480 : i32 to index
        %swap3A_487 = tpu.vector_load %arg16[%swap3A_485, %swap3A_486] {strides = array<i32>} : memref<1x4096xf32, #tpu.memory_space<vmem>>, vector<1x16xf32>,
        %swap3A_488 = vector.shape_cast %swap3A_487 : vector<1x16xf32> to vector<16xf32>
        %swap3A_489 = vector.shape_cast %get3A_484 : vector<16xf32> to vector<1x16xf32>
        tpu.vector_store %arg16[%swap3A_485, %swap3A_486], %swap3A_489 {add = true, strides = array<i32>} : memref<1x4096xf32, #tpu.memory_space<vmem>>, vector<1x16xf32>,
        %mul3A_490 = arith.constant 128 : i32
        %mul3A_491 = arith.muli %scan3A_475, %mul3A_490 : i32
        %add3A_492 = arith.constant 16 : i32
        %add3A_493 = arith.addi %mul3A_491, %add3A_492 : i32
        %get3A_494 = arith.constant 0 : i32
        %get3A_495 = arith.index_cast %get3A_494 : i32 to index
        %get3A_496 = arith.index_cast %add3A_493 : i32 to index
        %get3A_497 = tpu.vector_load %arg24[%get3A_495, %get3A_496] {strides = array<i32>} : memref<1x4096xf32, #tpu.memory_space<vmem>>, vector<1x16xf32>,
        %get3A_498 = vector.shape_cast %get3A_497 : vector<1x16xf32> to vector<16xf32>
        %swap3A_499 = arith.constant 0 : i32
        %swap3A_500 = arith.index_cast %swap3A_499 : i32 to index
        %swap3A_501 = arith.index_cast %add3A_493 : i32 to index
        %swap3A_502 = tpu.vector_load %arg16[%swap3A_500, %swap3A_501] {strides = array<i32>} : memref<1x4096xf32, #tpu.memory_space<vmem>>, vector<1x16xf32>,
        %swap3A_503 = vector.shape_cast %swap3A_502 : vector<1x16xf32> to vector<16xf32>
        %swap3A_504 = vector.shape_cast %get3A_498 : vector<16xf32> to vector<1x16xf32>
        tpu.vector_store %arg16[%swap3A_500, %swap3A_501], %swap3A_504 {add = true, strides = array<i32>} : memref<1x4096xf32, #tpu.memory_space<vmem>>, vector<1x16xf32>,
        %mul3A_505 = arith.constant 128 : i32
        %mul3A_506 = arith.muli %scan3A_475, %mul3A_505 : i32
        %add3A_507 = arith.constant 32 : i32
        %add3A_508 = arith.addi %mul3A_506, %add3A_507 : i32
        %get3A_509 = arith.constant 0 : i32
        %get3A_510 = arith.index_cast %get3A_509 : i32 to index
        %get3A_511 = arith.index_cast %add3A_508 : i32 to index
        %get3A_512 = tpu.vector_load %arg24[%get3A_510, %get3A_511] {strides = array<i32>} : memref<1x4096xf32, #tpu.memory_space<vmem>>, vector<1x16xf32>,
        %get3A_513 = vector.shape_cast %get3A_512 : vector<1x16xf32> to vector<16xf32>
        %swap3A_514 = arith.constant 0 : i32
        %swap3A_515 = arith.index_cast %swap3A_514 : i32 to index
        %swap3A_516 = arith.index_cast %add3A_508 : i32 to index
        %swap3A_517 = tpu.vector_load %arg16[%swap3A_515, %swap3A_516] {strides = array<i32>} : memref<1x4096xf32, #tpu.memory_space<vmem>>, vector<1x16xf32>,
        %swap3A_518 = vector.shape_cast %swap3A_517 : vector<1x16xf32> to vector<16xf32>
        %swap3A_519 = vector.shape_cast %get3A_513 : vector<16xf32> to vector<1x16xf32>
        tpu.vector_store %arg16[%swap3A_515, %swap3A_516], %swap3A_519 {add = true, strides = array<i32>} : memref<1x4096xf32, #tpu.memory_space<vmem>>, vector<1x16xf32>,
        %mul3A_520 = arith.constant 128 : i32
        %mul3A_521 = arith.muli %scan3A_475, %mul3A_520 : i32
        %add3A_522 = arith.constant 48 : i32
        %add3A_523 = arith.addi %mul3A_521, %add3A_522 : i32
        %get3A_524 = arith.constant 0 : i32
        %get3A_525 = arith.index_cast %get3A_524 : i32 to index
        %get3A_526 = arith.index_cast %add3A_523 : i32 to index
        %get3A_527 = tpu.vector_load %arg24[%get3A_525, %get3A_526] {strides = array<i32>} : memref<1x4096xf32, #tpu.memory_space<vmem>>, vector<1x16xf32>,
        %get3A_528 = vector.shape_cast %get3A_527 : vector<1x16xf32> to vector<16xf32>
        %swap3A_529 = arith.constant 0 : i32
        %swap3A_530 = arith.index_cast %swap3A_529 : i32 to index
        %swap3A_531 = arith.index_cast %add3A_523 : i32 to index
        %swap3A_532 = tpu.vector_load %arg16[%swap3A_530, %swap3A_531] {strides = array<i32>} : memref<1x4096xf32, #tpu.memory_space<vmem>>, vector<1x16xf32>,
        %swap3A_533 = vector.shape_cast %swap3A_532 : vector<1x16xf32> to vector<16xf32>
        %swap3A_534 = vector.shape_cast %get3A_528 : vector<16xf32> to vector<1x16xf32>
        tpu.vector_store %arg16[%swap3A_530, %swap3A_531], %swap3A_534 {add = true, strides = array<i32>} : memref<1x4096xf32, #tpu.memory_space<vmem>>, vector<1x16xf32>,
        %mul3A_535 = arith.constant 128 : i32
        %mul3A_536 = arith.muli %scan3A_475, %mul3A_535 : i32
        %add3A_537 = arith.constant 64 : i32
        %add3A_538 = arith.addi %mul3A_536, %add3A_537 : i32
        %get3A_539 = arith.constant 0 : i32
        %get3A_540 = arith.index_cast %get3A_539 : i32 to index
        %get3A_541 = arith.index_cast %add3A_538 : i32 to index
        %get3A_542 = tpu.vector_load %arg24[%get3A_540, %get3A_541] {strides = array<i32>} : memref<1x4096xf32, #tpu.memory_space<vmem>>, vector<1x16xf32>,
        %get3A_543 = vector.shape_cast %get3A_542 : vector<1x16xf32> to vector<16xf32>
        %swap3A_544 = arith.constant 0 : i32
        %swap3A_545 = arith.index_cast %swap3A_544 : i32 to index
        %swap3A_546 = arith.index_cast %add3A_538 : i32 to index
        %swap3A_547 = tpu.vector_load %arg16[%swap3A_545, %swap3A_546] {strides = array<i32>} : memref<1x4096xf32, #tpu.memory_space<vmem>>, vector<1x16xf32>,
        %swap3A_548 = vector.shape_cast %swap3A_547 : vector<1x16xf32> to vector<16xf32>
        %swap3A_549 = vector.shape_cast %get3A_543 : vector<16xf32> to vector<1x16xf32>
        tpu.vector_store %arg16[%swap3A_545, %swap3A_546], %swap3A_549 {add = true, strides = array<i32>} : memref<1x4096xf32, #tpu.memory_space<vmem>>, vector<1x16xf32>,
        %mul3A_550 = arith.constant 128 : i32
        %mul3A_551 = arith.muli %scan3A_475, %mul3A_550 : i32
        %add3A_552 = arith.constant 80 : i32
        %add3A_553 = arith.addi %mul3A_551, %add3A_552 : i32
        %get3A_554 = arith.constant 0 : i32
        %get3A_555 = arith.index_cast %get3A_554 : i32 to index
        %get3A_556 = arith.index_cast %add3A_553 : i32 to index
        %get3A_557 = tpu.vector_load %arg24[%get3A_555, %get3A_556] {strides = array<i32>} : memref<1x4096xf32, #tpu.memory_space<vmem>>, vector<1x16xf32>,
        %get3A_558 = vector.shape_cast %get3A_557 : vector<1x16xf32> to vector<16xf32>
        %swap3A_559 = arith.constant 0 : i32
        %swap3A_560 = arith.index_cast %swap3A_559 : i32 to index
        %swap3A_561 = arith.index_cast %add3A_553 : i32 to index
        %swap3A_562 = tpu.vector_load %arg16[%swap3A_560, %swap3A_561] {strides = array<i32>} : memref<1x4096xf32, #tpu.memory_space<vmem>>, vector<1x16xf32>,
        %swap3A_563 = vector.shape_cast %swap3A_562 : vector<1x16xf32> to vector<16xf32>
        %swap3A_564 = vector.shape_cast %get3A_558 : vector<16xf32> to vector<1x16xf32>
        tpu.vector_store %arg16[%swap3A_560, %swap3A_561], %swap3A_564 {add = true, strides = array<i32>} : memref<1x4096xf32, #tpu.memory_space<vmem>>, vector<1x16xf32>,
        %mul3A_565 = arith.constant 128 : i32
        %mul3A_566 = arith.muli %scan3A_475, %mul3A_565 : i32
        %add3A_567 = arith.constant 96 : i32
        %add3A_568 = arith.addi %mul3A_566, %add3A_567 : i32
        %get3A_569 = arith.constant 0 : i32
        %get3A_570 = arith.index_cast %get3A_569 : i32 to index
        %get3A_571 = arith.index_cast %add3A_568 : i32 to index
        %get3A_572 = tpu.vector_load %arg24[%get3A_570, %get3A_571] {strides = array<i32>} : memref<1x4096xf32, #tpu.memory_space<vmem>>, vector<1x16xf32>,
        %get3A_573 = vector.shape_cast %get3A_572 : vector<1x16xf32> to vector<16xf32>
        %swap3A_574 = arith.constant 0 : i32
        %swap3A_575 = arith.index_cast %swap3A_574 : i32 to index
        %swap3A_576 = arith.index_cast %add3A_568 : i32 to index
        %swap3A_577 = tpu.vector_load %arg16[%swap3A_575, %swap3A_576] {strides = array<i32>} : memref<1x4096xf32, #tpu.memory_space<vmem>>, vector<1x16xf32>,
        %swap3A_578 = vector.shape_cast %swap3A_577 : vector<1x16xf32> to vector<16xf32>
        %swap3A_579 = vector.shape_cast %get3A_573 : vector<16xf32> to vector<1x16xf32>
        tpu.vector_store %arg16[%swap3A_575, %swap3A_576], %swap3A_579 {add = true, strides = array<i32>} : memref<1x4096xf32, #tpu.memory_space<vmem>>, vector<1x16xf32>,
        %mul3A_580 = arith.constant 128 : i32
        %mul3A_581 = arith.muli %scan3A_475, %mul3A_580 : i32
        %add3A_582 = arith.constant 112 : i32
        %add3A_583 = arith.addi %mul3A_581, %add3A_582 : i32
        %get3A_584 = arith.constant 0 : i32
        %get3A_585 = arith.index_cast %get3A_584 : i32 to index
        %get3A_586 = arith.index_cast %add3A_583 : i32 to index
        %get3A_587 = tpu.vector_load %arg24[%get3A_585, %get3A_586] {strides = array<i32>} : memref<1x4096xf32, #tpu.memory_space<vmem>>, vector<1x16xf32>,
        %get3A_588 = vector.shape_cast %get3A_587 : vector<1x16xf32> to vector<16xf32>
        %swap3A_589 = arith.constant 0 : i32
        %swap3A_590 = arith.index_cast %swap3A_589 : i32 to index
        %swap3A_591 = arith.index_cast %add3A_583 : i32 to index
        %swap3A_592 = tpu.vector_load %arg16[%swap3A_590, %swap3A_591] {strides = array<i32>} : memref<1x4096xf32, #tpu.memory_space<vmem>>, vector<1x16xf32>,
        %swap3A_593 = vector.shape_cast %swap3A_592 : vector<1x16xf32> to vector<16xf32>
        %swap3A_594 = vector.shape_cast %get3A_588 : vector<16xf32> to vector<1x16xf32>
        tpu.vector_store %arg16[%swap3A_590, %swap3A_591], %swap3A_594 {add = true, strides = array<i32>} : memref<1x4096xf32, #tpu.memory_space<vmem>>, vector<1x16xf32>,
        %scan3A_595 = arith.constant 0 : i32
        scf.yield %scan3A_595 : i32
      }
      %scan3A_465 = arith.constant 32 : i32
      %mul3A_466 = arith.constant 1 : i32
      %mul3A_467 = arith.muli %add3A_429, %mul3A_466 : i32
      %add3A_468 = arith.addi %mul3A_2, %mul3A_467 : i32
      %dma_start3A_469 = arith.constant 0 : i32
      %dma_start3A_470 = tpu.memref_slice %arg8[%add3A_429, %dma_start3A_469] : memref<128x1xi32, #tpu.memory_space<vmem>> -> memref<1x1xi32, #tpu.memory_space<vmem>>
      %dma_start3A_471 = tpu.memref_squeeze %dma_start3A_470 : memref<1x1xi32, #tpu.memory_space<vmem>> -> memref<1xi32, #tpu.memory_space<vmem>>
      %dma_start3A_472 = arith.constant 0 : i32
      %dma_start3A_473 = arith.constant 0 : i32
      %dma_start3A_474 = tpu.memref_slice %arg6[%dma_start3A_472, %dma_start3A_473] : memref<4096x4096xf32, #tpu.memory_space<hbm>> -> memref<4096x4096xf32, #tpu.memory_space<hbm>>
      tpu.enqueue_indirect_dma source(%arg16 : memref<1x4096xf32, #tpu.memory_space<vmem>>) target(%dma_start3A_474 : memref<4096x4096xf32, #tpu.memory_space<hbm>>) offsets(%dma_start3A_471 : memref<1xi32, #tpu.memory_space<vmem>>) semaphore(%arg48 : memref<!tpu.dma_semaphore, #tpu.memory_space<semaphore_mem>>)
    }
    %scan3A_71 = arith.constant 16 : i32
    %add3A_72 = arith.constant 125 : i32
    %add3A_73 = arith.addi %mul3A_2, %add3A_72 : i32
    %dma_wait3A = arith.constant 125 : i32
    %dma_wait3A_74 = arith.constant 0 : i32
    %dma_wait3A_75 = tpu.memref_slice %arg8[%dma_wait3A, %dma_wait3A_74] : memref<128x1xi32, #tpu.memory_space<vmem>> -> memref<1x1xi32, #tpu.memory_space<vmem>>
    %dma_wait3A_76 = tpu.memref_squeeze %dma_wait3A_75 : memref<1x1xi32, #tpu.memory_space<vmem>> -> memref<1xi32, #tpu.memory_space<vmem>>
    %dma_wait3A_77 = arith.constant 0 : i32
    %dma_wait3A_78 = arith.constant 0 : i32
    %dma_wait3A_79 = tpu.memref_slice %arg6[%dma_wait3A_77, %dma_wait3A_78] : memref<4096x4096xf32, #tpu.memory_space<hbm>> -> memref<4096x4096xf32, #tpu.memory_space<hbm>>
    tpu.wait_indirect_dma semaphore(%arg46 : memref<!tpu.dma_semaphore, #tpu.memory_space<semaphore_mem>>) src(%arg14 : memref<1x4096xf32, #tpu.memory_space<vmem>>) dst(%dma_wait3A_79 : memref<4096x4096xf32, #tpu.memory_space<hbm>>)
    %add3A_80 = arith.constant 126 : i32
    %add3A_81 = arith.addi %mul3A_2, %add3A_80 : i32
    %dma_wait3A_82 = arith.constant 0 : i32
    %dma_wait3A_83 = tpu.memref_slice %arg6[%add3A_81, %dma_wait3A_82] : memref<4096x4096xf32, #tpu.memory_space<hbm>> -> memref<1x4096xf32, #tpu.memory_space<hbm>>
    %dma_wait3A_84 = arith.constant 0 : i32
    %dma_wait3A_85 = tpu.memref_slice %arg6[%add3A_81, %dma_wait3A_84] : memref<4096x4096xf32, #tpu.memory_space<hbm>> -> memref<1x4096xf32, #tpu.memory_space<hbm>>
    tpu.wait_dma2 semaphore(%arg47 : memref<!tpu.dma_semaphore, #tpu.memory_space<semaphore_mem>>) src(%arg15 : memref<1x4096xf32, #tpu.memory_space<vmem>>) dst(%dma_wait3A_85 : memref<1x4096xf32, #tpu.memory_space<hbm>>)
    %add3A_86 = arith.constant 127 : i32
    %add3A_87 = arith.addi %mul3A_2, %add3A_86 : i32
    %dma_wait3A_88 = arith.constant 127 : i32
    %dma_wait3A_89 = arith.constant 0 : i32
    %dma_wait3A_90 = tpu.memref_slice %arg8[%dma_wait3A_88, %dma_wait3A_89] : memref<128x1xi32, #tpu.memory_space<vmem>> -> memref<1x1xi32, #tpu.memory_space<vmem>>
    %dma_wait3A_91 = tpu.memref_squeeze %dma_wait3A_90 : memref<1x1xi32, #tpu.memory_space<vmem>> -> memref<1xi32, #tpu.memory_space<vmem>>
    %dma_wait3A_92 = arith.constant 0 : i32
    %dma_wait3A_93 = arith.constant 0 : i32
    %dma_wait3A_94 = tpu.memref_slice %arg6[%dma_wait3A_92, %dma_wait3A_93] : memref<4096x4096xf32, #tpu.memory_space<hbm>> -> memref<4096x4096xf32, #tpu.memory_space<hbm>>
    tpu.wait_indirect_dma semaphore(%arg48 : memref<!tpu.dma_semaphore, #tpu.memory_space<semaphore_mem>>) src(%arg16 : memref<1x4096xf32, #tpu.memory_space<vmem>>) dst(%dma_wait3A_94 : memref<4096x4096xf32, #tpu.memory_space<hbm>>)
    return
  }
}

</mosaic_0001>

<sc_bundles>
// kernel: kernel.3.cloned.1.call-start
scs
__scs_entry_jumppad:
0x0: {  	(pc) =	sbr.rel $0x88, $3  }
0x1: {  	(tag) =	ssettag $0x0;
	lr =	simm.s32 $0x1  }
0x2: {  	[smem:$0x3F9E] =	sst lr;
	_ =	strace $0xD0000000  }
0x3: {  	_ = 	snop  }
0x4: {  	_ = 	snop  }
0x5: {  	_ = 	snop  }
0x6: {  	_ = 	snop  }
0x7: {  	_ = 	snop  }
__scs_overlays_trampoline_lowered:
0x8: {  	[smem:$0x3FAD] =	sst s0  }
0x9: {  	[smem:$0x3FAE] =	sst s1  }
0xa: {  	[smem:$0x3FAF] =	sst s2  }
0xb: {  	[smem:$0x3FB0] =	sst s3  }
0xc: {  	[smem:$0x3FB1] =	sst s4  }
0xd: {  	[smem:$0x3FB2] =	sst s5  }
0xe: {  	[smem:$0x3FB3] =	sst s6  }
0xf: {  	[smem:$0x3FB4] =	sst s7  }
0x10: {  	[smem:$0x3FB5] =	sst s8  }
0x11: {  	[smem:$0x3FB6] =	sst s9;
	s0 =	simm.s32 @!p0 $0x0  }
0x12: {  	s1 =	sld [smem:$0x3F9C];
	s0 =	simm.s32 @p0 $0x1  }
0x13: {  	[smem:$0x3FB7] =	sst s0;
	s0 =	simm.s32 @!p1 $0x0  }
0x14: {  	s2 =	sld [smem:$0x3F9B];
	s0 =	simm.s32 @p1 $0x1  }
0x15: {  	[smem:$0x3FB8] =	sst s0;
	s0 =	simm.s32 @!p2 $0x0  }
0x16: {  	s3 =	sld [smem:$0x3FDB];
	s0 =	simm.s32 @p2 $0x1  }
0x17: {  	s4 =	simm.s32 $0x1BF5;
	[smem:$0x3FBA] =	sst s0  }
0x18: {  	s0 =	sld [smem:$0x3F9D];
	_ =	swait.ge [sflag:s4], $0x0  }
0x19: {  	s7 =	sld [smem:$0x3F9E]  }
0x1a: {  	s8 =	sadd.s32 $0xFFFFE003, lr  }
0x1b: {  	s9 =	sadd.s32 $0xFFFFFEF7, lr;
	s5 =	simm.s32 $0xFFFFFFFF;
	p2 =	slt.u32 s8, $0xFFFFF086  }
0x1c: {  	p1 =	slt.u32 s9, $0xF7A;
	s5 =	simm.s32 @!p2 $0x0  }
0x1d: {  	s5 =	simm.s32 @p1 $0x1;
	p0 =	seq.s32 s7, s2  }
0x1e: {  	s7 =	smul.u32 @!p0 $0xF7A, s2;
	p2 =	seq.s32 @!p0 s5, $0x0  }
0x1f: {  	s9 =	smul.u32 $0xF7A, s1;
	s8 =	simm.s32 @!p0 $0x1BF5;
	p2 =	por !p2, p0  }
0x20: {  	[sflag:s8] =	ssyncset.s32 @!p0 $0xFFFFF086;
	s6 =	sadd.s32 @!p0 s3, s7;
	s7 =	simm.s32 @!p0 $0x108  }
0x21: {  	s3 =	sadd.s32 s3, s9;
	s6 =	sadd.s32 @!p0 $0x88, s6;
	s7 =	simm.s32 @p2 $0x1082  }
0x22: {  	[simem:s7], [sflag:s8] =	dma.local @!p0 [hbm:s6], $0xF7A  }
0x23: {  	s9 =	sor.u32 $0xD0000000, s2;
	s6 =	simm.s32 $0x108;
	_ =	swait.ge @!p0 [sflag:s8], $0x0  }
0x24: {  	s3 =	sadd.s32 $0x88, s3;
	s6 =	simm.s32 @!p1 $0x1082;
	[sflag:s4] =	ssyncset.s32 $0xFFFFF086  }
0x25: {  	[simem:s6], [sflag:s4] =	dma.local [hbm:s3], $0xF7A  }
0x26: {  	[smem:$0x3F9E] =	sst s1;
	(tag) =	ssettag s2;
	_ =	strace s9  }
0x27: {  	s1 =	sld [smem:$0x3FAE]  }
0x28: {  	s2 =	sld [smem:$0x3FAF]  }
0x29: {  	s4 =	sld [smem:$0x3FB1]  }
0x2a: {  	p0 =	seq.s32 s5, $0x0;
	s5 =	sld [smem:$0x3FB2]  }
0x2b: {  	s6 =	sld [smem:$0x3FB3]  }
0x2c: {  	s7 =	sld [smem:$0x3FB4]  }
0x2d: {  	s3 =	simm.s32 $0x108;
	s8 =	sld [smem:$0x3FB5]  }
0x2e: {  	s3 =	simm.s32 @!p0 $0x1082;
	s9 =	sld [smem:$0x3FB6]  }
0x2f: {  	lr =	sadd.s32 s0, s3;
	s0 =	sld [smem:$0x3FAD]  }
0x30: {  	s3 =	sld [smem:$0x3FB0]  }
0x31: {  	[smem:$0x3FB9] =	sst s10  }
0x32: {  	s10 =	sld [smem:$0x3FB7];
	_ =	sdelay $0x3  }
0x33: {  	p0 =	seq.s32 s10, $0x1;
	s10 =	sld [smem:$0x3FB9];
	_ =	sdelay $0x3  }
0x34: {  	[smem:$0x3FB9] =	sst s10  }
0x35: {  	s10 =	sld [smem:$0x3FB8];
	_ =	sdelay $0x3  }
0x36: {  	p1 =	seq.s32 s10, $0x1;
	s10 =	sld [smem:$0x3FB9];
	_ =	sdelay $0x3  }
0x37: {  	[smem:$0x3FB9] =	sst s10  }
0x38: {  	s10 =	sld [smem:$0x3FBA]  }
0x39: {  	_ = 	snop;
	(pc) =	sbr.ind lr, $3  }
0x3a: {  	_ = 	snop  }
0x3b: {  	_ = 	snop  }
0x3c: {  	p2 =	seq.s32 s10, $0x1;
	s10 =	sld [smem:$0x3FB9]  }
0x3d: {  	_ =	shalt  }
0x3e: {  	_ =	shalt  }
0x3f: {  	_ =	shalt  }
0x40: {  	_ =	shalt  }
0x41: {  	_ =	shalt  }
0x42: {  	_ =	shalt  }
0x43: {  	_ =	shalt  }
0x44: {  	_ =	shalt  }
0x45: {  	_ =	shalt  }
0x46: {  	_ =	shalt  }
0x47: {  	_ =	shalt  }
0x48: {  	_ =	shalt  }
0x49: {  	_ =	shalt  }
0x4a: {  	_ =	shalt  }
0x4b: {  	_ =	shalt  }
0x4c: {  	_ =	shalt  }
0x4d: {  	_ =	shalt  }
0x4e: {  	_ =	shalt  }
0x4f: {  	_ =	shalt  }
0x50: {  	_ =	shalt  }
0x51: {  	_ =	shalt  }
0x52: {  	_ =	shalt  }
0x53: {  	_ =	shalt  }
0x54: {  	_ =	shalt  }
0x55: {  	_ =	shalt  }
0x56: {  	_ =	shalt  }
0x57: {  	_ =	shalt  }
0x58: {  	_ =	shalt  }
0x59: {  	_ =	shalt  }
0x5a: {  	_ =	shalt  }
0x5b: {  	_ =	shalt  }
0x5c: {  	_ =	shalt  }
0x5d: {  	_ =	shalt  }
0x5e: {  	_ =	shalt  }
0x5f: {  	_ =	shalt  }
0x60: {  	_ =	shalt  }
0x61: {  	_ =	shalt  }
0x62: {  	_ =	shalt  }
0x63: {  	_ =	shalt  }
0x64: {  	_ =	shalt  }
0x65: {  	_ =	shalt  }
0x66: {  	_ =	shalt  }
0x67: {  	_ =	shalt  }
0x68: {  	_ =	shalt  }
0x69: {  	_ =	shalt  }
0x6a: {  	_ =	shalt  }
0x6b: {  	_ =	shalt  }
0x6c: {  	_ =	shalt  }
0x6d: {  	_ =	shalt  }
0x6e: {  	_ =	shalt  }
0x6f: {  	_ =	shalt  }
0x70: {  	_ =	shalt  }
0x71: {  	_ =	shalt  }
0x72: {  	_ =	shalt  }
0x73: {  	_ =	shalt  }
0x74: {  	_ =	shalt  }
0x75: {  	_ =	shalt  }
0x76: {  	_ =	shalt  }
0x77: {  	_ =	shalt  }
0x78: {  	_ =	shalt  }
0x79: {  	_ =	shalt  }
0x7a: {  	_ =	shalt  }
0x7b: {  	_ =	shalt  }
0x7c: {  	_ =	shalt  }
0x7d: {  	_ =	shalt  }
0x7e: {  	_ =	shalt  }
0x7f: {  	_ =	shalt  }
0x80: {  	_ =	shalt  }
0x81: {  	_ =	shalt  }
0x82: {  	_ =	shalt  }
0x83: {  	_ =	shalt  }
0x84: {  	_ =	shalt  }
0x85: {  	_ =	shalt  }
0x86: {  	_ =	shalt  }
0x87: {  	_ =	shalt  }
.Lfunc_end0:
.L_simem_size_0:
called_computation_lowered:
.L_overlay_start_0:
0x88: {  	s2 =	sld [smem:$0x3FD9]  }
0x89: {  	s3 =	sld [smem:$0x3FFE];
	_ =	sdelay $0x1  }
0x8a: {  	s1 =	srdreg.scid  }
0x8b: {  	s0 =	sand.u32 $0x1, s1  }
0x8c: {  	s17 =	sshll.u32 s0, $0xA;
	s2 =	sadd.s32 s3, s2  }
0x8d: {  	s2 =	sadd.s32 s2, s17  }
0x8e: {  	[smem:$0x3FC5] =	sst s2  }
0x8f: {  	_ = 	snop  }
0x90: {  	s2 =	sld [smem:$0x3FC9]  }
0x91: {  	s18 =	sld [smem:$0x3FC7]  }
0x92: {  	s4 =	sld [smem:$0x3FD0];
	(tm) =	ssettm $0x1  }
0x93: {  	s5 =	sld [smem:$0x3FFB];
	_ =	sdelay $0x3  }
0x94: {  	_ =	strace s5  }
0x95: {  	s5 =	sld [smem:$0x3FFC];
	_ =	sdelay $0x3  }
0x96: {  	_ =	strace s5  }
0x97: {  	s5 =	sld [smem:$0x3FFD];
	_ =	sdelay $0x3  }
0x98: {  	_ =	strace s5  }
0x99: {  	_ =	strace $0x8FFFFFFF  }
0x9a: {  	s19 =	sld [smem:$0x3FDB];
	_ =	sdelay $0x1  }
0x9b: {  	s6 =	simm.s32 $_scs_section_size  }
0x9c: {  	s7 =	simm.s32 $_size__tile_overlayer_lowered;
	s8 =	simm.s32 $_tile_overlayer_lowered  }
0x9d: {  	s22 =	simm.s32 $0x1BFF;
	s21 =	sshll.u32 s8, $0x1;
	s5 =	sadd.s32 s6, s19  }
0x9e: {  	s9 =	simm.s32 $0x0;
	s20 =	sshll.u32 s7, $0x1;
	s7 =	sadd.s32 s21, s5  }
0x9f: {  	[timem:s9], [sflag:s22] =	dma.local [hbm:s7], s20  }
0xa0: {  	_ =	swait.ge [sflag:s22], s20  }
0xa1: {  	s6 =	ssub.s32 $0x0, s20;
	[sflag:s22] =	ssyncset.done $0x0  }
0xa2: {  	[sflag:s22] =	ssyncadd.s32 s6;
	_ =	sdelay $0x1  }
0xa3: {  	s23 =	simm.s32 $0x1B8B  }
0xa4: {  	_ =	swait.ge [sflag:s23], $0x1  }
0xa5: {  	[sflag:s23] =	ssyncset.done $0x0  }
0xa6: {  	s25 =	simm.s32 $0x1B8E;
	s24 =	sld [smem:$0x3FFE];
	[sflag:s23] =	ssyncadd.s32 $0xFFFFFFFF  }
0xa7: {  	s26 =	simm.s32 $execute0_lowered;
	[smem:$0x3FD2] =	sst s25  }
0xa8: {  	s7 =	sshll.u32 s26, $0x1;
	_ =	strace $0x80000046;
	[dreg:$0x1] =	wrdreg $0xFFFFFFFF  }
0xa9: {  	s28 =	simm.s32 $_size_execute0_lowered;
	s5 =	sadd.s32 s5, s7;
	[dreg:$0x0] =	wrdreg $0x0  }
0xaa: {  	s7 =	sshll.u32 s28, $0x1;
	[dreg:$0x2] =	wrdreg s5  }
0xab: {  	[dreg:$0x3] =	wrdreg s7  }
0xac: {  	[dreg:$0x4] =	wrdreg $0xC0  }
0xad: {  	_ =	task [dreg:s9], $0x5FFFF  }
0xae: {  	[dreg:$0x1] =	wrdreg $0xFFFFFFFF  }
0xaf: {  	[dreg:$0x0] =	wrdreg $0x60  }
0xb0: {  	[dreg:$0x2] =	wrdreg s2  }
0xb1: {  	[dreg:$0x3] =	wrdreg s24  }
0xb2: {  	[dreg:$0x4] =	wrdreg s18  }
0xb3: {  	[dreg:$0x5] =	wrdreg s4  }
0xb4: {  	[dreg:$0x6] =	wrdreg $0x9  }
0xb5: {  	_ =	task.clear_ibuf [dreg:s9], $0x7FFFF;
	_ =	strace $0x90000046  }
0xb6: {  	s29 =	simm.s32 $0x9;
	_ =	strace $0x80000048  }
0xb7: {  	_ =	swait.ge [sflag:s29], $0x1  }
0xb8: {  	[sflag:s29] =	ssyncadd.s32 $0xFFFFFFFF  }
0xb9: {  	_ =	strace $0x90000048  }
0xba: {  	_ =	sfence  }
0xbb: {  	s30 =	sld [smem:$0x0];
	_ =	sdelay $0x2  }
0xbc: {  	s31 =	sshll.u32 s1, $0xD;
	s1 =	sshrl.u32 s1, $0x2  }
0xbd: {  	s3 =	sand.u32 $0x4000, s31;
	s1 =	sadd.s32 s1, s30  }
0xbe: {  	s0 =	sor.u32 s3, s0;
	s1 =	sshll.u32 s1, $0x11  }
0xbf: {  	s0 =	sor.u32 s1, s0  }
0xc0: {  	s0 =	sadd.s32 $0x8F2B, s0  }
0xc1: {  	[sflag:s0] =	ssyncadd.remote.s32 $0x1  }
0xc2: {  	_ =	sfence.sel $0xFFFF  }
0xc3: {  	[dreg:$0x0] =	wrdreg $0xFFFFFFFF;
	(pc) =	sbr.abs _section_cstart, $3  }
0xc4: {  	[dreg:$0x1] =	wrdreg $0xFFFFFFFF  }
0xc5: {  	_ =	task.clear_ibuf [dreg:s9], $0x2FFFF;
	_ =	strace $0x9FFFFFFF  }
0xc6: {  	(tm) =	ssettm $0x7FFFFFFF  }
0xc7: {  	_ =	shalt  }
tec
execute0_lowered:
.L_overlay_start_1:
0x0: {  	(tag) =	ssettag $0x1  }
0x1: {  	s26 =	rddreg [dreg:$0x0]  }
0x2: {  	s0 =	rddreg [dreg:$0x1]  }
0x3: {  	s1 =	srdreg.scid;
	s3 =	rddreg [dreg:$0x2]  }
0x4: {  	s2 =	stileid.u32;
	s4 =	rddreg [dreg:$0x3]  }
0x5: {  	s6 =	simm.s32 $0x0;
	s28 =	simm.s32 $0x80;
	s29 =	simm.s32 $0x400  }
0x6: {  	s30 =	simm.s32 $0xE000;
	s31 =	simm.s32 $0xF000;
	s9 =	simm.s32 $0x6  }
0x7: {  	s13 =	simm.s32 $0xE;
	[smem:$0x7FF] =	sst s6;
	s17 =	sadd.s32 $0x10, s26  }
0x8: {  	s18 =	sadd.s32 $0x20, s26;
	_ =	strace $0x80000047;
	[dreg:$0x7] =	wrdreg s17  }
0x9: {  	s10 =	simm.s32 $0x15;
	s19 =	sadd.s32 $0x30, s26;
	[dreg:$0xa] =	wrdreg s18  }
0xa: {  	s1 =	sand.u32 $0x1, s1;
	s8 =	sadd.s32 $0x40, s26;
	[dreg:$0xb] =	wrdreg s19  }
0xb: {  	s2 =	sshll.u32 s2, $0x8;
	s21 =	sadd.s32 $0x50, s26;
	[dreg:$0xc] =	wrdreg s8  }
0xc: {  	s11 =	sadd.s32 $0x800, s3;
	s22 =	sadd.s32 $0x70, s26;
	[dreg:$0x10] =	wrdreg s21  }
0xd: {  	s23 =	sadd.s32 $0x20, s4;
	s24 =	sadd.s32 $0x40, s4;
	[dreg:$0x11] =	wrdreg s22  }
0xe: {  	s5 =	sshll.u32 s1, $0x7;
	s1 =	ssub.s32 $0x2, s1;
	[dreg:$0x12] =	wrdreg s23  }
0xf: {  	[dreg:$0x13] =	wrdreg s24;
	s21 =	simm.s32 $0x14;
	s5 =	sor.u32 s5, s2  }
0x10: {  	s22 =	simm.s32 $0x8;
	s23 =	simm.s32 $0x10;
	s16 =	sshll.u32 s5, $0x9  }
0x11: {  	s14 =	sshrl.u32 s1, $0x1;
	s2 =	sshll.u32 s5, $0x4;
	s7 =	sadd.s32 s26, s16  }
0x12: {  	s0 =	sadd.s32 s2, s0;
	s2 =	sadd.s32 s16, s17;
	[dreg:$0x8] =	wrdreg s7  }
0x13: {  	s1 =	ssub.s32 s1, s14;
	s20 =	sadd.s32 s16, s19;
	[dreg:$0x9] =	wrdreg s2  }
0x14: {  	s14 =	simm.s32 $0x13;
	s25 =	smax.u32 s1, $0x1;
	[dreg:$0xe] =	wrdreg s20  }
0x15: {  	s1 =	simm.s32 $0x12;
	s15 =	sadd.s32 $0x400, s0;
	[dreg:$0x14] =	wrdreg s25  }
0x16: {  	s19 =	simm.s32 $0xF;
	s0 =	sadd.s32 $0x10400, s0;
	[dreg:$0x5] =	wrdreg s15  }
0x17: {  	s2 =	sadd.s32 s16, s18;
	s20 =	sadd.s32 $0x800, s4;
	[dreg:$0x6] =	wrdreg s0  }
0x18: {  	v1 =	vlaneseq.u32;
	s25 =	simm.s32 $0xD000;
	[dreg:$0xd] =	wrdreg s2;
	s0 =	sadd.s32 s16, s8  }
0x19: {  	v0 =	vimm.s32 $0x0;
	vm0 =	vmmov $0xffff;
	v1 =	vmul.u32 $0x8, v1;
	s7 =	simm.s32 $0x0;
	s15 =	simm.s32 $0x7;
	[dreg:$0xf] =	wrdreg s0  }
.LBB2_1:
0x1a: {  	[dreg:$0x15] =	wrdreg s7  }
0x1b: {  	s0 =	rddreg [dreg:$0x5];
	s2 =	simm.s32 $0x19  }
0x1c: {  	[tilespmem:s6], [sflag:$0x19] =	stream.linear.gather [hbm4b:s0+s6], $0x4000, $0x38;
	[tilespmem:$0x18000] =	vst v63  }
0x1d: {  	_ =	swait.ge [sflag:s2], $0x4000  }
0x1e: {  	[sflag:s2] =	ssyncset.done $0x0  }
0x1f: {  	s12 =	simm.s32 $0x4000;
	s8 =	rddreg [dreg:$0x6];
	[sflag:s2] =	ssyncadd.s32 $0xFFFFC000  }
0x20: {  	[tilespmem:s12], [sflag:$0x19] =	stream.linear.gather [hbm4b:s8+s6], $0x4000, $0x38;
	[tilespmem:$0x18000] =	vst v63  }
0x21: {  	_ =	swait.ge [sflag:s2], $0x4000  }
0x22: {  	[sflag:s2] =	ssyncset.done $0x0  }
0x23: {  	s17 =	simm.s32 $0x8000;
	s16 =	rddreg [dreg:$0x8];
	[sflag:s2] =	ssyncadd.s32 $0xFFFFC000  }
0x24: {  	[tilespmem:s17], [sflag:$0x1] =	stream.strided.gather [hbm4b:s16+s28], $0x1000, s29, s28, $0x38;
	[tilespmem:$0x18000] =	vst v63  }
0x25: {  	v2 =	vld.msk [tilespmem:$0x0], $0x1;
	_ =	sdelay $0x4  }
0x26: {  	v3 =	vshll.u32 v2, $0x5  }
0x27: {  	v2 =	vand.u32 $0x7, v2;
	v3 =	vand.u32 $0xFFFFFF00, v3  }
0x28: {  	v2 =	vor.u32 v2, v3  }
0x29: {  	v2 =	vperm.xlane v2, v0;
	_ =	sdelay $0x1  }
0x2a: {  	v2 =	vadd.s32 v1, v2;
	_ =	sdelay $0x3  }
0x2b: {  	s18 =	simm.s32 $0x10000  }
0x2c: {  	[tilespmem:s18], [sflag:$0x9] =	stream.indirect_vreg.gather [hbm4b:s3+s6], $0x80, v2, vm0, $0xb8;
	[tilespmem:$0x18000] =	vst v63  }
0x2d: {  	s24 =	simm.s32 $0x10800  }
0x2e: {  	[tilespmem:s24], [sflag:$0x9] =	stream.indirect_vreg.gather [hbm4b:s11+s6], $0x80, v2, vm0, $0xb8;
	[tilespmem:$0x18000] =	vst v63  }
0x2f: {  	s7 =	simm.s32 $0x9000;
	s2 =	rddreg [dreg:$0x9]  }
0x30: {  	[tilespmem:s7], [sflag:$0x2] =	stream.strided.gather [hbm4b:s2+s28], $0x1000, s29, s28, $0x38;
	[tilespmem:$0x18000] =	vst v63  }
0x31: {  	v2 =	vld.msk [tilespmem:$0x80], $0x1;
	_ =	sdelay $0x4  }
0x32: {  	v3 =	vshll.u32 v2, $0x5  }
0x33: {  	v2 =	vand.u32 $0x7, v2;
	v3 =	vand.u32 $0xFFFFFF00, v3  }
0x34: {  	v2 =	vor.u32 v2, v3  }
0x35: {  	v2 =	vperm.xlane v2, v0;
	_ =	sdelay $0x1  }
0x36: {  	v2 =	vadd.s32 v1, v2;
	_ =	sdelay $0x3  }
0x37: {  	s8 =	simm.s32 $0x11000  }
0x38: {  	[tilespmem:s8], [sflag:$0xA] =	stream.indirect_vreg.gather [hbm4b:s3+s6], $0x80, v2, vm0, $0xb8;
	[tilespmem:$0x18000] =	vst v63  }
0x39: {  	s12 =	simm.s32 $0x11800  }
0x3a: {  	[tilespmem:s12], [sflag:$0xA] =	stream.indirect_vreg.gather [hbm4b:s11+s6], $0x80, v2, vm0, $0xb8;
	[tilespmem:$0x18000] =	vst v63  }
0x3b: {  	s16 =	rddreg [dreg:$0xd];
	s17 =	simm.s32 $0xA000  }
0x3c: {  	[tilespmem:s17], [sflag:$0x3] =	stream.strided.gather [hbm4b:s16+s28], $0x1000, s29, s28, $0x38;
	[tilespmem:$0x18000] =	vst v63  }
0x3d: {  	v2 =	vld.msk [tilespmem:$0x100], $0x1;
	_ =	sdelay $0x4  }
0x3e: {  	v3 =	vshll.u32 v2, $0x5  }
0x3f: {  	v2 =	vand.u32 $0x7, v2;
	v3 =	vand.u32 $0xFFFFFF00, v3  }
0x40: {  	v2 =	vor.u32 v2, v3  }
0x41: {  	v2 =	vperm.xlane v2, v0;
	_ =	sdelay $0x1  }
0x42: {  	v2 =	vadd.s32 v1, v2;
	_ =	sdelay $0x3  }
0x43: {  	s18 =	simm.s32 $0x12000  }
0x44: {  	[tilespmem:s18], [sflag:$0xB] =	stream.indirect_vreg.gather [hbm4b:s3+s6], $0x80, v2, vm0, $0xb8;
	[tilespmem:$0x18000] =	vst v63  }
0x45: {  	s24 =	simm.s32 $0x12800  }
0x46: {  	[tilespmem:s24], [sflag:$0xB] =	stream.indirect_vreg.gather [hbm4b:s11+s6], $0x80, v2, vm0, $0xb8;
	[tilespmem:$0x18000] =	vst v63  }
0x47: {  	s2 =	rddreg [dreg:$0xe];
	s7 =	simm.s32 $0xB000  }
0x48: {  	[tilespmem:s7], [sflag:$0x4] =	stream.strided.gather [hbm4b:s2+s28], $0x1000, s29, s28, $0x38;
	[tilespmem:$0x18000] =	vst v63  }
0x49: {  	v2 =	vld.msk [tilespmem:$0x180], $0x1;
	_ =	sdelay $0x4  }
0x4a: {  	v3 =	vshll.u32 v2, $0x5  }
0x4b: {  	v2 =	vand.u32 $0x7, v2;
	v3 =	vand.u32 $0xFFFFFF00, v3  }
0x4c: {  	v2 =	vor.u32 v2, v3  }
0x4d: {  	v2 =	vperm.xlane v2, v0;
	_ =	sdelay $0x1  }
0x4e: {  	v2 =	vadd.s32 v1, v2;
	_ =	sdelay $0x3  }
0x4f: {  	s8 =	simm.s32 $0x13000  }
0x50: {  	[tilespmem:s8], [sflag:$0xC] =	stream.indirect_vreg.gather [hbm4b:s3+s6], $0x80, v2, vm0, $0xb8;
	[tilespmem:$0x18000] =	vst v63  }
0x51: {  	s12 =	simm.s32 $0x13800  }
0x52: {  	[tilespmem:s12], [sflag:$0xC] =	stream.indirect_vreg.gather [hbm4b:s11+s6], $0x80, v2, vm0, $0xb8;
	[tilespmem:$0x18000] =	vst v63  }
0x53: {  	s16 =	rddreg [dreg:$0xf];
	s17 =	simm.s32 $0xC000  }
0x54: {  	[tilespmem:s17], [sflag:$0x5] =	stream.strided.gather [hbm4b:s16+s28], $0x1000, s29, s28, $0x38;
	[tilespmem:$0x18000] =	vst v63  }
0x55: {  	v2 =	vld.msk [tilespmem:$0x200], $0x1;
	_ =	sdelay $0x4  }
0x56: {  	v3 =	vshll.u32 v2, $0x5  }
0x57: {  	v2 =	vand.u32 $0x7, v2;
	v3 =	vand.u32 $0xFFFFFF00, v3  }
0x58: {  	v2 =	vor.u32 v2, v3  }
0x59: {  	v2 =	vperm.xlane v2, v0;
	_ =	sdelay $0x1  }
0x5a: {  	v2 =	vadd.s32 v1, v2;
	_ =	sdelay $0x3  }
0x5b: {  	s18 =	simm.s32 $0x14000  }
0x5c: {  	[tilespmem:s18], [sflag:$0xD] =	stream.indirect_vreg.gather [hbm4b:s3+s6], $0x80, v2, vm0, $0xb8;
	[tilespmem:$0x18000] =	vst v63  }
0x5d: {  	s24 =	simm.s32 $0x14800  }
0x5e: {  	[tilespmem:s24], [sflag:$0xD] =	stream.indirect_vreg.gather [hbm4b:s11+s6], $0x80, v2, vm0, $0xb8;
	[tilespmem:$0x18000] =	vst v63  }
0x5f: {  	s24 =	simm.s32 $0x0  }
.LBB2_2:
0x60: {  	s0 =	simm.s32 $0x1  }
0x61: {  	_ =	swait.ge [sflag:s0], $0x1000  }
0x62: {  	[sflag:s0] =	ssyncset.done $0x0  }
0x63: {  	s8 =	simm.s32 $0x9;
	[sflag:s0] =	ssyncadd.s32 $0xFFFFF000  }
0x64: {  	_ =	swait.ge [sflag:s8], $0x1000  }
0x65: {  	p0 =	seq.s32 s24, $0x0;
	s16 =	sshll.u32 s24, $0x3;
	[sflag:s8] =	ssyncset.done $0x0  }
0x66: {  	s7 =	simm.s32 @!p0 $0x16;
	[sflag:s8] =	ssyncadd.s32 $0xFFFFF000;
	s8 =	sor.u32 s5, s16  }
0x67: {  	_ =	swait.ge @!p0 [sflag:s7], $0x1000;
	s18 =	sshll.u32 s8, $0x9  }
0x68: {  	s8 =	sshll.u32 s24, $0xC;
	[sflag:s7] =	ssyncset.done @!p0 $0x0;
	s12 =	rddreg [dreg:$0x10]  }
0x69: {  	s0 =	sor.u32 $0xA00, s8;
	[sflag:s7] =	ssyncadd.s32 @!p0 $0xFFFFF000;
	s17 =	sadd.s32 s18, s12  }
0x6a: {  	[tilespmem:s25], [sflag:$0x6] =	stream.strided.gather [hbm4b:s17+s28], $0x1000, s29, s28, $0x38;
	[tilespmem:$0x18000] =	vst v63  }
0x6b: {  	s17 =	sshrl.u32 s0, $0x2  }
0x6c: {  	v2 =	vld.msk [tilespmem:s17+$0x0], $0x1;
	_ =	sdelay $0x4  }
0x6d: {  	v3 =	vshll.u32 v2, $0x5  }
0x6e: {  	v2 =	vand.u32 $0x7, v2;
	v3 =	vand.u32 $0xFFFFFF00, v3  }
0x6f: {  	v2 =	vor.u32 v2, v3  }
0x70: {  	v2 =	vperm.xlane v2, v0;
	_ =	sdelay $0x1  }
0x71: {  	v2 =	vadd.s32 v1, v2;
	_ =	sdelay $0x3  }
0x72: {  	s2 =	simm.s32 $0x0;
	s12 =	simm.s32 $0x15000  }
0x73: {  	[tilespmem:s12], [sflag:$0xE] =	stream.indirect_vreg.gather [hbm4b:s3+s2], $0x80, v2, vm0, $0xb8;
	[tilespmem:$0x18000] =	vst v63  }
0x74: {  	s7 =	simm.s32 $0x0;
	s25 =	simm.s32 $0x15800;
	s12 =	simm.s32 $0x200  }
0x75: {  	[tilespmem:s25], [sflag:$0xE] =	stream.indirect_vreg.gather [hbm4b:s11+s2], $0x80, v2, vm0, $0xb8;
	[tilespmem:$0x18000] =	vst v63  }
.LBB2_3:
0x76: {  	p1 =	sne.s32 s12, $0x3E00;
	v2 =	vld [tilespmem:s7+$0x10070]  }
0x77: {  	v3 =	vld [tilespmem:s7+$0x10000]  }
0x78: {  	v4 =	vld [tilespmem:s7+$0x10010]  }
0x79: {  	v5 =	vld [tilespmem:s7+$0x10020]  }
0x7a: {  	v6 =	vld [tilespmem:s7+$0x10030]  }
0x7b: {  	[tilespmem:s7+$0x8070] =	vst.add.f32.msk $0xffff, v2  }
0x7c: {  	v2 =	vld [tilespmem:s7+$0x10040]  }
0x7d: {  	v7 =	vld [tilespmem:s7+$0x10050]  }
0x7e: {  	v8 =	vld [tilespmem:s7+$0x10060]  }
0x7f: {  	[tilespmem:s7+$0x8000] =	vst.add.f32.msk $0xffff, v3  }
0x80: {  	[tilespmem:s7+$0x8010] =	vst.add.f32.msk $0xffff, v4  }
.Ltmp0:
0x81: {  	[tilespmem:s7+$0x8020] =	vst.add.f32.msk $0xffff, v5;
	(pc) =	sbr.rel @p1 .LBB2_3-.Ltmp0, $4  }
0x82: {  	[tilespmem:s7+$0x8030] =	vst.add.f32.msk $0xffff, v6  }
0x83: {  	[tilespmem:s7+$0x8040] =	vst.add.f32.msk $0xffff, v2  }
0x84: {  	[tilespmem:s7+$0x8050] =	vst.add.f32.msk $0xffff, v7  }
0x85: {  	[tilespmem:s7+$0x8060] =	vst.add.f32.msk $0xffff, v8;
	s7 =	sshra.s32 s12, $0x2;
	s12 =	sadd.s32 $0x200, s12  }
0x86: {  	v2 =	vld [tilespmem:s7+$0x10070]  }
0x87: {  	v3 =	vld [tilespmem:s7+$0x10000]  }
0x88: {  	v4 =	vld [tilespmem:s7+$0x10010]  }
0x89: {  	v5 =	vld [tilespmem:s7+$0x10020]  }
0x8a: {  	v6 =	vld [tilespmem:s7+$0x10030]  }
0x8b: {  	v7 =	vld [tilespmem:s7+$0x10050]  }
0x8c: {  	v8 =	vld [tilespmem:s7+$0x10060]  }
0x8d: {  	[tilespmem:s7+$0x8070] =	vst.add.f32.msk $0xffff, v2  }
0x8e: {  	v2 =	vld [tilespmem:s7+$0x10040]  }
0x8f: {  	[tilespmem:s7+$0x8000] =	vst.add.f32.msk $0xffff, v3  }
0x90: {  	[tilespmem:s7+$0x8010] =	vst.add.f32.msk $0xffff, v4  }
0x91: {  	[tilespmem:s7+$0x8020] =	vst.add.f32.msk $0xffff, v5  }
0x92: {  	[tilespmem:s7+$0x8030] =	vst.add.f32.msk $0xffff, v6  }
0x93: {  	[tilespmem:s7+$0x8050] =	vst.add.f32.msk $0xffff, v7  }
0x94: {  	[tilespmem:s7+$0x8060] =	vst.add.f32.msk $0xffff, v8  }
0x95: {  	s2 =	sadd.s32 s4, s18;
	s0 =	simm.s32 $0x8000;
	s12 =	simm.s32 $0x2;
	[tilespmem:s7+$0x8040] =	vst.add.f32.msk $0xffff, v2  }
0x96: {  	[hbm4b:s2+s28] =	stream.strided.scatter [tilespmem:s0], [sflag:$0x11], $0x1000, s29, s28, $0x38;
	[tilespmem:$0x18000] =	vst v63  }
0x97: {  	_ =	swait.ge [sflag:s12], $0x1000  }
0x98: {  	[sflag:s12] =	ssyncset.done $0x0  }
0x99: {  	s25 =	simm.s32 $0xA;
	[sflag:s12] =	ssyncadd.s32 $0xFFFFF000  }
0x9a: {  	_ =	swait.ge [sflag:s25], $0x1000  }
0x9b: {  	[sflag:s25] =	ssyncset.done $0x0  }
0x9c: {  	s12 =	simm.s32 @!p0 $0x17;
	[sflag:s25] =	ssyncadd.s32 $0xFFFFF000  }
0x9d: {  	_ =	swait.ge @!p0 [sflag:s12], $0x1000  }
0x9e: {  	s7 =	sor.u32 $0x60, s18;
	[sflag:s12] =	ssyncset.done @!p0 $0x0  }
0x9f: {  	s0 =	sadd.s32 s26, s7;
	s25 =	sshrl.u32 s8, $0x2;
	[sflag:s12] =	ssyncadd.s32 @!p0 $0xFFFFF000  }
0xa0: {  	[tilespmem:s30], [sflag:$0x7] =	stream.strided.gather [hbm4b:s0+s28], $0x1000, s29, s28, $0x38;
	[tilespmem:$0x18000] =	vst v63  }
0xa1: {  	v2 =	vld.msk [tilespmem:s25+$0x300], $0x1;
	_ =	sdelay $0x4  }
0xa2: {  	v3 =	vshll.u32 v2, $0x5  }
0xa3: {  	v2 =	vand.u32 $0x7, v2;
	v3 =	vand.u32 $0xFFFFFF00, v3  }
0xa4: {  	v2 =	vor.u32 v2, v3  }
0xa5: {  	v2 =	vperm.xlane v2, v0;
	_ =	sdelay $0x1  }
0xa6: {  	v2 =	vadd.s32 v1, v2;
	_ =	sdelay $0x3  }
0xa7: {  	s2 =	simm.s32 $0x16000;
	s12 =	simm.s32 $0x0  }
0xa8: {  	[tilespmem:s2], [sflag:$0xF] =	stream.indirect_vreg.gather [hbm4b:s3+s12], $0x80, v2, vm0, $0xb8;
	[tilespmem:$0x18000] =	vst v63  }
0xa9: {  	s2 =	simm.s32 $0x16800  }
0xaa: {  	[tilespmem:s2], [sflag:$0xF] =	stream.indirect_vreg.gather [hbm4b:s11+s12], $0x80, v2, vm0, $0xb8;
	[tilespmem:$0x18000] =	vst v63  }
0xab: {  	s30 =	simm.s32 $0x200;
	s12 =	simm.s32 $0x0  }
.LBB2_5:
0xac: {  	p1 =	sne.s32 s30, $0x3E00;
	v2 =	vld [tilespmem:s12+$0x11070]  }
0xad: {  	v3 =	vld [tilespmem:s12+$0x11000]  }
0xae: {  	v4 =	vld [tilespmem:s12+$0x11010]  }
0xaf: {  	v5 =	vld [tilespmem:s12+$0x11020]  }
0xb0: {  	v6 =	vld [tilespmem:s12+$0x11030]  }
0xb1: {  	[tilespmem:s12+$0x9070] =	vst.add.f32.msk $0xffff, v2  }
0xb2: {  	v2 =	vld [tilespmem:s12+$0x11040]  }
0xb3: {  	v7 =	vld [tilespmem:s12+$0x11050]  }
0xb4: {  	v8 =	vld [tilespmem:s12+$0x11060]  }
0xb5: {  	[tilespmem:s12+$0x9000] =	vst.add.f32.msk $0xffff, v3  }
0xb6: {  	[tilespmem:s12+$0x9010] =	vst.add.f32.msk $0xffff, v4  }
.Ltmp1:
0xb7: {  	[tilespmem:s12+$0x9020] =	vst.add.f32.msk $0xffff, v5;
	(pc) =	sbr.rel @p1 .LBB2_5-.Ltmp1, $4  }
0xb8: {  	[tilespmem:s12+$0x9030] =	vst.add.f32.msk $0xffff, v6  }
0xb9: {  	[tilespmem:s12+$0x9040] =	vst.add.f32.msk $0xffff, v2  }
0xba: {  	[tilespmem:s12+$0x9050] =	vst.add.f32.msk $0xffff, v7  }
0xbb: {  	[tilespmem:s12+$0x9060] =	vst.add.f32.msk $0xffff, v8;
	s12 =	sshra.s32 s30, $0x2;
	s30 =	sadd.s32 $0x200, s30  }
0xbc: {  	v2 =	vld [tilespmem:s12+$0x11070]  }
0xbd: {  	v3 =	vld [tilespmem:s12+$0x11000]  }
0xbe: {  	v4 =	vld [tilespmem:s12+$0x11010]  }
0xbf: {  	v5 =	vld [tilespmem:s12+$0x11020]  }
0xc0: {  	v6 =	vld [tilespmem:s12+$0x11030]  }
0xc1: {  	v7 =	vld [tilespmem:s12+$0x11050]  }
0xc2: {  	v8 =	vld [tilespmem:s12+$0x11060]  }
0xc3: {  	[tilespmem:s12+$0x9070] =	vst.add.f32.msk $0xffff, v2  }
0xc4: {  	v2 =	vld [tilespmem:s12+$0x11040]  }
0xc5: {  	[tilespmem:s12+$0x9000] =	vst.add.f32.msk $0xffff, v3  }
0xc6: {  	[tilespmem:s12+$0x9010] =	vst.add.f32.msk $0xffff, v4  }
0xc7: {  	[tilespmem:s12+$0x9020] =	vst.add.f32.msk $0xffff, v5  }
0xc8: {  	[tilespmem:s12+$0x9030] =	vst.add.f32.msk $0xffff, v6  }
0xc9: {  	[tilespmem:s12+$0x9050] =	vst.add.f32.msk $0xffff, v7  }
0xca: {  	[tilespmem:s12+$0x9060] =	vst.add.f32.msk $0xffff, v8  }
0xcb: {  	[tilespmem:s12+$0x9040] =	vst.add.f32.msk $0xffff, v2  }
0xcc: {  	v2 =	vld.msk [tilespmem:s25+$0x4080], $0x1;
	_ =	sdelay $0x4  }
0xcd: {  	v3 =	vshll.u32 v2, $0x5  }
0xce: {  	v2 =	vand.u32 $0x7, v2;
	v3 =	vand.u32 $0xFFFFFF00, v3  }
0xcf: {  	v2 =	vor.u32 v2, v3  }
0xd0: {  	v2 =	vperm.xlane v2, v0;
	_ =	sdelay $0x1  }
0xd1: {  	v2 =	vadd.s32 v1, v2;
	_ =	sdelay $0x3  }
0xd2: {  	s0 =	simm.s32 $0x9000  }
0xd3: {  	[hbm4b:s4+s6] =	stream.indirect_vreg.scatter [tilespmem:s0], [sflag:$0x12], $0x80, v2, vm0, $0xb8;
	[tilespmem:$0x18000] =	vst v63  }
0xd4: {  	s2 =	simm.s32 $0x9800;
	s12 =	simm.s32 $0x3  }
0xd5: {  	[hbm4b:s20+s6] =	stream.indirect_vreg.scatter [tilespmem:s2], [sflag:$0x12], $0x80, v2, vm0, $0xb8;
	[tilespmem:$0x18000] =	vst v63  }
0xd6: {  	_ =	swait.ge [sflag:s12], $0x1000  }
0xd7: {  	[sflag:s12] =	ssyncset.done $0x0  }
0xd8: {  	s2 =	simm.s32 $0xB;
	[sflag:s12] =	ssyncadd.s32 $0xFFFFF000  }
0xd9: {  	_ =	swait.ge [sflag:s2], $0x1000  }
0xda: {  	[sflag:s2] =	ssyncset.done $0x0  }
0xdb: {  	s12 =	simm.s32 @!p0 $0x18;
	[sflag:s2] =	ssyncadd.s32 $0xFFFFF000  }
0xdc: {  	_ =	swait.ge @!p0 [sflag:s12], $0x1000  }
0xdd: {  	[sflag:s12] =	ssyncset.done @!p0 $0x0  }
0xde: {  	s8 =	sor.u32 $0xE00, s8;
	[sflag:s12] =	ssyncadd.s32 @!p0 $0xFFFFF000;
	s12 =	rddreg [dreg:$0x11]  }
0xdf: {  	s8 =	sshrl.u32 s8, $0x2;
	s0 =	sadd.s32 s18, s12  }
0xe0: {  	[tilespmem:s31], [sflag:$0x8] =	stream.strided.gather [hbm4b:s0+s28], $0x1000, s29, s28, $0x38;
	[tilespmem:$0x18000] =	vst v63  }
0xe1: {  	v2 =	vld.msk [tilespmem:s8+$0x0], $0x1;
	_ =	sdelay $0x4  }
0xe2: {  	v3 =	vshll.u32 v2, $0x5  }
0xe3: {  	v2 =	vand.u32 $0x7, v2;
	v3 =	vand.u32 $0xFFFFFF00, v3  }
0xe4: {  	v2 =	vor.u32 v2, v3  }
0xe5: {  	v2 =	vperm.xlane v2, v0;
	_ =	sdelay $0x1  }
0xe6: {  	v2 =	vadd.s32 v1, v2;
	_ =	sdelay $0x3  }
0xe7: {  	s2 =	simm.s32 $0x17000;
	s12 =	simm.s32 $0x0  }
0xe8: {  	[tilespmem:s2], [sflag:$0x10] =	stream.indirect_vreg.gather [hbm4b:s3+s12], $0x80, v2, vm0, $0xb8;
	[tilespmem:$0x18000] =	vst v63  }
0xe9: {  	s31 =	simm.s32 $0x17800  }
0xea: {  	[tilespmem:s31], [sflag:$0x10] =	stream.indirect_vreg.gather [hbm4b:s11+s12], $0x80, v2, vm0, $0xb8;
	[tilespmem:$0x18000] =	vst v63  }
0xeb: {  	s30 =	simm.s32 $0x200;
	s12 =	simm.s32 $0x0  }
.LBB2_7:
0xec: {  	p0 =	sne.s32 s30, $0x3E00;
	v2 =	vld [tilespmem:s12+$0x12070]  }
0xed: {  	v3 =	vld [tilespmem:s12+$0x12000]  }
0xee: {  	v4 =	vld [tilespmem:s12+$0x12010]  }
0xef: {  	v5 =	vld [tilespmem:s12+$0x12020]  }
0xf0: {  	v6 =	vld [tilespmem:s12+$0x12030]  }
0xf1: {  	[tilespmem:s12+$0xA070] =	vst.add.f32.msk $0xffff, v2  }
0xf2: {  	v2 =	vld [tilespmem:s12+$0x12040]  }
0xf3: {  	v7 =	vld [tilespmem:s12+$0x12050]  }
0xf4: {  	v8 =	vld [tilespmem:s12+$0x12060]  }
0xf5: {  	[tilespmem:s12+$0xA000] =	vst.add.f32.msk $0xffff, v3  }
0xf6: {  	[tilespmem:s12+$0xA010] =	vst.add.f32.msk $0xffff, v4  }
.Ltmp2:
0xf7: {  	[tilespmem:s12+$0xA020] =	vst.add.f32.msk $0xffff, v5;
	(pc) =	sbr.rel @p0 .LBB2_7-.Ltmp2, $4  }
0xf8: {  	[tilespmem:s12+$0xA030] =	vst.add.f32.msk $0xffff, v6  }
0xf9: {  	[tilespmem:s12+$0xA040] =	vst.add.f32.msk $0xffff, v2  }
0xfa: {  	[tilespmem:s12+$0xA050] =	vst.add.f32.msk $0xffff, v7  }
0xfb: {  	[tilespmem:s12+$0xA060] =	vst.add.f32.msk $0xffff, v8;
	s12 =	sshra.s32 s30, $0x2;
	s30 =	sadd.s32 $0x200, s30  }
0xfc: {  	v2 =	vld [tilespmem:s12+$0x12070]  }
0xfd: {  	v3 =	vld [tilespmem:s12+$0x12000]  }
0xfe: {  	v4 =	vld [tilespmem:s12+$0x12010]  }
0xff: {  	v5 =	vld [tilespmem:s12+$0x12020]  }
0x100: {  	v6 =	vld [tilespmem:s12+$0x12030]  }
0x101: {  	v7 =	vld [tilespmem:s12+$0x12050]  }
0x102: {  	v8 =	vld [tilespmem:s12+$0x12060]  }
0x103: {  	[tilespmem:s12+$0xA070] =	vst.add.f32.msk $0xffff, v2  }
0x104: {  	v2 =	vld [tilespmem:s12+$0x12040]  }
0x105: {  	[tilespmem:s12+$0xA000] =	vst.add.f32.msk $0xffff, v3  }
0x106: {  	[tilespmem:s12+$0xA010] =	vst.add.f32.msk $0xffff, v4  }
0x107: {  	[tilespmem:s12+$0xA020] =	vst.add.f32.msk $0xffff, v5  }
0x108: {  	[tilespmem:s12+$0xA030] =	vst.add.f32.msk $0xffff, v6  }
0x109: {  	[tilespmem:s12+$0xA050] =	vst.add.f32.msk $0xffff, v7  }
0x10a: {  	s0 =	rddreg [dreg:$0x12];
	[tilespmem:s12+$0xA060] =	vst.add.f32.msk $0xffff, v8  }
0x10b: {  	s2 =	simm.s32 $0xA000;
	s0 =	sadd.s32 s18, s0;
	[tilespmem:s12+$0xA040] =	vst.add.f32.msk $0xffff, v2  }
0x10c: {  	[hbm4b:s0+s28] =	stream.strided.scatter [tilespmem:s2], [sflag:$0x13], $0x1000, s29, s28, $0x38;
	[tilespmem:$0x18000] =	vst v63  }
0x10d: {  	s2 =	simm.s32 $0x4  }
0x10e: {  	_ =	swait.ge [sflag:s2], $0x1000  }
0x10f: {  	[sflag:s2] =	ssyncset.done $0x0  }
0x110: {  	s12 =	simm.s32 $0xC;
	[sflag:s2] =	ssyncadd.s32 $0xFFFFF000  }
0x111: {  	_ =	swait.ge [sflag:s12], $0x1000  }
0x112: {  	[sflag:s12] =	ssyncset.done $0x0  }
0x113: {  	p0 =	seq.s32 s24, $0xF;
	s2 =	simm.s32 $0x11;
	[sflag:s12] =	ssyncadd.s32 $0xFFFFF000  }
0x114: {  	s12 =	sadd.s32 @!p0 $0x8, s16;
	_ =	swait.ge [sflag:s2], $0x1000  }
0x115: {  	s31 =	smov.u32 s26;
	s30 =	sadd.s32 @!p0 s5, s12;
	[sflag:s2] =	ssyncset.done $0x0  }
0x116: {  	s0 =	simm.s32 @!p0 $0x80;
	s30 =	sshll.u32 @!p0 s30, $0x9;
	[sflag:s2] =	ssyncadd.s32 $0xFFFFF000  }
0x117: {  	s30 =	sadd.s32 @!p0 s26, s30;
	s2 =	simm.s32 @!p0 $0x400;
	s26 =	simm.s32 @!p0 $0x8000  }
0x118: {  	[tilespmem:s26], [sflag:$0x1] =	stream.strided.gather @!p0 [hbm4b:s30+s0], $0x1000, s2, s0, $0x38;
	[tilespmem:$0x18000] =	vst v63  }
0x119: {  	s0 =	sshll.u32 @!p0 s12, $0x7  }
0x11a: {  	s0 =	sand.u32 @!p0 $0x3FFFFF80, s0  }
0x11b: {  	v2 =	vld.msk @!p0 [tilespmem:s0+$0x0], $0x1;
	_ =	sdelay $0x4  }
0x11c: {  	v3 =	vshll.u32 @!p0 v2, $0x5  }
0x11d: {  	v2 =	vand.u32 @!p0 $0x7, v2;
	v3 =	vand.u32 @!p0 $0xFFFFFF00, v3  }
0x11e: {  	v4 =	vlaneseq.u32 @!p0;
	v2 =	vor.u32 @!p0 v2, v3;
	v3 =	vimm.s32 @!p0 $0x0  }
0x11f: {  	v2 =	vperm.xlane @!p0 v2, v3;
	v3 =	vmul.u32 @!p0 $0x8, v4;
	_ =	sdelay $0x1  }
0x120: {  	v2 =	vadd.s32 @!p0 v3, v2;
	_ =	sdelay $0x3  }
0x121: {  	vm1 =	vmmov @!p0 $0xffff;
	s2 =	simm.s32 @!p0 $0x10000;
	s0 =	simm.s32 @!p0 $0x0  }
0x122: {  	[tilespmem:s2], [sflag:$0x9] =	stream.indirect_vreg.gather @!p0 [hbm4b:s3+s0], $0x80, v2, vm1, $0xb8;
	[tilespmem:$0x18000] =	vst v63  }
0x123: {  	s12 =	simm.s32 $0x0;
	s30 =	simm.s32 $0x200;
	s2 =	simm.s32 @!p0 $0x10800  }
0x124: {  	[tilespmem:s2], [sflag:$0x9] =	stream.indirect_vreg.gather @!p0 [hbm4b:s11+s0], $0x80, v2, vm1, $0xb8;
	[tilespmem:$0x18000] =	vst v63  }
.LBB2_9:
0x125: {  	p1 =	sne.s32 s30, $0x3E00;
	v2 =	vld [tilespmem:s12+$0x13070]  }
0x126: {  	v3 =	vld [tilespmem:s12+$0x13000]  }
0x127: {  	v4 =	vld [tilespmem:s12+$0x13010]  }
0x128: {  	v5 =	vld [tilespmem:s12+$0x13020]  }
0x129: {  	v6 =	vld [tilespmem:s12+$0x13030]  }
0x12a: {  	[tilespmem:s12+$0xB070] =	vst.add.f32.msk $0xffff, v2  }
0x12b: {  	v2 =	vld [tilespmem:s12+$0x13040]  }
0x12c: {  	v7 =	vld [tilespmem:s12+$0x13050]  }
0x12d: {  	v8 =	vld [tilespmem:s12+$0x13060]  }
0x12e: {  	[tilespmem:s12+$0xB000] =	vst.add.f32.msk $0xffff, v3  }
0x12f: {  	[tilespmem:s12+$0xB010] =	vst.add.f32.msk $0xffff, v4  }
.Ltmp3:
0x130: {  	[tilespmem:s12+$0xB020] =	vst.add.f32.msk $0xffff, v5;
	(pc) =	sbr.rel @p1 .LBB2_9-.Ltmp3, $4  }
0x131: {  	[tilespmem:s12+$0xB030] =	vst.add.f32.msk $0xffff, v6  }
0x132: {  	[tilespmem:s12+$0xB040] =	vst.add.f32.msk $0xffff, v2  }
0x133: {  	[tilespmem:s12+$0xB050] =	vst.add.f32.msk $0xffff, v7  }
0x134: {  	[tilespmem:s12+$0xB060] =	vst.add.f32.msk $0xffff, v8;
	s12 =	sshra.s32 s30, $0x2;
	s30 =	sadd.s32 $0x200, s30  }
0x135: {  	v2 =	vld [tilespmem:s12+$0x13070]  }
0x136: {  	v3 =	vld [tilespmem:s12+$0x13000]  }
0x137: {  	v4 =	vld [tilespmem:s12+$0x13010]  }
0x138: {  	v5 =	vld [tilespmem:s12+$0x13020]  }
0x139: {  	v6 =	vld [tilespmem:s12+$0x13030]  }
0x13a: {  	v7 =	vld [tilespmem:s12+$0x13050]  }
0x13b: {  	v8 =	vld [tilespmem:s12+$0x13060]  }
0x13c: {  	[tilespmem:s12+$0xB070] =	vst.add.f32.msk $0xffff, v2  }
0x13d: {  	v2 =	vld [tilespmem:s12+$0x13040]  }
0x13e: {  	[tilespmem:s12+$0xB000] =	vst.add.f32.msk $0xffff, v3  }
0x13f: {  	[tilespmem:s12+$0xB010] =	vst.add.f32.msk $0xffff, v4  }
0x140: {  	[tilespmem:s12+$0xB020] =	vst.add.f32.msk $0xffff, v5  }
0x141: {  	[tilespmem:s12+$0xB030] =	vst.add.f32.msk $0xffff, v6  }
0x142: {  	[tilespmem:s12+$0xB050] =	vst.add.f32.msk $0xffff, v7  }
0x143: {  	[tilespmem:s12+$0xB060] =	vst.add.f32.msk $0xffff, v8  }
0x144: {  	[tilespmem:s12+$0xB040] =	vst.add.f32.msk $0xffff, v2  }
0x145: {  	v2 =	vld.msk [tilespmem:s25+$0x4180], $0x1;
	_ =	sdelay $0x4  }
0x146: {  	v3 =	vshll.u32 v2, $0x5  }
0x147: {  	v2 =	vand.u32 $0x7, v2;
	v3 =	vand.u32 $0xFFFFFF00, v3  }
0x148: {  	v2 =	vor.u32 v2, v3  }
0x149: {  	v2 =	vperm.xlane v2, v0;
	_ =	sdelay $0x1  }
0x14a: {  	v2 =	vadd.s32 v1, v2;
	_ =	sdelay $0x3  }
0x14b: {  	s0 =	simm.s32 $0xB000  }
0x14c: {  	[hbm4b:s4+s6] =	stream.indirect_vreg.scatter [tilespmem:s0], [sflag:$0x14], $0x80, v2, vm0, $0xb8;
	[tilespmem:$0x18000] =	vst v63  }
0x14d: {  	s26 =	simm.s32 $0xB800;
	s30 =	simm.s32 $0x5  }
0x14e: {  	[hbm4b:s20+s6] =	stream.indirect_vreg.scatter [tilespmem:s26], [sflag:$0x14], $0x80, v2, vm0, $0xb8;
	[tilespmem:$0x18000] =	vst v63  }
0x14f: {  	_ =	swait.ge [sflag:s30], $0x1000  }
0x150: {  	[sflag:s30] =	ssyncset.done $0x0  }
0x151: {  	s2 =	simm.s32 $0xD;
	[sflag:s30] =	ssyncadd.s32 $0xFFFFF000  }
0x152: {  	s25 =	simm.s32 @!p0 $0x400;
	_ =	swait.ge [sflag:s2], $0x1000  }
0x153: {  	s0 =	sadd.s32 @!p0 $0x9, s16;
	s26 =	simm.s32 @!p0 $0x9000;
	[sflag:s2] =	ssyncset.done $0x0  }
0x154: {  	[sflag:s2] =	ssyncadd.s32 $0xFFFFF000;
	s2 =	sadd.s32 @!p0 s5, s0;
	s0 =	sshll.u32 @!p0 s0, $0x7  }
0x155: {  	_ =	swait.ge [sflag:s1], $0x1000;
	s2 =	sshll.u32 @!p0 s2, $0x9;
	s0 =	sand.u32 @!p0 $0x3FFFFF80, s0  }
0x156: {  	[sflag:s1] =	ssyncset.done $0x0;
	s2 =	sand.u32 @!p0 $0x3FF000, s2;
	s12 =	rddreg [dreg:$0x7]  }
0x157: {  	[sflag:s1] =	ssyncadd.s32 $0xFFFFF000;
	s2 =	sadd.s32 @!p0 s2, s12;
	s12 =	simm.s32 @!p0 $0x80  }
0x158: {  	[tilespmem:s26], [sflag:$0x2] =	stream.strided.gather @!p0 [hbm4b:s2+s12], $0x1000, s25, s12, $0x38;
	[tilespmem:$0x18000] =	vst v63  }
0x159: {  	v2 =	vld.msk @!p0 [tilespmem:s0+$0x0], $0x1;
	_ =	sdelay $0x4  }
0x15a: {  	v3 =	vshll.u32 @!p0 v2, $0x5  }
0x15b: {  	v2 =	vand.u32 @!p0 $0x7, v2;
	v3 =	vand.u32 @!p0 $0xFFFFFF00, v3  }
0x15c: {  	v4 =	vlaneseq.u32 @!p0;
	v2 =	vor.u32 @!p0 v2, v3;
	v3 =	vimm.s32 @!p0 $0x0  }
0x15d: {  	v2 =	vperm.xlane @!p0 v2, v3;
	v3 =	vmul.u32 @!p0 $0x8, v4;
	_ =	sdelay $0x1  }
0x15e: {  	v2 =	vadd.s32 @!p0 v3, v2;
	_ =	sdelay $0x3  }
0x15f: {  	s2 =	simm.s32 @!p0 $0x11000;
	s0 =	simm.s32 @!p0 $0x0  }
0x160: {  	[tilespmem:s2], [sflag:$0xA] =	stream.indirect_vreg.gather @!p0 [hbm4b:s3+s0], $0x80, v2, vm1, $0xb8;
	[tilespmem:$0x18000] =	vst v63  }
0x161: {  	s12 =	simm.s32 $0x0;
	s25 =	simm.s32 $0x200;
	s2 =	simm.s32 @!p0 $0x11800  }
0x162: {  	[tilespmem:s2], [sflag:$0xA] =	stream.indirect_vreg.gather @!p0 [hbm4b:s11+s0], $0x80, v2, vm1, $0xb8;
	[tilespmem:$0x18000] =	vst v63  }
.LBB2_11:
0x163: {  	p1 =	sne.s32 s25, $0x3E00;
	v2 =	vld [tilespmem:s12+$0x14070]  }
0x164: {  	v3 =	vld [tilespmem:s12+$0x14000]  }
0x165: {  	v4 =	vld [tilespmem:s12+$0x14010]  }
0x166: {  	v5 =	vld [tilespmem:s12+$0x14020]  }
0x167: {  	v6 =	vld [tilespmem:s12+$0x14030]  }
0x168: {  	[tilespmem:s12+$0xC070] =	vst.add.f32.msk $0xffff, v2  }
0x169: {  	v2 =	vld [tilespmem:s12+$0x14040]  }
0x16a: {  	v7 =	vld [tilespmem:s12+$0x14050]  }
0x16b: {  	v8 =	vld [tilespmem:s12+$0x14060]  }
0x16c: {  	[tilespmem:s12+$0xC000] =	vst.add.f32.msk $0xffff, v3  }
0x16d: {  	[tilespmem:s12+$0xC010] =	vst.add.f32.msk $0xffff, v4  }
.Ltmp4:
0x16e: {  	[tilespmem:s12+$0xC020] =	vst.add.f32.msk $0xffff, v5;
	(pc) =	sbr.rel @p1 .LBB2_11-.Ltmp4, $4  }
0x16f: {  	[tilespmem:s12+$0xC030] =	vst.add.f32.msk $0xffff, v6  }
0x170: {  	[tilespmem:s12+$0xC040] =	vst.add.f32.msk $0xffff, v2  }
0x171: {  	[tilespmem:s12+$0xC050] =	vst.add.f32.msk $0xffff, v7  }
0x172: {  	[tilespmem:s12+$0xC060] =	vst.add.f32.msk $0xffff, v8;
	s12 =	sshra.s32 s25, $0x2;
	s25 =	sadd.s32 $0x200, s25  }
0x173: {  	v2 =	vld [tilespmem:s12+$0x14070]  }
0x174: {  	v3 =	vld [tilespmem:s12+$0x14000]  }
0x175: {  	v4 =	vld [tilespmem:s12+$0x14010]  }
0x176: {  	v5 =	vld [tilespmem:s12+$0x14020]  }
0x177: {  	v6 =	vld [tilespmem:s12+$0x14030]  }
0x178: {  	v7 =	vld [tilespmem:s12+$0x14050]  }
0x179: {  	v8 =	vld [tilespmem:s12+$0x14060]  }
0x17a: {  	[tilespmem:s12+$0xC070] =	vst.add.f32.msk $0xffff, v2  }
0x17b: {  	v2 =	vld [tilespmem:s12+$0x14040]  }
0x17c: {  	[tilespmem:s12+$0xC000] =	vst.add.f32.msk $0xffff, v3  }
0x17d: {  	[tilespmem:s12+$0xC010] =	vst.add.f32.msk $0xffff, v4  }
0x17e: {  	[tilespmem:s12+$0xC020] =	vst.add.f32.msk $0xffff, v5  }
0x17f: {  	[tilespmem:s12+$0xC030] =	vst.add.f32.msk $0xffff, v6  }
0x180: {  	[tilespmem:s12+$0xC050] =	vst.add.f32.msk $0xffff, v7  }
0x181: {  	s0 =	rddreg [dreg:$0x13];
	[tilespmem:s12+$0xC060] =	vst.add.f32.msk $0xffff, v8  }
0x182: {  	s2 =	simm.s32 $0xC000;
	s0 =	sadd.s32 s18, s0;
	[tilespmem:s12+$0xC040] =	vst.add.f32.msk $0xffff, v2  }
0x183: {  	[hbm4b:s0+s28] =	stream.strided.scatter [tilespmem:s2], [sflag:$0x15], $0x1000, s29, s28, $0x38;
	[tilespmem:$0x18000] =	vst v63  }
0x184: {  	_ =	swait.ge [sflag:s9], $0x1000  }
0x185: {  	[sflag:s9] =	ssyncset.done $0x0  }
0x186: {  	[sflag:s9] =	ssyncadd.s32 $0xFFFFF000  }
0x187: {  	s25 =	simm.s32 @!p0 $0xA000;
	_ =	swait.ge [sflag:s13], $0x1000  }
0x188: {  	s18 =	simm.s32 @!p0 $0x400;
	s0 =	sadd.s32 @!p0 $0xA, s16;
	[sflag:s13] =	ssyncset.done $0x0  }
0x189: {  	s2 =	sadd.s32 @!p0 s5, s0;
	s0 =	sshll.u32 @!p0 s0, $0x7;
	[sflag:s13] =	ssyncadd.s32 $0xFFFFF000  }
0x18a: {  	s2 =	sshll.u32 @!p0 s2, $0x9;
	s0 =	sand.u32 @!p0 $0x3FFFFF80, s0;
	_ =	swait.ge [sflag:s14], $0x1000  }
0x18b: {  	s2 =	sand.u32 @!p0 $0x3FF000, s2;
	[sflag:s14] =	ssyncset.done $0x0;
	s12 =	rddreg [dreg:$0xa]  }
0x18c: {  	[sflag:s14] =	ssyncadd.s32 $0xFFFFF000;
	s2 =	sadd.s32 @!p0 s2, s12;
	s12 =	simm.s32 @!p0 $0x80  }
0x18d: {  	[tilespmem:s25], [sflag:$0x3] =	stream.strided.gather @!p0 [hbm4b:s2+s12], $0x1000, s18, s12, $0x38;
	[tilespmem:$0x18000] =	vst v63  }
0x18e: {  	v2 =	vld.msk @!p0 [tilespmem:s0+$0x0], $0x1;
	_ =	sdelay $0x4  }
0x18f: {  	v3 =	vshll.u32 @!p0 v2, $0x5  }
0x190: {  	v2 =	vand.u32 @!p0 $0x7, v2;
	v3 =	vand.u32 @!p0 $0xFFFFFF00, v3  }
0x191: {  	v4 =	vlaneseq.u32 @!p0;
	v2 =	vor.u32 @!p0 v2, v3;
	v3 =	vimm.s32 @!p0 $0x0  }
0x192: {  	v2 =	vperm.xlane @!p0 v2, v3;
	v3 =	vmul.u32 @!p0 $0x8, v4;
	_ =	sdelay $0x1  }
0x193: {  	v2 =	vadd.s32 @!p0 v3, v2;
	_ =	sdelay $0x2  }
0x194: {  	s26 =	smov.u32 s31  }
0x195: {  	s30 =	simm.s32 $0xE000;
	s2 =	simm.s32 @!p0 $0x12000;
	s0 =	simm.s32 @!p0 $0x0  }
0x196: {  	[tilespmem:s2], [sflag:$0xB] =	stream.indirect_vreg.gather @!p0 [hbm4b:s3+s0], $0x80, v2, vm1, $0xb8;
	[tilespmem:$0x18000] =	vst v63  }
0x197: {  	s12 =	simm.s32 $0x0;
	s18 =	simm.s32 $0x200;
	s2 =	simm.s32 @!p0 $0x12800  }
0x198: {  	[tilespmem:s2], [sflag:$0xB] =	stream.indirect_vreg.gather @!p0 [hbm4b:s11+s0], $0x80, v2, vm1, $0xb8;
	[tilespmem:$0x18000] =	vst v63  }
.LBB2_13:
0x199: {  	p1 =	sne.s32 s18, $0x3E00;
	v2 =	vld [tilespmem:s12+$0x15070]  }
0x19a: {  	v3 =	vld [tilespmem:s12+$0x15000]  }
0x19b: {  	v4 =	vld [tilespmem:s12+$0x15010]  }
0x19c: {  	v5 =	vld [tilespmem:s12+$0x15020]  }
0x19d: {  	v6 =	vld [tilespmem:s12+$0x15030]  }
0x19e: {  	[tilespmem:s12+$0xD070] =	vst.add.f32.msk $0xffff, v2  }
0x19f: {  	v2 =	vld [tilespmem:s12+$0x15040]  }
0x1a0: {  	v7 =	vld [tilespmem:s12+$0x15050]  }
0x1a1: {  	v8 =	vld [tilespmem:s12+$0x15060]  }
0x1a2: {  	[tilespmem:s12+$0xD000] =	vst.add.f32.msk $0xffff, v3  }
0x1a3: {  	[tilespmem:s12+$0xD010] =	vst.add.f32.msk $0xffff, v4  }
.Ltmp5:
0x1a4: {  	[tilespmem:s12+$0xD020] =	vst.add.f32.msk $0xffff, v5;
	(pc) =	sbr.rel @p1 .LBB2_13-.Ltmp5, $4  }
0x1a5: {  	[tilespmem:s12+$0xD030] =	vst.add.f32.msk $0xffff, v6  }
0x1a6: {  	[tilespmem:s12+$0xD040] =	vst.add.f32.msk $0xffff, v2  }
0x1a7: {  	[tilespmem:s12+$0xD050] =	vst.add.f32.msk $0xffff, v7  }
0x1a8: {  	[tilespmem:s12+$0xD060] =	vst.add.f32.msk $0xffff, v8;
	s12 =	sshra.s32 s18, $0x2;
	s18 =	sadd.s32 $0x200, s18  }
0x1a9: {  	v2 =	vld [tilespmem:s12+$0x15070]  }
0x1aa: {  	v3 =	vld [tilespmem:s12+$0x15000]  }
0x1ab: {  	v4 =	vld [tilespmem:s12+$0x15010]  }
0x1ac: {  	v5 =	vld [tilespmem:s12+$0x15020]  }
0x1ad: {  	v6 =	vld [tilespmem:s12+$0x15030]  }
0x1ae: {  	v7 =	vld [tilespmem:s12+$0x15050]  }
0x1af: {  	v8 =	vld [tilespmem:s12+$0x15060]  }
0x1b0: {  	[tilespmem:s12+$0xD070] =	vst.add.f32.msk $0xffff, v2  }
0x1b1: {  	v2 =	vld [tilespmem:s12+$0x15040]  }
0x1b2: {  	[tilespmem:s12+$0xD000] =	vst.add.f32.msk $0xffff, v3  }
0x1b3: {  	[tilespmem:s12+$0xD010] =	vst.add.f32.msk $0xffff, v4  }
0x1b4: {  	[tilespmem:s12+$0xD020] =	vst.add.f32.msk $0xffff, v5  }
0x1b5: {  	[tilespmem:s12+$0xD030] =	vst.add.f32.msk $0xffff, v6  }
0x1b6: {  	[tilespmem:s12+$0xD050] =	vst.add.f32.msk $0xffff, v7  }
0x1b7: {  	[tilespmem:s12+$0xD060] =	vst.add.f32.msk $0xffff, v8  }
0x1b8: {  	[tilespmem:s12+$0xD040] =	vst.add.f32.msk $0xffff, v2  }
0x1b9: {  	v2 =	vld.msk [tilespmem:s17+$0x4000], $0x1;
	_ =	sdelay $0x4  }
0x1ba: {  	v3 =	vshll.u32 v2, $0x5  }
0x1bb: {  	v2 =	vand.u32 $0x7, v2;
	v3 =	vand.u32 $0xFFFFFF00, v3  }
0x1bc: {  	v2 =	vor.u32 v2, v3  }
0x1bd: {  	v2 =	vperm.xlane v2, v0;
	_ =	sdelay $0x1  }
0x1be: {  	v2 =	vadd.s32 v1, v2;
	_ =	sdelay $0x3  }
0x1bf: {  	s25 =	simm.s32 $0xD000  }
0x1c0: {  	[hbm4b:s4+s6] =	stream.indirect_vreg.scatter [tilespmem:s25], [sflag:$0x16], $0x80, v2, vm0, $0xb8;
	[tilespmem:$0x18000] =	vst v63  }
0x1c1: {  	s0 =	simm.s32 $0xD800  }
0x1c2: {  	[hbm4b:s20+s6] =	stream.indirect_vreg.scatter [tilespmem:s0], [sflag:$0x16], $0x80, v2, vm0, $0xb8;
	[tilespmem:$0x18000] =	vst v63  }
0x1c3: {  	_ =	swait.ge [sflag:s15], $0x1000  }
0x1c4: {  	[sflag:s15] =	ssyncset.done $0x0  }
0x1c5: {  	[sflag:s15] =	ssyncadd.s32 $0xFFFFF000  }
0x1c6: {  	s18 =	simm.s32 @!p0 $0xB000;
	_ =	swait.ge [sflag:s19], $0x1000  }
0x1c7: {  	s17 =	simm.s32 @!p0 $0x400;
	s0 =	sadd.s32 @!p0 $0xB, s16;
	[sflag:s19] =	ssyncset.done $0x0  }
0x1c8: {  	s2 =	sadd.s32 @!p0 s5, s0;
	s0 =	sshll.u32 @!p0 s0, $0x7;
	[sflag:s19] =	ssyncadd.s32 $0xFFFFF000  }
0x1c9: {  	s2 =	sshll.u32 @!p0 s2, $0x9;
	s0 =	sand.u32 @!p0 $0x3FFFFF80, s0;
	_ =	swait.ge [sflag:s21], $0x1000  }
0x1ca: {  	s2 =	sand.u32 @!p0 $0x3FF000, s2;
	[sflag:s21] =	ssyncset.done $0x0;
	s12 =	rddreg [dreg:$0xb]  }
0x1cb: {  	[sflag:s21] =	ssyncadd.s32 $0xFFFFF000;
	s2 =	sadd.s32 @!p0 s2, s12;
	s12 =	simm.s32 @!p0 $0x80  }
0x1cc: {  	[tilespmem:s18], [sflag:$0x4] =	stream.strided.gather @!p0 [hbm4b:s2+s12], $0x1000, s17, s12, $0x38;
	[tilespmem:$0x18000] =	vst v63  }
0x1cd: {  	v2 =	vld.msk @!p0 [tilespmem:s0+$0x0], $0x1;
	_ =	sdelay $0x4  }
0x1ce: {  	v3 =	vshll.u32 @!p0 v2, $0x5  }
0x1cf: {  	v2 =	vand.u32 @!p0 $0x7, v2;
	v3 =	vand.u32 @!p0 $0xFFFFFF00, v3  }
0x1d0: {  	v4 =	vlaneseq.u32 @!p0;
	v2 =	vor.u32 @!p0 v2, v3;
	v3 =	vimm.s32 @!p0 $0x0  }
0x1d1: {  	v2 =	vperm.xlane @!p0 v2, v3;
	v3 =	vmul.u32 @!p0 $0x8, v4;
	_ =	sdelay $0x1  }
0x1d2: {  	v2 =	vadd.s32 @!p0 v3, v2;
	_ =	sdelay $0x3  }
0x1d3: {  	s31 =	simm.s32 $0xF000;
	s2 =	simm.s32 @!p0 $0x13000;
	s0 =	simm.s32 @!p0 $0x0  }
0x1d4: {  	[tilespmem:s2], [sflag:$0xC] =	stream.indirect_vreg.gather @!p0 [hbm4b:s3+s0], $0x80, v2, vm1, $0xb8;
	[tilespmem:$0x18000] =	vst v63  }
0x1d5: {  	s12 =	simm.s32 $0x0;
	s17 =	simm.s32 $0x200;
	s2 =	simm.s32 @!p0 $0x13800  }
0x1d6: {  	[tilespmem:s2], [sflag:$0xC] =	stream.indirect_vreg.gather @!p0 [hbm4b:s11+s0], $0x80, v2, vm1, $0xb8;
	[tilespmem:$0x18000] =	vst v63  }
.LBB2_15:
0x1d7: {  	p1 =	sne.s32 s17, $0x3E00;
	v2 =	vld [tilespmem:s12+$0x16070]  }
0x1d8: {  	v3 =	vld [tilespmem:s12+$0x16000]  }
0x1d9: {  	v4 =	vld [tilespmem:s12+$0x16010]  }
0x1da: {  	v5 =	vld [tilespmem:s12+$0x16020]  }
0x1db: {  	v6 =	vld [tilespmem:s12+$0x16030]  }
0x1dc: {  	[tilespmem:s12+$0xE070] =	vst.add.f32.msk $0xffff, v2  }
0x1dd: {  	v2 =	vld [tilespmem:s12+$0x16040]  }
0x1de: {  	v7 =	vld [tilespmem:s12+$0x16050]  }
0x1df: {  	v8 =	vld [tilespmem:s12+$0x16060]  }
0x1e0: {  	[tilespmem:s12+$0xE000] =	vst.add.f32.msk $0xffff, v3  }
0x1e1: {  	[tilespmem:s12+$0xE010] =	vst.add.f32.msk $0xffff, v4  }
.Ltmp6:
0x1e2: {  	[tilespmem:s12+$0xE020] =	vst.add.f32.msk $0xffff, v5;
	(pc) =	sbr.rel @p1 .LBB2_15-.Ltmp6, $4  }
0x1e3: {  	[tilespmem:s12+$0xE030] =	vst.add.f32.msk $0xffff, v6  }
0x1e4: {  	[tilespmem:s12+$0xE040] =	vst.add.f32.msk $0xffff, v2  }
0x1e5: {  	[tilespmem:s12+$0xE050] =	vst.add.f32.msk $0xffff, v7  }
0x1e6: {  	[tilespmem:s12+$0xE060] =	vst.add.f32.msk $0xffff, v8;
	s12 =	sshra.s32 s17, $0x2;
	s17 =	sadd.s32 $0x200, s17  }
0x1e7: {  	v2 =	vld [tilespmem:s12+$0x16070]  }
0x1e8: {  	v3 =	vld [tilespmem:s12+$0x16000]  }
0x1e9: {  	v4 =	vld [tilespmem:s12+$0x16010]  }
0x1ea: {  	v5 =	vld [tilespmem:s12+$0x16020]  }
0x1eb: {  	v6 =	vld [tilespmem:s12+$0x16030]  }
0x1ec: {  	v7 =	vld [tilespmem:s12+$0x16050]  }
0x1ed: {  	v8 =	vld [tilespmem:s12+$0x16060]  }
0x1ee: {  	[tilespmem:s12+$0xE070] =	vst.add.f32.msk $0xffff, v2  }
0x1ef: {  	v2 =	vld [tilespmem:s12+$0x16040]  }
0x1f0: {  	[tilespmem:s12+$0xE000] =	vst.add.f32.msk $0xffff, v3  }
0x1f1: {  	[tilespmem:s12+$0xE010] =	vst.add.f32.msk $0xffff, v4  }
0x1f2: {  	[tilespmem:s12+$0xE020] =	vst.add.f32.msk $0xffff, v5  }
0x1f3: {  	[tilespmem:s12+$0xE030] =	vst.add.f32.msk $0xffff, v6  }
0x1f4: {  	[tilespmem:s12+$0xE050] =	vst.add.f32.msk $0xffff, v7  }
0x1f5: {  	[tilespmem:s12+$0xE060] =	vst.add.f32.msk $0xffff, v8  }
0x1f6: {  	s0 =	sadd.s32 s4, s7;
	[tilespmem:s12+$0xE040] =	vst.add.f32.msk $0xffff, v2  }
0x1f7: {  	[hbm4b:s0+s28] =	stream.strided.scatter [tilespmem:s30], [sflag:$0x17], $0x1000, s29, s28, $0x38;
	[tilespmem:$0x18000] =	vst v63  }
0x1f8: {  	_ =	swait.ge [sflag:s22], $0x1000  }
0x1f9: {  	[sflag:s22] =	ssyncset.done $0x0  }
0x1fa: {  	[sflag:s22] =	ssyncadd.s32 $0xFFFFF000  }
0x1fb: {  	s12 =	simm.s32 @!p0 $0x400;
	_ =	swait.ge [sflag:s23], $0x1000  }
0x1fc: {  	s0 =	sadd.s32 @!p0 $0xC, s16;
	s16 =	simm.s32 @!p0 $0xC000;
	[sflag:s23] =	ssyncset.done $0x0  }
0x1fd: {  	s2 =	sadd.s32 @!p0 s5, s0;
	s0 =	sshll.u32 @!p0 s0, $0x7;
	[sflag:s23] =	ssyncadd.s32 $0xFFFFF000  }
0x1fe: {  	s2 =	sshll.u32 @!p0 s2, $0x9;
	s0 =	sand.u32 @!p0 $0x3FFFFF80, s0;
	_ =	swait.ge [sflag:s10], $0x1000  }
0x1ff: {  	s2 =	sand.u32 @!p0 $0x3FF000, s2;
	[sflag:s10] =	ssyncset.done $0x0;
	s7 =	rddreg [dreg:$0xc]  }
0x200: {  	[sflag:s10] =	ssyncadd.s32 $0xFFFFF000;
	s2 =	sadd.s32 @!p0 s2, s7;
	s7 =	simm.s32 @!p0 $0x80  }
0x201: {  	[tilespmem:s16], [sflag:$0x5] =	stream.strided.gather @!p0 [hbm4b:s2+s7], $0x1000, s12, s7, $0x38;
	[tilespmem:$0x18000] =	vst v63  }
0x202: {  	v2 =	vld.msk @!p0 [tilespmem:s0+$0x0], $0x1;
	_ =	sdelay $0x4  }
0x203: {  	v3 =	vshll.u32 @!p0 v2, $0x5  }
0x204: {  	v2 =	vand.u32 @!p0 $0x7, v2;
	v3 =	vand.u32 @!p0 $0xFFFFFF00, v3  }
0x205: {  	v4 =	vlaneseq.u32 @!p0;
	v2 =	vor.u32 @!p0 v2, v3;
	v3 =	vimm.s32 @!p0 $0x0  }
0x206: {  	v2 =	vperm.xlane @!p0 v2, v3;
	v3 =	vmul.u32 @!p0 $0x8, v4;
	_ =	sdelay $0x1  }
0x207: {  	v2 =	vadd.s32 @!p0 v3, v2;
	_ =	sdelay $0x3  }
0x208: {  	s2 =	simm.s32 @!p0 $0x14000;
	s0 =	simm.s32 @!p0 $0x0  }
0x209: {  	[tilespmem:s2], [sflag:$0xD] =	stream.indirect_vreg.gather @!p0 [hbm4b:s3+s0], $0x80, v2, vm1, $0xb8;
	[tilespmem:$0x18000] =	vst v63  }
0x20a: {  	s7 =	simm.s32 $0x0;
	s12 =	simm.s32 $0x200;
	s2 =	simm.s32 @!p0 $0x14800  }
0x20b: {  	[tilespmem:s2], [sflag:$0xD] =	stream.indirect_vreg.gather @!p0 [hbm4b:s11+s0], $0x80, v2, vm1, $0xb8;
	[tilespmem:$0x18000] =	vst v63  }
.LBB2_17:
0x20c: {  	p0 =	sne.s32 s12, $0x3E00;
	v2 =	vld [tilespmem:s7+$0x17070]  }
0x20d: {  	v3 =	vld [tilespmem:s7+$0x17000]  }
0x20e: {  	v4 =	vld [tilespmem:s7+$0x17010]  }
0x20f: {  	v5 =	vld [tilespmem:s7+$0x17020]  }
0x210: {  	v6 =	vld [tilespmem:s7+$0x17030]  }
0x211: {  	[tilespmem:s7+$0xF070] =	vst.add.f32.msk $0xffff, v2  }
0x212: {  	v2 =	vld [tilespmem:s7+$0x17040]  }
0x213: {  	v7 =	vld [tilespmem:s7+$0x17050]  }
0x214: {  	v8 =	vld [tilespmem:s7+$0x17060]  }
0x215: {  	[tilespmem:s7+$0xF000] =	vst.add.f32.msk $0xffff, v3  }
0x216: {  	[tilespmem:s7+$0xF010] =	vst.add.f32.msk $0xffff, v4  }
.Ltmp7:
0x217: {  	[tilespmem:s7+$0xF020] =	vst.add.f32.msk $0xffff, v5;
	(pc) =	sbr.rel @p0 .LBB2_17-.Ltmp7, $4  }
0x218: {  	[tilespmem:s7+$0xF030] =	vst.add.f32.msk $0xffff, v6  }
0x219: {  	[tilespmem:s7+$0xF040] =	vst.add.f32.msk $0xffff, v2  }
0x21a: {  	[tilespmem:s7+$0xF050] =	vst.add.f32.msk $0xffff, v7  }
0x21b: {  	[tilespmem:s7+$0xF060] =	vst.add.f32.msk $0xffff, v8;
	s7 =	sshra.s32 s12, $0x2;
	s12 =	sadd.s32 $0x200, s12  }
0x21c: {  	v2 =	vld [tilespmem:s7+$0x17070]  }
0x21d: {  	v3 =	vld [tilespmem:s7+$0x17000]  }
0x21e: {  	v4 =	vld [tilespmem:s7+$0x17010]  }
0x21f: {  	v5 =	vld [tilespmem:s7+$0x17020]  }
0x220: {  	v6 =	vld [tilespmem:s7+$0x17030]  }
0x221: {  	v7 =	vld [tilespmem:s7+$0x17050]  }
0x222: {  	v8 =	vld [tilespmem:s7+$0x17060]  }
0x223: {  	[tilespmem:s7+$0xF070] =	vst.add.f32.msk $0xffff, v2  }
0x224: {  	v2 =	vld [tilespmem:s7+$0x17040]  }
0x225: {  	[tilespmem:s7+$0xF000] =	vst.add.f32.msk $0xffff, v3  }
0x226: {  	[tilespmem:s7+$0xF010] =	vst.add.f32.msk $0xffff, v4  }
0x227: {  	[tilespmem:s7+$0xF020] =	vst.add.f32.msk $0xffff, v5  }
0x228: {  	[tilespmem:s7+$0xF030] =	vst.add.f32.msk $0xffff, v6  }
0x229: {  	[tilespmem:s7+$0xF050] =	vst.add.f32.msk $0xffff, v7  }
0x22a: {  	[tilespmem:s7+$0xF060] =	vst.add.f32.msk $0xffff, v8  }
0x22b: {  	[tilespmem:s7+$0xF040] =	vst.add.f32.msk $0xffff, v2  }
0x22c: {  	v2 =	vld.msk [tilespmem:s8+$0x4000], $0x1;
	_ =	sdelay $0x4  }
0x22d: {  	v3 =	vshll.u32 v2, $0x5  }
0x22e: {  	v2 =	vand.u32 $0x7, v2;
	v3 =	vand.u32 $0xFFFFFF00, v3  }
0x22f: {  	v2 =	vor.u32 v2, v3  }
0x230: {  	v2 =	vperm.xlane v2, v0;
	_ =	sdelay $0x1  }
0x231: {  	v2 =	vadd.s32 v1, v2  }
0x232: {  	s24 =	sadd.s32 $0x1, s24  }
0x233: {  	p0 =	sne.s32 s24, $0x10  }
.Ltmp8:
0x234: {  	_ = 	snop;
	(pc) =	sbr.rel @p0 .LBB2_2-.Ltmp8, $4  }
0x235: {  	_ = 	snop  }
0x236: {  	[hbm4b:s4+s6] =	stream.indirect_vreg.scatter [tilespmem:s31], [sflag:$0x18], $0x80, v2, vm0, $0xb8;
	[tilespmem:$0x18000] =	vst v63  }
0x237: {  	s0 =	simm.s32 $0xF800  }
0x238: {  	[hbm4b:s20+s6] =	stream.indirect_vreg.scatter [tilespmem:s0], [sflag:$0x18], $0x80, v2, vm0, $0xb8;
	[tilespmem:$0x18000] =	vst v63  }
0x239: {  	s0 =	simm.s32 $0x16  }
0x23a: {  	_ =	swait.ge [sflag:s0], $0x1000  }
0x23b: {  	[sflag:s0] =	ssyncset.done $0x0  }
0x23c: {  	s18 =	simm.s32 $0x17;
	[sflag:s0] =	ssyncadd.s32 $0xFFFFF000  }
0x23d: {  	_ =	swait.ge [sflag:s18], $0x1000  }
0x23e: {  	[sflag:s18] =	ssyncset.done $0x0  }
0x23f: {  	s2 =	simm.s32 $0x18;
	[sflag:s18] =	ssyncadd.s32 $0xFFFFF000  }
0x240: {  	_ =	swait.ge [sflag:s2], $0x1000  }
0x241: {  	s7 =	rddreg [dreg:$0x15]  }
0x242: {  	s24 =	rddreg [dreg:$0x14];
	s7 =	sadd.s32 $0x1, s7  }
0x243: {  	p0 =	sne.s32 s7, s24  }
.Ltmp9:
0x244: {  	_ = 	snop;
	(pc) =	sbr.rel @p0 .LBB2_1-.Ltmp9, $3  }
0x245: {  	_ =	sdelay $0x1  }
0x246: {  	[sflag:s2] =	ssyncset.done $0x0  }
0x247: {  	[sflag:s2] =	ssyncadd.s32 $0xFFFFF000  }
0x248: {  	_ =	sfence.sel $0x180000  }
0x249: {  	[bflag:$0x0] =	sbarrier.arrive $0xFFFF  }
0x24a: {  	_ =	strace $0x90000047  }
0x24b: {  	s0 =	stileid.u32;
	[bflag:$0x2] =	sbarrier.arrive $0xFFFF  }
0x24c: {  	p0 =	sne.s32 s0, $0x0;
	s0 =	rddreg [dreg:$0x4]  }
0x24d: {  	s0 =	sadd.s32 @!p0 $0x100000, s0  }
0x24e: {  	[sflag:s0] =	ssyncadd.tile.s32 @!p0 $0x1;
	_ =	shalt  }
.Lfunc_end2:
_tile_overlayer_lowered:
.L_overlay_start_2:
0x24f: {  	(tag) =	ssettag $0x2  }
0x250: {  	s0 =	rddreg [dreg:$0x0];
	s2 =	stileid.u32  }
0x251: {  	s1 =	rddreg [dreg:$0x1];
	p0 =	sne.s32 s2, $0x0  }
0x252: {  	s3 =	rddreg [dreg:$0x2];
	[bflag:$0x3] =	sbarrier.arrive $0xFFFF;
	s2 =	simm.s32 @!p0 $0x1C19  }
0x253: {  	[timem:s3], [sflag:s2] =	dma.local @!p0 [hbm:s0], s1  }
0x254: {  	s0 =	simm.s32 @!p0 $0x19  }
0x255: {  	_ =	swait.ge @!p0 [sflag:s0], s1  }
0x256: {  	s1 =	ssub.s32 @!p0 $0x0, s1;
	[sflag:s0] =	ssyncset.done @!p0 $0x0  }
0x257: {  	[sflag:s0] =	ssyncadd.s32 @!p0 s1  }
0x258: {  	[bflag:$0x3] =	sbarrier.arrive $0xFFFF  }
0x259: {  	_ =	shalt  }

</sc_bundles>
